<compile_context>
chip_gen: v7x
topology: tpu7x:2x2x1
jax: 0.10.2.dev20260603
libtpu: 0.0.44.dev20260713+nightly
codegen_flags: <defaults>
</compile_context>

<pallas_src>
import jax
import jax.numpy as jnp
from jax import lax
from jax.experimental import pallas as pl
from jax.experimental.pallas import tpu as pltpu
from jax.experimental.pallas import tpu_sc as plsc

_B, _K, _S, _P = 1024, 1024, 32, 16
_NC, _NS = 2, 16
_NWORK = _NC * _NS
_RPW = _B // _NWORK
_L = 16
_NCH = _K // _L
_EPS = 1e-10


def _prep_body(lw_ref, prop_ref):
    lw = lw_ref[...]
    w = jax.nn.softmax(lw, axis=-1)
    prop_ref[...] = 0.5 * w + jnp.float32(0.5 / _K)


def _scan_body(y_ref, o_ref):
    wdt = y_ref.shape[1]
    o_ref[0, :] = y_ref[0, :]
    for p in range(1, 128):
        o_ref[p, :] = o_ref[p - 1, :] + y_ref[p, :]
    s = o_ref[127, :][None, :]
    lane = lax.broadcasted_iota(jnp.int32, (1, wdt), 1)
    g = lane & 7
    z1 = jnp.zeros((1, 1), jnp.float32)
    off = jnp.zeros((1, wdt), jnp.float32)
    for b in range(1, 8):
        off_sh = jnp.concatenate([z1, off[:, :-1]], axis=1)
        s_sh = jnp.concatenate([z1, s[:, :-1]], axis=1)
        off = jnp.where(g == b, off_sh + s_sh, off)
    o_ref[...] = o_ref[...] + off


def _prep(log_weights):
    blk = 128
    prop = pl.pallas_call(
        _prep_body,
        grid=(_B // blk,),
        in_specs=[pl.BlockSpec((blk, _K), lambda i: (i, 0))],
        out_specs=pl.BlockSpec((blk, _K), lambda i: (i, 0)),
        out_shape=jax.ShapeDtypeStruct((_B, _K), jnp.float32),
    )(log_weights)
    y = prop.reshape(_B, 8, 128).transpose(2, 0, 1).reshape(128, _B * 8)
    wblk = 512
    yc = pl.pallas_call(
        _scan_body,
        grid=(_B * 8 // wblk,),
        in_specs=[pl.BlockSpec((128, wblk), lambda i: (0, i))],
        out_specs=pl.BlockSpec((128, wblk), lambda i: (0, i)),
        out_shape=jax.ShapeDtypeStruct((128, _B * 8), jnp.float32),
    )(y)
    return yc.reshape(128, _B, 8).transpose(1, 2, 0).reshape(_B, _K)


def _fin_body(nw_ref, out_ref):
    l = jnp.log(nw_ref[...] + _EPS)
    mx = jnp.max(l, axis=-1, keepdims=True)
    lse = mx + jnp.log(jnp.sum(jnp.exp(l - mx), axis=-1, keepdims=True))
    out_ref[...] = l - lse


def _finish(nw):
    blk = 128
    return pl.pallas_call(
        _fin_body,
        grid=(_B // blk,),
        in_specs=[pl.BlockSpec((blk, _K), lambda i: (i, 0))],
        out_specs=pl.BlockSpec((blk, _K), lambda i: (i, 0)),
        out_shape=jax.ShapeDtypeStruct((_B, _K), jnp.float32),
    )(nw)


def _splat(x):
    return jnp.full((_L,), x, jnp.int32)


def _sc_body(c_hbm, p_hbm, state_hbm, param_hbm,
             out_s, out_p, out_nw,
             c_blk, p_blk, nw_blk, hist, idx_s,
             sslab, pslab, oslab_s, oslab_p,
             sem_in, sem_out):
    wid = lax.axis_index("s") * _NC + lax.axis_index("c")

    def zero_body(i, _):
        hist[pl.ds(i * _L, _L)] = jnp.zeros((_L,), jnp.int32)
        return 0

    lax.fori_loop(0, _NCH, zero_body, 0)

    def tr_body(t, _):
        r0 = (wid * 4 + t) * 8
        pltpu.sync_copy(c_hbm.at[pl.ds(r0, 8)], c_blk)
        pltpu.sync_copy(p_hbm.at[pl.ds(r0, 8)], p_blk)

        def row_body(s, _):
            b = r0 + s
            in_s = pltpu.async_copy(state_hbm.at[b], sslab, sem_in)
            in_p = pltpu.async_copy(param_hbm.at[b], pslab, sem_in)

            def m_one(j):
                c16 = c_blk[s, pl.ds(j * _L, _L)]
                t16 = c16 * jnp.float32(_K)
                i0 = t16.astype(jnp.int32)
                base = jnp.maximum(i0 - 1, 0)
                m = base
                for d in range(3):
                    cand = base + d
                    valid = cand < _K
                    pv = plsc.load_gather(
                        p_blk, [_splat(s), jnp.minimum(cand, _K - 1)],
                        mask=valid)
                    m = m + (valid & (pv <= c16)).astype(jnp.int32)
                plsc.addupdate_scatter(
                    hist, [jnp.minimum(m, _K - 1)],
                    jnp.full((_L,), 1, jnp.int32), mask=m < _K)

            def m_body(j, _):
                m_one(2 * j)
                m_one(2 * j + 1)
                return 0

            lax.fori_loop(0, _NCH // 2, m_body, 0)

            def cs_one(j, carry, h16):
                hist[pl.ds(j * _L, _L)] = jnp.zeros((_L,), jnp.int32)
                cs = plsc.cumsum(h16) + carry
                idx16 = jnp.minimum(cs, _K - 1)
                idx_s[pl.ds(j * _L, _L)] = idx16
                cg = plsc.load_gather(c_blk, [_splat(s), idx16])
                cgm = plsc.load_gather(
                    c_blk, [_splat(s), jnp.maximum(idx16 - 1, 0)])
                prop_g = cg - jnp.where(idx16 > 0, cgm, 0.0)
                w_g = 2.0 * prop_g - jnp.float32(1.0 / _K)
                nw_blk[s, pl.ds(j * _L, _L)] = w_g / (prop_g + _EPS)
                return jnp.max(cs)

            def cs_body(j, carry):
                h_a = hist[pl.ds((2 * j) * _L, _L)]
                h_b = hist[pl.ds((2 * j + 1) * _L, _L)]
                carry = cs_one(2 * j, carry, h_a)
                carry = cs_one(2 * j + 1, carry, h_b)
                return carry

            lax.fori_loop(0, _NCH // 2, cs_body, jnp.int32(0))

            in_s.wait()
            in_p.wait()
            @pl.when(t * 8 + s > 0)
            def _():
                pltpu.make_async_copy(state_hbm.at[b], oslab_s, sem_out).wait()
                pltpu.make_async_copy(param_hbm.at[b], oslab_p, sem_out).wait()

            def g_body(j, _):
                sl = pl.ds(j * _L, _L)
                idx16 = idx_s[sl]
                for g0 in range(0, _S, 16):
                    vals = [plsc.load_gather(sslab, [_splat(ss), idx16])
                            for ss in range(g0, g0 + 16)]
                    for k, ss in enumerate(range(g0, g0 + 16)):
                        oslab_s[ss, sl] = vals[k]
                vals = [plsc.load_gather(pslab, [_splat(ss), idx16])
                        for ss in range(_P)]
                for ss in range(_P):
                    oslab_p[ss, sl] = vals[ss]
                return 0

            lax.fori_loop(0, _NCH, g_body, 0)

            pltpu.async_copy(oslab_s, out_s.at[b], sem_out)
            pltpu.async_copy(oslab_p, out_p.at[b], sem_out)
            return 0

        lax.fori_loop(0, 8, row_body, 0)
        pltpu.sync_copy(nw_blk, out_nw.at[pl.ds(r0, 8)])
        return 0

    lax.fori_loop(0, _RPW // 8, tr_body, 0)
    pltpu.make_async_copy(state_hbm.at[0], oslab_s, sem_out).wait()
    pltpu.make_async_copy(param_hbm.at[0], oslab_p, sem_out).wait()


def _sc_resample(c, p, state_t, param_t):
    mesh = plsc.VectorSubcoreMesh(core_axis_name="c", subcore_axis_name="s")
    f = pl.kernel(
        _sc_body,
        out_type=(
            jax.ShapeDtypeStruct((_B, _S, _K), jnp.float32),
            jax.ShapeDtypeStruct((_B, _P, _K), jnp.float32),
            jax.ShapeDtypeStruct((_B, _K), jnp.float32),
        ),
        mesh=mesh,
        compiler_params=pltpu.CompilerParams(
            needs_layout_passes=False, use_tc_tiling_on_sc=True),
        scratch_types=[
            pltpu.VMEM((8, _K), jnp.float32),
            pltpu.VMEM((8, _K), jnp.float32),
            pltpu.VMEM((8, _K), jnp.float32),
            pltpu.VMEM((_K,), jnp.int32),
            pltpu.VMEM((_K,), jnp.int32),
            pltpu.VMEM((_S, _K), jnp.float32),
            pltpu.VMEM((_P, _K), jnp.float32),
            pltpu.VMEM((_S, _K), jnp.float32),
            pltpu.VMEM((_P, _K), jnp.float32),
            pltpu.SemaphoreType.DMA,
            pltpu.SemaphoreType.DMA,
        ],
    )
    return f(c, p, state_t, param_t)


def kernel(state_particles, param_particles, log_weights):
    u = jax.random.uniform(jax.random.key(42), (_B, _K), dtype=jnp.float32)
    positions = (jnp.arange(_K, dtype=jnp.float32)[None, :] + u) / _K

    c = _prep(log_weights)
    new_s, new_p, nw = _sc_resample(
        c, positions,
        jnp.transpose(state_particles, (0, 2, 1)),
        jnp.transpose(param_particles, (0, 2, 1)),
    )
    new_log_weights = _finish(nw)
    return (jnp.transpose(new_s, (0, 2, 1)), jnp.transpose(new_p, (0, 2, 1)),
            new_log_weights)

# --- scband reference (transcript-rebuilt; emitter-appended) ---
"""Pipeline reference for scband-rao-blackwell-estimator-8864812499230 (READ-ONLY COPY).

The authoritative reference and input builder live on the scoring server;
editing this copy changes nothing except your own understanding.
"""

import jax, jax.numpy as jnp
import numpy as np


def setup_inputs(seed: int = 0) -> dict:
    key = jax.random.key(seed)
    k1, k2, k3 = jax.random.split(key, 3)
    batch, K, S, P = 1024, 1024, 32, 16
    return {
        "state_particles": jax.random.normal(k1, (batch, K, S), dtype=jnp.float32),
        "param_particles": jax.random.normal(k2, (batch, K, P), dtype=jnp.float32),
        "log_weights": jax.random.normal(k3, (batch, K), dtype=jnp.float32),
    }


def reference(state_particles, param_particles, log_weights):
    # Stratified joint resampling (RaoBlackwellEstimator.resample with
    # use_stratified_resampling=True, alpha=0.5).
    alpha = 0.5
    batch, K, state_size = state_particles.shape
    param_size = param_particles.shape[2]
    weights = jax.nn.softmax(log_weights, axis=1)
    uniform = 1.0 / K
    proposal = alpha * weights + (1.0 - alpha) * uniform
    # torch.rand(batch, K) replaced by deterministic jax uniform noise
    u = jax.random.uniform(jax.random.key(42), (batch, K), dtype=jnp.float32)
    positions = (jnp.arange(K, dtype=jnp.float32)[None, :] + u) / K
    cumsum = jnp.cumsum(proposal, axis=1)
    indices = jax.vmap(lambda c, p: jnp.searchsorted(c, p))(cumsum, positions)
    indices = jnp.clip(indices, 0, K - 1)
    new_state_particles = jnp.take_along_axis(state_particles, indices[:, :, None], axis=1)
    new_param_particles = jnp.take_along_axis(param_particles, indices[:, :, None], axis=1)
    proposal_gathered = jnp.take_along_axis(proposal, indices, axis=1)
    weights_gathered = jnp.take_along_axis(weights, indices, axis=1)
    new_weights = weights_gathered / (proposal_gathered + 1e-10)
    new_log_weights = jnp.log(new_weights + 1e-10)
    new_log_weights = new_log_weights - jax.scipy.special.logsumexp(new_log_weights, axis=1, keepdims=True)
    return (new_state_particles, new_param_particles, new_log_weights)

if __name__ == "__main__":
    import jax
    _d = setup_inputs()
    print(jax.jit(kernel)(*tuple(_d.values())))

</pallas_src>

<mosaic_0001>
#map = affine_map<(d0, d1) -> (0, 0)>
#map1 = affine_map<(d0, d1) -> (0, 0, 0)>
module attributes {stable_mosaic.version = 14 : i64} {
  func.func @_sc_body(%arg0: i32, %arg1: i32, %arg2: memref<1024x1024xf32, #tpu.memory_space<hbm>>, %arg3: memref<1024x1024xf32, #tpu.memory_space<hbm>>, %arg4: memref<1024x32x1024xf32, #tpu.memory_space<hbm>>, %arg5: memref<1024x16x1024xf32, #tpu.memory_space<hbm>>, %arg6: memref<1024x32x1024xf32, #tpu.memory_space<hbm>>, %arg7: memref<1024x16x1024xf32, #tpu.memory_space<hbm>>, %arg8: memref<1024x1024xf32, #tpu.memory_space<hbm>>, %arg9: memref<8x1024xf32, #tpu.memory_space<vmem>>, %arg10: memref<8x1024xf32, #tpu.memory_space<vmem>>, %arg11: memref<8x1024xf32, #tpu.memory_space<vmem>>, %arg12: memref<1024xi32, #tpu.memory_space<vmem>>, %arg13: memref<1024xi32, #tpu.memory_space<vmem>>, %arg14: memref<32x1024xf32, #tpu.memory_space<vmem>>, %arg15: memref<16x1024xf32, #tpu.memory_space<vmem>>, %arg16: memref<32x1024xf32, #tpu.memory_space<vmem>>, %arg17: memref<16x1024xf32, #tpu.memory_space<vmem>>, %arg18: memref<!tpu.dma_semaphore, #tpu.memory_space<semaphore_mem>>, %arg19: memref<!tpu.dma_semaphore, #tpu.memory_space<semaphore_mem>>) attributes {dimension_semantics = [#tpu.dimension_semantics<core_parallel>, #tpu.dimension_semantics<subcore_parallel>], iteration_bounds = array<i64: 2, 16>, scalar_prefetch = 0 : i64, scratch_operands = 11 : i64, tpu.core_type = #tpu.core_type<sc_vector_subcore>, window_params = [{transform_indices = #map}, {transform_indices = #map}, {transform_indices = #map1}, {transform_indices = #map1}, {transform_indices = #map1}, {transform_indices = #map1}, {transform_indices = #map}]} {
    %mul3A = arith.constant 2 : i32
    %mul3A_0 = arith.muli %arg1, %mul3A : i32
    %add3A = arith.addi %mul3A_0, %arg0 : i32
    %scan3A = arith.constant 0 : i32
    %scan3A_1 = arith.constant 0 : i32
    %scan3A_2 = arith.constant 64 : i32
    %scan3A_3 = arith.addi %scan3A_1, %scan3A_2 : i32
    %scan3A_4 = arith.constant 1 : i32
    %scan3A_5 = scf.for %scan3A_31 = %scan3A_1 to %scan3A_3 step %scan3A_4 iter_args(%scan3A_32 = %scan3A) -> (i32)  : i32 {
      %broadcast_in_dim3A = arith.constant 0 : i32
      %broadcast_in_dim3A_33 = vector.broadcast %broadcast_in_dim3A : i32 to vector<16xi32>
      %mul3A_34 = arith.constant 16 : i32
      %mul3A_35 = arith.muli %scan3A_31, %mul3A_34 : i32
      %swap3A = arith.index_cast %mul3A_35 : i32 to index
      %swap3A_36 = tpu.vector_load %arg12[%swap3A] {strides = array<i32>} : memref<1024xi32, #tpu.memory_space<vmem>>, vector<16xi32>,
      tpu.vector_store %arg12[%swap3A], %broadcast_in_dim3A_33 {strides = array<i32>} : memref<1024xi32, #tpu.memory_space<vmem>>, vector<16xi32>,
      %scan3A_37 = arith.constant 0 : i32
      scf.yield %scan3A_37 : i32
    }
    %scan3A_6 = arith.constant 64 : i32
    %scan3A_7 = arith.constant 0 : i32
    %scan3A_8 = arith.constant 0 : i32
    %scan3A_9 = arith.constant 4 : i32
    %scan3A_10 = arith.addi %scan3A_8, %scan3A_9 : i32
    %scan3A_11 = arith.constant 1 : i32
    %scan3A_12 = scf.for %scan3A_31 = %scan3A_8 to %scan3A_10 step %scan3A_11 iter_args(%scan3A_32 = %scan3A_7) -> (i32)  : i32 {
      %mul3A_33 = arith.constant 4 : i32
      %mul3A_34 = arith.muli %add3A, %mul3A_33 : i32
      %add3A_35 = arith.addi %mul3A_34, %scan3A_31 : i32
      %mul3A_36 = arith.constant 8 : i32
      %mul3A_37 = arith.muli %add3A_35, %mul3A_36 : i32
      "tpu.region"() ({
        %run_scoped3A = tpu.sem_alloc : memref<!tpu.dma_semaphore, #tpu.memory_space<semaphore_mem>>
        %dma_start3A = arith.constant 0 : i32
        %dma_start3A_46 = tpu.memref_slice %arg2[%mul3A_37, %dma_start3A] : memref<1024x1024xf32, #tpu.memory_space<hbm>> -> memref<8x1024xf32, #tpu.memory_space<hbm>>
        %dma_start3A_47 = arith.constant 0 : i32
        %dma_start3A_48 = tpu.memref_slice %arg2[%mul3A_37, %dma_start3A_47] : memref<1024x1024xf32, #tpu.memory_space<hbm>> -> memref<8x1024xf32, #tpu.memory_space<hbm>>
        tpu.enqueue_dma source(%dma_start3A_48 : memref<8x1024xf32, #tpu.memory_space<hbm>>) target(%arg9 : memref<8x1024xf32, #tpu.memory_space<vmem>>) target_semaphore(%run_scoped3A : memref<!tpu.dma_semaphore, #tpu.memory_space<semaphore_mem>>)
        %dma_wait3A_49 = arith.constant 0 : i32
        %dma_wait3A_50 = tpu.memref_slice %arg2[%mul3A_37, %dma_wait3A_49] : memref<1024x1024xf32, #tpu.memory_space<hbm>> -> memref<8x1024xf32, #tpu.memory_space<hbm>>
        %dma_wait3A_51 = arith.constant 0 : i32
        %dma_wait3A_52 = tpu.memref_slice %arg2[%mul3A_37, %dma_wait3A_51] : memref<1024x1024xf32, #tpu.memory_space<hbm>> -> memref<8x1024xf32, #tpu.memory_space<hbm>>
        tpu.wait_dma2 semaphore(%run_scoped3A : memref<!tpu.dma_semaphore, #tpu.memory_space<semaphore_mem>>) src(%dma_wait3A_52 : memref<8x1024xf32, #tpu.memory_space<hbm>>) dst(%arg9 : memref<8x1024xf32, #tpu.memory_space<vmem>>)
        tpu.yield
      }) : () -> ()
      "tpu.region"() ({
        %run_scoped3A = tpu.sem_alloc : memref<!tpu.dma_semaphore, #tpu.memory_space<semaphore_mem>>
        %dma_start3A = arith.constant 0 : i32
        %dma_start3A_46 = tpu.memref_slice %arg3[%mul3A_37, %dma_start3A] : memref<1024x1024xf32, #tpu.memory_space<hbm>> -> memref<8x1024xf32, #tpu.memory_space<hbm>>
        %dma_start3A_47 = arith.constant 0 : i32
        %dma_start3A_48 = tpu.memref_slice %arg3[%mul3A_37, %dma_start3A_47] : memref<1024x1024xf32, #tpu.memory_space<hbm>> -> memref<8x1024xf32, #tpu.memory_space<hbm>>
        tpu.enqueue_dma source(%dma_start3A_48 : memref<8x1024xf32, #tpu.memory_space<hbm>>) target(%arg10 : memref<8x1024xf32, #tpu.memory_space<vmem>>) target_semaphore(%run_scoped3A : memref<!tpu.dma_semaphore, #tpu.memory_space<semaphore_mem>>)
        %dma_wait3A_49 = arith.constant 0 : i32
        %dma_wait3A_50 = tpu.memref_slice %arg3[%mul3A_37, %dma_wait3A_49] : memref<1024x1024xf32, #tpu.memory_space<hbm>> -> memref<8x1024xf32, #tpu.memory_space<hbm>>
        %dma_wait3A_51 = arith.constant 0 : i32
        %dma_wait3A_52 = tpu.memref_slice %arg3[%mul3A_37, %dma_wait3A_51] : memref<1024x1024xf32, #tpu.memory_space<hbm>> -> memref<8x1024xf32, #tpu.memory_space<hbm>>
        tpu.wait_dma2 semaphore(%run_scoped3A : memref<!tpu.dma_semaphore, #tpu.memory_space<semaphore_mem>>) src(%dma_wait3A_52 : memref<8x1024xf32, #tpu.memory_space<hbm>>) dst(%arg10 : memref<8x1024xf32, #tpu.memory_space<vmem>>)
        tpu.yield
      }) : () -> ()
      %scan3A_38 = arith.constant 0 : i32
      %scan3A_39 = arith.constant 0 : i32
      %scan3A_40 = arith.constant 8 : i32
      %scan3A_41 = arith.addi %scan3A_39, %scan3A_40 : i32
      %scan3A_42 = arith.constant 1 : i32
      %scan3A_43 = scf.for %scan3A_46 = %scan3A_39 to %scan3A_41 step %scan3A_42 iter_args(%scan3A_47 = %scan3A_38) -> (i32)  : i32 {
        %add3A_48 = arith.addi %mul3A_37, %scan3A_46 : i32
        %dma_start3A = arith.constant 0 : i32
        %dma_start3A_49 = arith.constant 0 : i32
        %dma_start3A_50 = tpu.memref_slice %arg4[%add3A_48, %dma_start3A, %dma_start3A_49] : memref<1024x32x1024xf32, #tpu.memory_space<hbm>> -> memref<1x32x1024xf32, #tpu.memory_space<hbm>>
        %dma_start3A_51 = tpu.memref_squeeze %dma_start3A_50 : memref<1x32x1024xf32, #tpu.memory_space<hbm>> -> memref<32x1024xf32, #tpu.memory_space<hbm>>
        %dma_start3A_52 = arith.constant 0 : i32
        %dma_start3A_53 = arith.constant 0 : i32
        %dma_start3A_54 = tpu.memref_slice %arg4[%add3A_48, %dma_start3A_52, %dma_start3A_53] : memref<1024x32x1024xf32, #tpu.memory_space<hbm>> -> memref<1x32x1024xf32, #tpu.memory_space<hbm>>
        %dma_start3A_55 = tpu.memref_squeeze %dma_start3A_54 : memref<1x32x1024xf32, #tpu.memory_space<hbm>> -> memref<32x1024xf32, #tpu.memory_space<hbm>>
        tpu.enqueue_dma source(%dma_start3A_55 : memref<32x1024xf32, #tpu.memory_space<hbm>>) target(%arg14 : memref<32x1024xf32, #tpu.memory_space<vmem>>) target_semaphore(%arg18 : memref<!tpu.dma_semaphore, #tpu.memory_space<semaphore_mem>>)
        %dma_start3A_56 = arith.constant 0 : i32
        %dma_start3A_57 = arith.constant 0 : i32
        %dma_start3A_58 = tpu.memref_slice %arg5[%add3A_48, %dma_start3A_56, %dma_start3A_57] : memref<1024x16x1024xf32, #tpu.memory_space<hbm>> -> memref<1x16x1024xf32, #tpu.memory_space<hbm>>
        %dma_start3A_59 = tpu.memref_squeeze %dma_start3A_58 : memref<1x16x1024xf32, #tpu.memory_space<hbm>> -> memref<16x1024xf32, #tpu.memory_space<hbm>>
        %dma_start3A_60 = arith.constant 0 : i32
        %dma_start3A_61 = arith.constant 0 : i32
        %dma_start3A_62 = tpu.memref_slice %arg5[%add3A_48, %dma_start3A_60, %dma_start3A_61] : memref<1024x16x1024xf32, #tpu.memory_space<hbm>> -> memref<1x16x1024xf32, #tpu.memory_space<hbm>>
        %dma_start3A_63 = tpu.memref_squeeze %dma_start3A_62 : memref<1x16x1024xf32, #tpu.memory_space<hbm>> -> memref<16x1024xf32, #tpu.memory_space<hbm>>
        tpu.enqueue_dma source(%dma_start3A_63 : memref<16x1024xf32, #tpu.memory_space<hbm>>) target(%arg15 : memref<16x1024xf32, #tpu.memory_space<vmem>>) target_semaphore(%arg18 : memref<!tpu.dma_semaphore, #tpu.memory_space<semaphore_mem>>)
        %scan3A_64 = arith.constant 0 : i32
        %scan3A_65 = arith.constant 0 : i32
        %scan3A_66 = arith.constant 32 : i32
        %scan3A_67 = arith.addi %scan3A_65, %scan3A_66 : i32
        %scan3A_68 = arith.constant 1 : i32
        %scan3A_69 = scf.for %scan3A_123 = %scan3A_65 to %scan3A_67 step %scan3A_68 iter_args(%scan3A_124 = %scan3A_64) -> (i32)  : i32 {
          %mul3A_125 = arith.constant 2 : i32
          %mul3A_126 = arith.muli %mul3A_125, %scan3A_123 : i32
          %mul3A_127 = arith.constant 16 : i32
          %mul3A_128 = arith.muli %mul3A_126, %mul3A_127 : i32
          %get3A = arith.index_cast %scan3A_46 : i32 to index
          %get3A_129 = arith.index_cast %mul3A_128 : i32 to index
          %get3A_130 = tpu.vector_load %arg9[%get3A, %get3A_129] {strides = array<i32>} : memref<8x1024xf32, #tpu.memory_space<vmem>>, vector<16xf32>,
          %mul3A_131 = arith.constant 1.024000e+03 : f32
          %mul3A_132 = vector.broadcast %mul3A_131 : f32 to vector<16xf32>
          %mul3A_133 = arith.mulf %get3A_130, %mul3A_132 : vector<16xf32>
          %convert_element_type3A_134 = arith.fptosi %mul3A_133 : vector<16xf32> to vector<16xi32>
          %sub3A = arith.constant 1 : i32
          %sub3A_135 = vector.broadcast %sub3A : i32 to vector<16xi32>
          %sub3A_136 = arith.subi %convert_element_type3A_134, %sub3A_135 : vector<16xi32>
          %max3A = arith.constant 0 : i32
          %max3A_137 = vector.broadcast %max3A : i32 to vector<16xi32>
          %max3A_138 = arith.maxsi %sub3A_136, %max3A_137 : vector<16xi32>
          %add3A_139 = arith.constant 0 : i32
          %add3A_140 = vector.broadcast %add3A_139 : i32 to vector<16xi32>
          %add3A_141 = arith.addi %max3A_138, %add3A_140 : vector<16xi32>
          %lt3A = arith.constant 1024 : i32
          %lt3A_142 = vector.broadcast %lt3A : i32 to vector<16xi32>
          %lt3A_143 = arith.cmpi slt, %add3A_141, %lt3A_142 : vector<16xi32>
          %broadcast_in_dim3A = vector.broadcast %scan3A_46 : i32 to vector<16xi32>
          %min3A = arith.constant 1023 : i32
          %min3A_144 = vector.broadcast %min3A : i32 to vector<16xi32>
          %min3A_145 = arith.minsi %add3A_141, %min3A_144 : vector<16xi32>
          %gather3A = tpu.vector_load_idx %arg10[%broadcast_in_dim3A, %min3A_145] masked %lt3A_143 : memref<8x1024xf32, #tpu.memory_space<vmem>>[vector<16xi32>, vector<16xi32>], vector<16xf32>, vector<16xi1>
          %le3A = arith.cmpf ole, %gather3A, %get3A_130 : vector<16xf32>
          %and3A = arith.andi %lt3A_143, %le3A : vector<16xi1>
          %convert_element_type3A_146 = arith.extui %and3A : vector<16xi1> to vector<16xi32>
          %add3A_147 = arith.addi %max3A_138, %convert_element_type3A_146 : vector<16xi32>
          %add3A_148 = arith.constant 1 : i32
          %add3A_149 = vector.broadcast %add3A_148 : i32 to vector<16xi32>
          %add3A_150 = arith.addi %max3A_138, %add3A_149 : vector<16xi32>
          %lt3A_151 = arith.constant 1024 : i32
          %lt3A_152 = vector.broadcast %lt3A_151 : i32 to vector<16xi32>
          %lt3A_153 = arith.cmpi slt, %add3A_150, %lt3A_152 : vector<16xi32>
          %broadcast_in_dim3A_154 = vector.broadcast %scan3A_46 : i32 to vector<16xi32>
          %min3A_155 = arith.constant 1023 : i32
          %min3A_156 = vector.broadcast %min3A_155 : i32 to vector<16xi32>
          %min3A_157 = arith.minsi %add3A_150, %min3A_156 : vector<16xi32>
          %gather3A_158 = tpu.vector_load_idx %arg10[%broadcast_in_dim3A_154, %min3A_157] masked %lt3A_153 : memref<8x1024xf32, #tpu.memory_space<vmem>>[vector<16xi32>, vector<16xi32>], vector<16xf32>, vector<16xi1>
          %le3A_159 = arith.cmpf ole, %gather3A_158, %get3A_130 : vector<16xf32>
          %and3A_160 = arith.andi %lt3A_153, %le3A_159 : vector<16xi1>
          %convert_element_type3A_161 = arith.extui %and3A_160 : vector<16xi1> to vector<16xi32>
          %add3A_162 = arith.addi %add3A_147, %convert_element_type3A_161 : vector<16xi32>
          %add3A_163 = arith.constant 2 : i32
          %add3A_164 = vector.broadcast %add3A_163 : i32 to vector<16xi32>
          %add3A_165 = arith.addi %max3A_138, %add3A_164 : vector<16xi32>
          %lt3A_166 = arith.constant 1024 : i32
          %lt3A_167 = vector.broadcast %lt3A_166 : i32 to vector<16xi32>
          %lt3A_168 = arith.cmpi slt, %add3A_165, %lt3A_167 : vector<16xi32>
          %broadcast_in_dim3A_169 = vector.broadcast %scan3A_46 : i32 to vector<16xi32>
          %min3A_170 = arith.constant 1023 : i32
          %min3A_171 = vector.broadcast %min3A_170 : i32 to vector<16xi32>
          %min3A_172 = arith.minsi %add3A_165, %min3A_171 : vector<16xi32>
          %gather3A_173 = tpu.vector_load_idx %arg10[%broadcast_in_dim3A_169, %min3A_172] masked %lt3A_168 : memref<8x1024xf32, #tpu.memory_space<vmem>>[vector<16xi32>, vector<16xi32>], vector<16xf32>, vector<16xi1>
          %le3A_174 = arith.cmpf ole, %gather3A_173, %get3A_130 : vector<16xf32>
          %and3A_175 = arith.andi %lt3A_168, %le3A_174 : vector<16xi1>
          %convert_element_type3A_176 = arith.extui %and3A_175 : vector<16xi1> to vector<16xi32>
          %add3A_177 = arith.addi %add3A_162, %convert_element_type3A_176 : vector<16xi32>
          %min3A_178 = arith.constant 1023 : i32
          %min3A_179 = vector.broadcast %min3A_178 : i32 to vector<16xi32>
          %min3A_180 = arith.minsi %add3A_177, %min3A_179 : vector<16xi32>
          %broadcast_in_dim3A_181 = arith.constant 1 : i32
          %broadcast_in_dim3A_182 = vector.broadcast %broadcast_in_dim3A_181 : i32 to vector<16xi32>
          %lt3A_183 = arith.constant 1024 : i32
          %lt3A_184 = vector.broadcast %lt3A_183 : i32 to vector<16xi32>
          %lt3A_185 = arith.cmpi slt, %add3A_177, %lt3A_184 : vector<16xi32>
          tpu.vector_store_idx %arg12[%min3A_180], %broadcast_in_dim3A_182 masked %lt3A_185 {add = true} : memref<1024xi32, #tpu.memory_space<vmem>>[vector<16xi32>], vector<16xi32>, vector<16xi1>
          %mul3A_186 = arith.constant 2 : i32
          %mul3A_187 = arith.muli %mul3A_186, %scan3A_123 : i32
          %add3A_188 = arith.constant 1 : i32
          %add3A_189 = arith.addi %mul3A_187, %add3A_188 : i32
          %mul3A_190 = arith.constant 16 : i32
          %mul3A_191 = arith.muli %add3A_189, %mul3A_190 : i32
          %get3A_192 = arith.index_cast %scan3A_46 : i32 to index
          %get3A_193 = arith.index_cast %mul3A_191 : i32 to index
          %get3A_194 = tpu.vector_load %arg9[%get3A_192, %get3A_193] {strides = array<i32>} : memref<8x1024xf32, #tpu.memory_space<vmem>>, vector<16xf32>,
          %mul3A_195 = arith.constant 1.024000e+03 : f32
          %mul3A_196 = vector.broadcast %mul3A_195 : f32 to vector<16xf32>
          %mul3A_197 = arith.mulf %get3A_194, %mul3A_196 : vector<16xf32>
          %convert_element_type3A_198 = arith.fptosi %mul3A_197 : vector<16xf32> to vector<16xi32>
          %sub3A_199 = arith.constant 1 : i32
          %sub3A_200 = vector.broadcast %sub3A_199 : i32 to vector<16xi32>
          %sub3A_201 = arith.subi %convert_element_type3A_198, %sub3A_200 : vector<16xi32>
          %max3A_202 = arith.constant 0 : i32
          %max3A_203 = vector.broadcast %max3A_202 : i32 to vector<16xi32>
          %max3A_204 = arith.maxsi %sub3A_201, %max3A_203 : vector<16xi32>
          %add3A_205 = arith.constant 0 : i32
          %add3A_206 = vector.broadcast %add3A_205 : i32 to vector<16xi32>
          %add3A_207 = arith.addi %max3A_204, %add3A_206 : vector<16xi32>
          %lt3A_208 = arith.constant 1024 : i32
          %lt3A_209 = vector.broadcast %lt3A_208 : i32 to vector<16xi32>
          %lt3A_210 = arith.cmpi slt, %add3A_207, %lt3A_209 : vector<16xi32>
          %broadcast_in_dim3A_211 = vector.broadcast %scan3A_46 : i32 to vector<16xi32>
          %min3A_212 = arith.constant 1023 : i32
          %min3A_213 = vector.broadcast %min3A_212 : i32 to vector<16xi32>
          %min3A_214 = arith.minsi %add3A_207, %min3A_213 : vector<16xi32>
          %gather3A_215 = tpu.vector_load_idx %arg10[%broadcast_in_dim3A_211, %min3A_214] masked %lt3A_210 : memref<8x1024xf32, #tpu.memory_space<vmem>>[vector<16xi32>, vector<16xi32>], vector<16xf32>, vector<16xi1>
          %le3A_216 = arith.cmpf ole, %gather3A_215, %get3A_194 : vector<16xf32>
          %and3A_217 = arith.andi %lt3A_210, %le3A_216 : vector<16xi1>
          %convert_element_type3A_218 = arith.extui %and3A_217 : vector<16xi1> to vector<16xi32>
          %add3A_219 = arith.addi %max3A_204, %convert_element_type3A_218 : vector<16xi32>
          %add3A_220 = arith.constant 1 : i32
          %add3A_221 = vector.broadcast %add3A_220 : i32 to vector<16xi32>
          %add3A_222 = arith.addi %max3A_204, %add3A_221 : vector<16xi32>
          %lt3A_223 = arith.constant 1024 : i32
          %lt3A_224 = vector.broadcast %lt3A_223 : i32 to vector<16xi32>
          %lt3A_225 = arith.cmpi slt, %add3A_222, %lt3A_224 : vector<16xi32>
          %broadcast_in_dim3A_226 = vector.broadcast %scan3A_46 : i32 to vector<16xi32>
          %min3A_227 = arith.constant 1023 : i32
          %min3A_228 = vector.broadcast %min3A_227 : i32 to vector<16xi32>
          %min3A_229 = arith.minsi %add3A_222, %min3A_228 : vector<16xi32>
          %gather3A_230 = tpu.vector_load_idx %arg10[%broadcast_in_dim3A_226, %min3A_229] masked %lt3A_225 : memref<8x1024xf32, #tpu.memory_space<vmem>>[vector<16xi32>, vector<16xi32>], vector<16xf32>, vector<16xi1>
          %le3A_231 = arith.cmpf ole, %gather3A_230, %get3A_194 : vector<16xf32>
          %and3A_232 = arith.andi %lt3A_225, %le3A_231 : vector<16xi1>
          %convert_element_type3A_233 = arith.extui %and3A_232 : vector<16xi1> to vector<16xi32>
          %add3A_234 = arith.addi %add3A_219, %convert_element_type3A_233 : vector<16xi32>
          %add3A_235 = arith.constant 2 : i32
          %add3A_236 = vector.broadcast %add3A_235 : i32 to vector<16xi32>
          %add3A_237 = arith.addi %max3A_204, %add3A_236 : vector<16xi32>
          %lt3A_238 = arith.constant 1024 : i32
          %lt3A_239 = vector.broadcast %lt3A_238 : i32 to vector<16xi32>
          %lt3A_240 = arith.cmpi slt, %add3A_237, %lt3A_239 : vector<16xi32>
          %broadcast_in_dim3A_241 = vector.broadcast %scan3A_46 : i32 to vector<16xi32>
          %min3A_242 = arith.constant 1023 : i32
          %min3A_243 = vector.broadcast %min3A_242 : i32 to vector<16xi32>
          %min3A_244 = arith.minsi %add3A_237, %min3A_243 : vector<16xi32>
          %gather3A_245 = tpu.vector_load_idx %arg10[%broadcast_in_dim3A_241, %min3A_244] masked %lt3A_240 : memref<8x1024xf32, #tpu.memory_space<vmem>>[vector<16xi32>, vector<16xi32>], vector<16xf32>, vector<16xi1>
          %le3A_246 = arith.cmpf ole, %gather3A_245, %get3A_194 : vector<16xf32>
          %and3A_247 = arith.andi %lt3A_240, %le3A_246 : vector<16xi1>
          %convert_element_type3A_248 = arith.extui %and3A_247 : vector<16xi1> to vector<16xi32>
          %add3A_249 = arith.addi %add3A_234, %convert_element_type3A_248 : vector<16xi32>
          %min3A_250 = arith.constant 1023 : i32
          %min3A_251 = vector.broadcast %min3A_250 : i32 to vector<16xi32>
          %min3A_252 = arith.minsi %add3A_249, %min3A_251 : vector<16xi32>
          %broadcast_in_dim3A_253 = arith.constant 1 : i32
          %broadcast_in_dim3A_254 = vector.broadcast %broadcast_in_dim3A_253 : i32 to vector<16xi32>
          %lt3A_255 = arith.constant 1024 : i32
          %lt3A_256 = vector.broadcast %lt3A_255 : i32 to vector<16xi32>
          %lt3A_257 = arith.cmpi slt, %add3A_249, %lt3A_256 : vector<16xi32>
          tpu.vector_store_idx %arg12[%min3A_252], %broadcast_in_dim3A_254 masked %lt3A_257 {add = true} : memref<1024xi32, #tpu.memory_space<vmem>>[vector<16xi32>], vector<16xi32>, vector<16xi1>
          %scan3A_258 = arith.constant 0 : i32
          scf.yield %scan3A_258 : i32
        }
        %scan3A_70 = arith.constant 32 : i32
        %scan3A_71 = arith.constant 0 : i32
        %scan3A_72 = arith.constant 0 : i32
        %scan3A_73 = arith.constant 32 : i32
        %scan3A_74 = arith.addi %scan3A_72, %scan3A_73 : i32
        %scan3A_75 = arith.constant 1 : i32
        %scan3A_76 = scf.for %scan3A_123 = %scan3A_72 to %scan3A_74 step %scan3A_75 iter_args(%scan3A_124 = %scan3A_71) -> (i32)  : i32 {
          %mul3A_125 = arith.constant 2 : i32
          %mul3A_126 = arith.muli %mul3A_125, %scan3A_123 : i32
          %mul3A_127 = arith.constant 16 : i32
          %mul3A_128 = arith.muli %mul3A_126, %mul3A_127 : i32
          %get3A = arith.index_cast %mul3A_128 : i32 to index
          %get3A_129 = tpu.vector_load %arg12[%get3A] {strides = array<i32>} : memref<1024xi32, #tpu.memory_space<vmem>>, vector<16xi32>,
          %mul3A_130 = arith.constant 2 : i32
          %mul3A_131 = arith.muli %mul3A_130, %scan3A_123 : i32
          %add3A_132 = arith.constant 1 : i32
          %add3A_133 = arith.addi %mul3A_131, %add3A_132 : i32
          %mul3A_134 = arith.constant 16 : i32
          %mul3A_135 = arith.muli %add3A_133, %mul3A_134 : i32
          %get3A_136 = arith.index_cast %mul3A_135 : i32 to index
          %get3A_137 = tpu.vector_load %arg12[%get3A_136] {strides = array<i32>} : memref<1024xi32, #tpu.memory_space<vmem>>, vector<16xi32>,
          %mul3A_138 = arith.constant 2 : i32
          %mul3A_139 = arith.muli %mul3A_138, %scan3A_123 : i32
          %broadcast_in_dim3A = arith.constant 0 : i32
          %broadcast_in_dim3A_140 = vector.broadcast %broadcast_in_dim3A : i32 to vector<16xi32>
          %mul3A_141 = arith.constant 16 : i32
          %mul3A_142 = arith.muli %mul3A_139, %mul3A_141 : i32
          %swap3A = arith.index_cast %mul3A_142 : i32 to index
          %swap3A_143 = tpu.vector_load %arg12[%swap3A] {strides = array<i32>} : memref<1024xi32, #tpu.memory_space<vmem>>, vector<16xi32>,
          tpu.vector_store %arg12[%swap3A], %broadcast_in_dim3A_140 {strides = array<i32>} : memref<1024xi32, #tpu.memory_space<vmem>>, vector<16xi32>,
          %broadcast_in_dim3A_144 = arith.constant true
          %broadcast_in_dim3A_145 = vector.broadcast %broadcast_in_dim3A_144 : i1 to vector<16xi1>
          %masked_cumsum3A = tpu.scan <sum>, %get3A_129 masked %broadcast_in_dim3A_145 : vector<16xi32>, vector<16xi1> -> vector<16xi32>
          %add3A_146 = vector.broadcast %scan3A_124 : i32 to vector<16xi32>
          %add3A_147 = arith.addi %masked_cumsum3A, %add3A_146 : vector<16xi32>
          %min3A = arith.constant 1023 : i32
          %min3A_148 = vector.broadcast %min3A : i32 to vector<16xi32>
          %min3A_149 = arith.minsi %add3A_147, %min3A_148 : vector<16xi32>
          %mul3A_150 = arith.constant 16 : i32
          %mul3A_151 = arith.muli %mul3A_139, %mul3A_150 : i32
          %swap3A_152 = arith.index_cast %mul3A_151 : i32 to index
          %swap3A_153 = tpu.vector_load %arg13[%swap3A_152] {strides = array<i32>} : memref<1024xi32, #tpu.memory_space<vmem>>, vector<16xi32>,
          tpu.vector_store %arg13[%swap3A_152], %min3A_149 {strides = array<i32>} : memref<1024xi32, #tpu.memory_space<vmem>>, vector<16xi32>,
          %broadcast_in_dim3A_154 = vector.broadcast %scan3A_46 : i32 to vector<16xi32>
          %gather3A = tpu.vector_load_idx %arg9[%broadcast_in_dim3A_154, %min3A_149] : memref<8x1024xf32, #tpu.memory_space<vmem>>[vector<16xi32>, vector<16xi32>], vector<16xf32>,
          %broadcast_in_dim3A_155 = vector.broadcast %scan3A_46 : i32 to vector<16xi32>
          %sub3A = arith.constant 1 : i32
          %sub3A_156 = vector.broadcast %sub3A : i32 to vector<16xi32>
          %sub3A_157 = arith.subi %min3A_149, %sub3A_156 : vector<16xi32>
          %max3A = arith.constant 0 : i32
          %max3A_158 = vector.broadcast %max3A : i32 to vector<16xi32>
          %max3A_159 = arith.maxsi %sub3A_157, %max3A_158 : vector<16xi32>
          %gather3A_160 = tpu.vector_load_idx %arg9[%broadcast_in_dim3A_155, %max3A_159] : memref<8x1024xf32, #tpu.memory_space<vmem>>[vector<16xi32>, vector<16xi32>], vector<16xf32>,
          %gt3A_161 = arith.constant 0 : i32
          %gt3A_162 = vector.broadcast %gt3A_161 : i32 to vector<16xi32>
          %gt3A_163 = arith.cmpi sgt, %min3A_149, %gt3A_162 : vector<16xi32>
          %jit3A = arith.constant 0.000000e+00 : f32
          %broadcast_in_dim3A_164 = vector.broadcast %jit3A : f32 to vector<16xf32>
          %select_n3A = arith.select %gt3A_163, %gather3A_160, %broadcast_in_dim3A_164 : vector<16xi1>, vector<16xf32>
          %sub3A_165 = arith.subf %gather3A, %select_n3A : vector<16xf32>
          %mul3A_166 = arith.constant 2.000000e+00 : f32
          %mul3A_167 = vector.broadcast %mul3A_166 : f32 to vector<16xf32>
          %mul3A_168 = arith.mulf %mul3A_167, %sub3A_165 : vector<16xf32>
          %sub3A_169 = arith.constant 9.765625E-4 : f32
          %sub3A_170 = vector.broadcast %sub3A_169 : f32 to vector<16xf32>
          %sub3A_171 = arith.subf %mul3A_168, %sub3A_170 : vector<16xf32>
          %add3A_172 = arith.constant 1.000000e-10 : f32
          %add3A_173 = vector.broadcast %add3A_172 : f32 to vector<16xf32>
          %add3A_174 = arith.addf %sub3A_165, %add3A_173 : vector<16xf32>
          %div3A = arith.divf %sub3A_171, %add3A_174 : vector<16xf32>
          %mul3A_175 = arith.constant 16 : i32
          %mul3A_176 = arith.muli %mul3A_139, %mul3A_175 : i32
          %swap3A_177 = arith.index_cast %scan3A_46 : i32 to index
          %swap3A_178 = arith.index_cast %mul3A_176 : i32 to index
          %swap3A_179 = tpu.vector_load %arg11[%swap3A_177, %swap3A_178] {strides = array<i32>} : memref<8x1024xf32, #tpu.memory_space<vmem>>, vector<16xf32>,
          tpu.vector_store %arg11[%swap3A_177, %swap3A_178], %div3A {strides = array<i32>} : memref<8x1024xf32, #tpu.memory_space<vmem>>, vector<16xf32>,
          %reduce_max3A = arith.constant true
          %reduce_max3A_180 = vector.broadcast %reduce_max3A : i1 to vector<16xi1>
          %reduce_max3A_181 = arith.constant -2147483648 : i32
          %reduce_max3A_182 = vector.broadcast %reduce_max3A_181 : i32 to vector<16xi32>
          %reduce_max3A_183 = arith.xori %add3A_147, %reduce_max3A_182 : vector<16xi32>
          %reduce_max3A_184 = tpu.scan <max>, %reduce_max3A_183 masked %reduce_max3A_180 : vector<16xi32>, vector<16xi1> -> vector<16xi32>
          %reduce_max3A_185 = arith.xori %reduce_max3A_184, %reduce_max3A_182 : vector<16xi32>
          %reduce_max3A_186 = vector.extract %reduce_max3A_185[15] : i32 from vector<16xi32>
          %mul3A_187 = arith.constant 2 : i32
          %mul3A_188 = arith.muli %mul3A_187, %scan3A_123 : i32
          %add3A_189 = arith.constant 1 : i32
          %add3A_190 = arith.addi %mul3A_188, %add3A_189 : i32
          %broadcast_in_dim3A_191 = arith.constant 0 : i32
          %broadcast_in_dim3A_192 = vector.broadcast %broadcast_in_dim3A_191 : i32 to vector<16xi32>
          %mul3A_193 = arith.constant 16 : i32
          %mul3A_194 = arith.muli %add3A_190, %mul3A_193 : i32
          %swap3A_195 = arith.index_cast %mul3A_194 : i32 to index
          %swap3A_196 = tpu.vector_load %arg12[%swap3A_195] {strides = array<i32>} : memref<1024xi32, #tpu.memory_space<vmem>>, vector<16xi32>,
          tpu.vector_store %arg12[%swap3A_195], %broadcast_in_dim3A_192 {strides = array<i32>} : memref<1024xi32, #tpu.memory_space<vmem>>, vector<16xi32>,
          %broadcast_in_dim3A_197 = arith.constant true
          %broadcast_in_dim3A_198 = vector.broadcast %broadcast_in_dim3A_197 : i1 to vector<16xi1>
          %masked_cumsum3A_199 = tpu.scan <sum>, %get3A_137 masked %broadcast_in_dim3A_198 : vector<16xi32>, vector<16xi1> -> vector<16xi32>
          %add3A_200 = vector.broadcast %reduce_max3A_186 : i32 to vector<16xi32>
          %add3A_201 = arith.addi %masked_cumsum3A_199, %add3A_200 : vector<16xi32>
          %min3A_202 = arith.constant 1023 : i32
          %min3A_203 = vector.broadcast %min3A_202 : i32 to vector<16xi32>
          %min3A_204 = arith.minsi %add3A_201, %min3A_203 : vector<16xi32>
          %mul3A_205 = arith.constant 16 : i32
          %mul3A_206 = arith.muli %add3A_190, %mul3A_205 : i32
          %swap3A_207 = arith.index_cast %mul3A_206 : i32 to index
          %swap3A_208 = tpu.vector_load %arg13[%swap3A_207] {strides = array<i32>} : memref<1024xi32, #tpu.memory_space<vmem>>, vector<16xi32>,
          tpu.vector_store %arg13[%swap3A_207], %min3A_204 {strides = array<i32>} : memref<1024xi32, #tpu.memory_space<vmem>>, vector<16xi32>,
          %broadcast_in_dim3A_209 = vector.broadcast %scan3A_46 : i32 to vector<16xi32>
          %gather3A_210 = tpu.vector_load_idx %arg9[%broadcast_in_dim3A_209, %min3A_204] : memref<8x1024xf32, #tpu.memory_space<vmem>>[vector<16xi32>, vector<16xi32>], vector<16xf32>,
          %broadcast_in_dim3A_211 = vector.broadcast %scan3A_46 : i32 to vector<16xi32>
          %sub3A_212 = arith.constant 1 : i32
          %sub3A_213 = vector.broadcast %sub3A_212 : i32 to vector<16xi32>
          %sub3A_214 = arith.subi %min3A_204, %sub3A_213 : vector<16xi32>
          %max3A_215 = arith.constant 0 : i32
          %max3A_216 = vector.broadcast %max3A_215 : i32 to vector<16xi32>
          %max3A_217 = arith.maxsi %sub3A_214, %max3A_216 : vector<16xi32>
          %gather3A_218 = tpu.vector_load_idx %arg9[%broadcast_in_dim3A_211, %max3A_217] : memref<8x1024xf32, #tpu.memory_space<vmem>>[vector<16xi32>, vector<16xi32>], vector<16xf32>,
          %gt3A_219 = arith.constant 0 : i32
          %gt3A_220 = vector.broadcast %gt3A_219 : i32 to vector<16xi32>
          %gt3A_221 = arith.cmpi sgt, %min3A_204, %gt3A_220 : vector<16xi32>
          %jit3A_222 = arith.constant 0.000000e+00 : f32
          %broadcast_in_dim3A_223 = vector.broadcast %jit3A_222 : f32 to vector<16xf32>
          %select_n3A_224 = arith.select %gt3A_221, %gather3A_218, %broadcast_in_dim3A_223 : vector<16xi1>, vector<16xf32>
          %sub3A_225 = arith.subf %gather3A_210, %select_n3A_224 : vector<16xf32>
          %mul3A_226 = arith.constant 2.000000e+00 : f32
          %mul3A_227 = vector.broadcast %mul3A_226 : f32 to vector<16xf32>
          %mul3A_228 = arith.mulf %mul3A_227, %sub3A_225 : vector<16xf32>
          %sub3A_229 = arith.constant 9.765625E-4 : f32
          %sub3A_230 = vector.broadcast %sub3A_229 : f32 to vector<16xf32>
          %sub3A_231 = arith.subf %mul3A_228, %sub3A_230 : vector<16xf32>
          %add3A_232 = arith.constant 1.000000e-10 : f32
          %add3A_233 = vector.broadcast %add3A_232 : f32 to vector<16xf32>
          %add3A_234 = arith.addf %sub3A_225, %add3A_233 : vector<16xf32>
          %div3A_235 = arith.divf %sub3A_231, %add3A_234 : vector<16xf32>
          %mul3A_236 = arith.constant 16 : i32
          %mul3A_237 = arith.muli %add3A_190, %mul3A_236 : i32
          %swap3A_238 = arith.index_cast %scan3A_46 : i32 to index
          %swap3A_239 = arith.index_cast %mul3A_237 : i32 to index
          %swap3A_240 = tpu.vector_load %arg11[%swap3A_238, %swap3A_239] {strides = array<i32>} : memref<8x1024xf32, #tpu.memory_space<vmem>>, vector<16xf32>,
          tpu.vector_store %arg11[%swap3A_238, %swap3A_239], %div3A_235 {strides = array<i32>} : memref<8x1024xf32, #tpu.memory_space<vmem>>, vector<16xf32>,
          %reduce_max3A_241 = arith.constant true
          %reduce_max3A_242 = vector.broadcast %reduce_max3A_241 : i1 to vector<16xi1>
          %reduce_max3A_243 = arith.constant -2147483648 : i32
          %reduce_max3A_244 = vector.broadcast %reduce_max3A_243 : i32 to vector<16xi32>
          %reduce_max3A_245 = arith.xori %add3A_201, %reduce_max3A_244 : vector<16xi32>
          %reduce_max3A_246 = tpu.scan <max>, %reduce_max3A_245 masked %reduce_max3A_242 : vector<16xi32>, vector<16xi1> -> vector<16xi32>
          %reduce_max3A_247 = arith.xori %reduce_max3A_246, %reduce_max3A_244 : vector<16xi32>
          %reduce_max3A_248 = vector.extract %reduce_max3A_247[15] : i32 from vector<16xi32>
          scf.yield %reduce_max3A_248 : i32
        }
        %scan3A_77 = arith.constant 32 : i32
        %dma_wait3A_78 = arith.constant 0 : i32
        %dma_wait3A_79 = arith.constant 0 : i32
        %dma_wait3A_80 = tpu.memref_slice %arg4[%add3A_48, %dma_wait3A_78, %dma_wait3A_79] : memref<1024x32x1024xf32, #tpu.memory_space<hbm>> -> memref<1x32x1024xf32, #tpu.memory_space<hbm>>
        %dma_wait3A_81 = tpu.memref_squeeze %dma_wait3A_80 : memref<1x32x1024xf32, #tpu.memory_space<hbm>> -> memref<32x1024xf32, #tpu.memory_space<hbm>>
        %dma_wait3A_82 = arith.constant 0 : i32
        %dma_wait3A_83 = arith.constant 0 : i32
        %dma_wait3A_84 = tpu.memref_slice %arg4[%add3A_48, %dma_wait3A_82, %dma_wait3A_83] : memref<1024x32x1024xf32, #tpu.memory_space<hbm>> -> memref<1x32x1024xf32, #tpu.memory_space<hbm>>
        %dma_wait3A_85 = tpu.memref_squeeze %dma_wait3A_84 : memref<1x32x1024xf32, #tpu.memory_space<hbm>> -> memref<32x1024xf32, #tpu.memory_space<hbm>>
        tpu.wait_dma2 semaphore(%arg18 : memref<!tpu.dma_semaphore, #tpu.memory_space<semaphore_mem>>) src(%dma_wait3A_85 : memref<32x1024xf32, #tpu.memory_space<hbm>>) dst(%arg14 : memref<32x1024xf32, #tpu.memory_space<vmem>>)
        %dma_wait3A_86 = arith.constant 0 : i32
        %dma_wait3A_87 = arith.constant 0 : i32
        %dma_wait3A_88 = tpu.memref_slice %arg5[%add3A_48, %dma_wait3A_86, %dma_wait3A_87] : memref<1024x16x1024xf32, #tpu.memory_space<hbm>> -> memref<1x16x1024xf32, #tpu.memory_space<hbm>>
        %dma_wait3A_89 = tpu.memref_squeeze %dma_wait3A_88 : memref<1x16x1024xf32, #tpu.memory_space<hbm>> -> memref<16x1024xf32, #tpu.memory_space<hbm>>
        %dma_wait3A_90 = arith.constant 0 : i32
        %dma_wait3A_91 = arith.constant 0 : i32
        %dma_wait3A_92 = tpu.memref_slice %arg5[%add3A_48, %dma_wait3A_90, %dma_wait3A_91] : memref<1024x16x1024xf32, #tpu.memory_space<hbm>> -> memref<1x16x1024xf32, #tpu.memory_space<hbm>>
        %dma_wait3A_93 = tpu.memref_squeeze %dma_wait3A_92 : memref<1x16x1024xf32, #tpu.memory_space<hbm>> -> memref<16x1024xf32, #tpu.memory_space<hbm>>
        tpu.wait_dma2 semaphore(%arg18 : memref<!tpu.dma_semaphore, #tpu.memory_space<semaphore_mem>>) src(%dma_wait3A_93 : memref<16x1024xf32, #tpu.memory_space<hbm>>) dst(%arg15 : memref<16x1024xf32, #tpu.memory_space<vmem>>)
        %mul3A_94 = arith.constant 8 : i32
        %mul3A_95 = arith.muli %scan3A_31, %mul3A_94 : i32
        %add3A_96 = arith.addi %mul3A_95, %scan3A_46 : i32
        %gt3A = arith.constant 0 : i32
        %gt3A_97 = arith.cmpi sgt, %add3A_96, %gt3A : i32
        %convert_element_type3A = arith.extui %gt3A_97 : i1 to i32
        %cond3A = arith.constant 0 : i32
        %cond3A_98 = arith.cmpi ne, %convert_element_type3A, %cond3A : i32
        scf.if %cond3A_98 {
          %dma_wait3A_123 = arith.constant 0 : i32
          %dma_wait3A_124 = arith.constant 0 : i32
          %dma_wait3A_125 = tpu.memref_slice %arg4[%add3A_48, %dma_wait3A_123, %dma_wait3A_124] : memref<1024x32x1024xf32, #tpu.memory_space<hbm>> -> memref<1x32x1024xf32, #tpu.memory_space<hbm>>
          %dma_wait3A_126 = tpu.memref_squeeze %dma_wait3A_125 : memref<1x32x1024xf32, #tpu.memory_space<hbm>> -> memref<32x1024xf32, #tpu.memory_space<hbm>>
          %dma_wait3A_127 = arith.constant 0 : i32
          %dma_wait3A_128 = arith.constant 0 : i32
          %dma_wait3A_129 = tpu.memref_slice %arg4[%add3A_48, %dma_wait3A_127, %dma_wait3A_128] : memref<1024x32x1024xf32, #tpu.memory_space<hbm>> -> memref<1x32x1024xf32, #tpu.memory_space<hbm>>
          %dma_wait3A_130 = tpu.memref_squeeze %dma_wait3A_129 : memref<1x32x1024xf32, #tpu.memory_space<hbm>> -> memref<32x1024xf32, #tpu.memory_space<hbm>>
          tpu.wait_dma2 semaphore(%arg19 : memref<!tpu.dma_semaphore, #tpu.memory_space<semaphore_mem>>) src(%dma_wait3A_130 : memref<32x1024xf32, #tpu.memory_space<hbm>>) dst(%arg16 : memref<32x1024xf32, #tpu.memory_space<vmem>>)
          %dma_wait3A_131 = arith.constant 0 : i32
          %dma_wait3A_132 = arith.constant 0 : i32
          %dma_wait3A_133 = tpu.memref_slice %arg5[%add3A_48, %dma_wait3A_131, %dma_wait3A_132] : memref<1024x16x1024xf32, #tpu.memory_space<hbm>> -> memref<1x16x1024xf32, #tpu.memory_space<hbm>>
          %dma_wait3A_134 = tpu.memref_squeeze %dma_wait3A_133 : memref<1x16x1024xf32, #tpu.memory_space<hbm>> -> memref<16x1024xf32, #tpu.memory_space<hbm>>
          %dma_wait3A_135 = arith.constant 0 : i32
          %dma_wait3A_136 = arith.constant 0 : i32
          %dma_wait3A_137 = tpu.memref_slice %arg5[%add3A_48, %dma_wait3A_135, %dma_wait3A_136] : memref<1024x16x1024xf32, #tpu.memory_space<hbm>> -> memref<1x16x1024xf32, #tpu.memory_space<hbm>>
          %dma_wait3A_138 = tpu.memref_squeeze %dma_wait3A_137 : memref<1x16x1024xf32, #tpu.memory_space<hbm>> -> memref<16x1024xf32, #tpu.memory_space<hbm>>
          tpu.wait_dma2 semaphore(%arg19 : memref<!tpu.dma_semaphore, #tpu.memory_space<semaphore_mem>>) src(%dma_wait3A_138 : memref<16x1024xf32, #tpu.memory_space<hbm>>) dst(%arg17 : memref<16x1024xf32, #tpu.memory_space<vmem>>)
        } else {
        }
        %scan3A_99 = arith.constant 0 : i32
        %scan3A_100 = arith.constant 0 : i32
        %scan3A_101 = arith.constant 64 : i32
        %scan3A_102 = arith.addi %scan3A_100, %scan3A_101 : i32
        %scan3A_103 = arith.constant 1 : i32
        %scan3A_104 = scf.for %scan3A_123 = %scan3A_100 to %scan3A_102 step %scan3A_103 iter_args(%scan3A_124 = %scan3A_99) -> (i32)  : i32 {
          %mul3A_125 = arith.constant 16 : i32
          %mul3A_126 = arith.muli %scan3A_123, %mul3A_125 : i32
          %get3A = arith.index_cast %mul3A_126 : i32 to index
          %get3A_127 = tpu.vector_load %arg13[%get3A] {strides = array<i32>} : memref<1024xi32, #tpu.memory_space<vmem>>, vector<16xi32>,
          %broadcast_in_dim3A = arith.constant 0 : i32
          %broadcast_in_dim3A_128 = vector.broadcast %broadcast_in_dim3A : i32 to vector<16xi32>
          %gather3A = tpu.vector_load_idx %arg14[%broadcast_in_dim3A_128, %get3A_127] : memref<32x1024xf32, #tpu.memory_space<vmem>>[vector<16xi32>, vector<16xi32>], vector<16xf32>,
          %broadcast_in_dim3A_129 = arith.constant 1 : i32
          %broadcast_in_dim3A_130 = vector.broadcast %broadcast_in_dim3A_129 : i32 to vector<16xi32>
          %gather3A_131 = tpu.vector_load_idx %arg14[%broadcast_in_dim3A_130, %get3A_127] : memref<32x1024xf32, #tpu.memory_space<vmem>>[vector<16xi32>, vector<16xi32>], vector<16xf32>,
          %broadcast_in_dim3A_132 = arith.constant 2 : i32
          %broadcast_in_dim3A_133 = vector.broadcast %broadcast_in_dim3A_132 : i32 to vector<16xi32>
          %gather3A_134 = tpu.vector_load_idx %arg14[%broadcast_in_dim3A_133, %get3A_127] : memref<32x1024xf32, #tpu.memory_space<vmem>>[vector<16xi32>, vector<16xi32>], vector<16xf32>,
          %broadcast_in_dim3A_135 = arith.constant 3 : i32
          %broadcast_in_dim3A_136 = vector.broadcast %broadcast_in_dim3A_135 : i32 to vector<16xi32>
          %gather3A_137 = tpu.vector_load_idx %arg14[%broadcast_in_dim3A_136, %get3A_127] : memref<32x1024xf32, #tpu.memory_space<vmem>>[vector<16xi32>, vector<16xi32>], vector<16xf32>,
          %broadcast_in_dim3A_138 = arith.constant 4 : i32
          %broadcast_in_dim3A_139 = vector.broadcast %broadcast_in_dim3A_138 : i32 to vector<16xi32>
          %gather3A_140 = tpu.vector_load_idx %arg14[%broadcast_in_dim3A_139, %get3A_127] : memref<32x1024xf32, #tpu.memory_space<vmem>>[vector<16xi32>, vector<16xi32>], vector<16xf32>,
          %broadcast_in_dim3A_141 = arith.constant 5 : i32
          %broadcast_in_dim3A_142 = vector.broadcast %broadcast_in_dim3A_141 : i32 to vector<16xi32>
          %gather3A_143 = tpu.vector_load_idx %arg14[%broadcast_in_dim3A_142, %get3A_127] : memref<32x1024xf32, #tpu.memory_space<vmem>>[vector<16xi32>, vector<16xi32>], vector<16xf32>,
          %broadcast_in_dim3A_144 = arith.constant 6 : i32
          %broadcast_in_dim3A_145 = vector.broadcast %broadcast_in_dim3A_144 : i32 to vector<16xi32>
          %gather3A_146 = tpu.vector_load_idx %arg14[%broadcast_in_dim3A_145, %get3A_127] : memref<32x1024xf32, #tpu.memory_space<vmem>>[vector<16xi32>, vector<16xi32>], vector<16xf32>,
          %broadcast_in_dim3A_147 = arith.constant 7 : i32
          %broadcast_in_dim3A_148 = vector.broadcast %broadcast_in_dim3A_147 : i32 to vector<16xi32>
          %gather3A_149 = tpu.vector_load_idx %arg14[%broadcast_in_dim3A_148, %get3A_127] : memref<32x1024xf32, #tpu.memory_space<vmem>>[vector<16xi32>, vector<16xi32>], vector<16xf32>,
          %broadcast_in_dim3A_150 = arith.constant 8 : i32
          %broadcast_in_dim3A_151 = vector.broadcast %broadcast_in_dim3A_150 : i32 to vector<16xi32>
          %gather3A_152 = tpu.vector_load_idx %arg14[%broadcast_in_dim3A_151, %get3A_127] : memref<32x1024xf32, #tpu.memory_space<vmem>>[vector<16xi32>, vector<16xi32>], vector<16xf32>,
          %broadcast_in_dim3A_153 = arith.constant 9 : i32
          %broadcast_in_dim3A_154 = vector.broadcast %broadcast_in_dim3A_153 : i32 to vector<16xi32>
          %gather3A_155 = tpu.vector_load_idx %arg14[%broadcast_in_dim3A_154, %get3A_127] : memref<32x1024xf32, #tpu.memory_space<vmem>>[vector<16xi32>, vector<16xi32>], vector<16xf32>,
          %broadcast_in_dim3A_156 = arith.constant 10 : i32
          %broadcast_in_dim3A_157 = vector.broadcast %broadcast_in_dim3A_156 : i32 to vector<16xi32>
          %gather3A_158 = tpu.vector_load_idx %arg14[%broadcast_in_dim3A_157, %get3A_127] : memref<32x1024xf32, #tpu.memory_space<vmem>>[vector<16xi32>, vector<16xi32>], vector<16xf32>,
          %broadcast_in_dim3A_159 = arith.constant 11 : i32
          %broadcast_in_dim3A_160 = vector.broadcast %broadcast_in_dim3A_159 : i32 to vector<16xi32>
          %gather3A_161 = tpu.vector_load_idx %arg14[%broadcast_in_dim3A_160, %get3A_127] : memref<32x1024xf32, #tpu.memory_space<vmem>>[vector<16xi32>, vector<16xi32>], vector<16xf32>,
          %broadcast_in_dim3A_162 = arith.constant 12 : i32
          %broadcast_in_dim3A_163 = vector.broadcast %broadcast_in_dim3A_162 : i32 to vector<16xi32>
          %gather3A_164 = tpu.vector_load_idx %arg14[%broadcast_in_dim3A_163, %get3A_127] : memref<32x1024xf32, #tpu.memory_space<vmem>>[vector<16xi32>, vector<16xi32>], vector<16xf32>,
          %broadcast_in_dim3A_165 = arith.constant 13 : i32
          %broadcast_in_dim3A_166 = vector.broadcast %broadcast_in_dim3A_165 : i32 to vector<16xi32>
          %gather3A_167 = tpu.vector_load_idx %arg14[%broadcast_in_dim3A_166, %get3A_127] : memref<32x1024xf32, #tpu.memory_space<vmem>>[vector<16xi32>, vector<16xi32>], vector<16xf32>,
          %broadcast_in_dim3A_168 = arith.constant 14 : i32
          %broadcast_in_dim3A_169 = vector.broadcast %broadcast_in_dim3A_168 : i32 to vector<16xi32>
          %gather3A_170 = tpu.vector_load_idx %arg14[%broadcast_in_dim3A_169, %get3A_127] : memref<32x1024xf32, #tpu.memory_space<vmem>>[vector<16xi32>, vector<16xi32>], vector<16xf32>,
          %broadcast_in_dim3A_171 = arith.constant 15 : i32
          %broadcast_in_dim3A_172 = vector.broadcast %broadcast_in_dim3A_171 : i32 to vector<16xi32>
          %gather3A_173 = tpu.vector_load_idx %arg14[%broadcast_in_dim3A_172, %get3A_127] : memref<32x1024xf32, #tpu.memory_space<vmem>>[vector<16xi32>, vector<16xi32>], vector<16xf32>,
          %swap3A = arith.constant 0 : i32
          %swap3A_174 = arith.index_cast %swap3A : i32 to index
          %swap3A_175 = arith.index_cast %mul3A_126 : i32 to index
          %swap3A_176 = tpu.vector_load %arg16[%swap3A_174, %swap3A_175] {strides = array<i32>} : memref<32x1024xf32, #tpu.memory_space<vmem>>, vector<16xf32>,
          tpu.vector_store %arg16[%swap3A_174, %swap3A_175], %gather3A {strides = array<i32>} : memref<32x1024xf32, #tpu.memory_space<vmem>>, vector<16xf32>,
          %swap3A_177 = arith.constant 1 : i32
          %swap3A_178 = arith.index_cast %swap3A_177 : i32 to index
          %swap3A_179 = arith.index_cast %mul3A_126 : i32 to index
          %swap3A_180 = tpu.vector_load %arg16[%swap3A_178, %swap3A_179] {strides = array<i32>} : memref<32x1024xf32, #tpu.memory_space<vmem>>, vector<16xf32>,
          tpu.vector_store %arg16[%swap3A_178, %swap3A_179], %gather3A_131 {strides = array<i32>} : memref<32x1024xf32, #tpu.memory_space<vmem>>, vector<16xf32>,
          %swap3A_181 = arith.constant 2 : i32
          %swap3A_182 = arith.index_cast %swap3A_181 : i32 to index
          %swap3A_183 = arith.index_cast %mul3A_126 : i32 to index
          %swap3A_184 = tpu.vector_load %arg16[%swap3A_182, %swap3A_183] {strides = array<i32>} : memref<32x1024xf32, #tpu.memory_space<vmem>>, vector<16xf32>,
          tpu.vector_store %arg16[%swap3A_182, %swap3A_183], %gather3A_134 {strides = array<i32>} : memref<32x1024xf32, #tpu.memory_space<vmem>>, vector<16xf32>,
          %swap3A_185 = arith.constant 3 : i32
          %swap3A_186 = arith.index_cast %swap3A_185 : i32 to index
          %swap3A_187 = arith.index_cast %mul3A_126 : i32 to index
          %swap3A_188 = tpu.vector_load %arg16[%swap3A_186, %swap3A_187] {strides = array<i32>} : memref<32x1024xf32, #tpu.memory_space<vmem>>, vector<16xf32>,
          tpu.vector_store %arg16[%swap3A_186, %swap3A_187], %gather3A_137 {strides = array<i32>} : memref<32x1024xf32, #tpu.memory_space<vmem>>, vector<16xf32>,
          %swap3A_189 = arith.constant 4 : i32
          %swap3A_190 = arith.index_cast %swap3A_189 : i32 to index
          %swap3A_191 = arith.index_cast %mul3A_126 : i32 to index
          %swap3A_192 = tpu.vector_load %arg16[%swap3A_190, %swap3A_191] {strides = array<i32>} : memref<32x1024xf32, #tpu.memory_space<vmem>>, vector<16xf32>,
          tpu.vector_store %arg16[%swap3A_190, %swap3A_191], %gather3A_140 {strides = array<i32>} : memref<32x1024xf32, #tpu.memory_space<vmem>>, vector<16xf32>,
          %swap3A_193 = arith.constant 5 : i32
          %swap3A_194 = arith.index_cast %swap3A_193 : i32 to index
          %swap3A_195 = arith.index_cast %mul3A_126 : i32 to index
          %swap3A_196 = tpu.vector_load %arg16[%swap3A_194, %swap3A_195] {strides = array<i32>} : memref<32x1024xf32, #tpu.memory_space<vmem>>, vector<16xf32>,
          tpu.vector_store %arg16[%swap3A_194, %swap3A_195], %gather3A_143 {strides = array<i32>} : memref<32x1024xf32, #tpu.memory_space<vmem>>, vector<16xf32>,
          %swap3A_197 = arith.constant 6 : i32
          %swap3A_198 = arith.index_cast %swap3A_197 : i32 to index
          %swap3A_199 = arith.index_cast %mul3A_126 : i32 to index
          %swap3A_200 = tpu.vector_load %arg16[%swap3A_198, %swap3A_199] {strides = array<i32>} : memref<32x1024xf32, #tpu.memory_space<vmem>>, vector<16xf32>,
          tpu.vector_store %arg16[%swap3A_198, %swap3A_199], %gather3A_146 {strides = array<i32>} : memref<32x1024xf32, #tpu.memory_space<vmem>>, vector<16xf32>,
          %swap3A_201 = arith.constant 7 : i32
          %swap3A_202 = arith.index_cast %swap3A_201 : i32 to index
          %swap3A_203 = arith.index_cast %mul3A_126 : i32 to index
          %swap3A_204 = tpu.vector_load %arg16[%swap3A_202, %swap3A_203] {strides = array<i32>} : memref<32x1024xf32, #tpu.memory_space<vmem>>, vector<16xf32>,
          tpu.vector_store %arg16[%swap3A_202, %swap3A_203], %gather3A_149 {strides = array<i32>} : memref<32x1024xf32, #tpu.memory_space<vmem>>, vector<16xf32>,
          %swap3A_205 = arith.constant 8 : i32
          %swap3A_206 = arith.index_cast %swap3A_205 : i32 to index
          %swap3A_207 = arith.index_cast %mul3A_126 : i32 to index
          %swap3A_208 = tpu.vector_load %arg16[%swap3A_206, %swap3A_207] {strides = array<i32>} : memref<32x1024xf32, #tpu.memory_space<vmem>>, vector<16xf32>,
          tpu.vector_store %arg16[%swap3A_206, %swap3A_207], %gather3A_152 {strides = array<i32>} : memref<32x1024xf32, #tpu.memory_space<vmem>>, vector<16xf32>,
          %swap3A_209 = arith.constant 9 : i32
          %swap3A_210 = arith.index_cast %swap3A_209 : i32 to index
          %swap3A_211 = arith.index_cast %mul3A_126 : i32 to index
          %swap3A_212 = tpu.vector_load %arg16[%swap3A_210, %swap3A_211] {strides = array<i32>} : memref<32x1024xf32, #tpu.memory_space<vmem>>, vector<16xf32>,
          tpu.vector_store %arg16[%swap3A_210, %swap3A_211], %gather3A_155 {strides = array<i32>} : memref<32x1024xf32, #tpu.memory_space<vmem>>, vector<16xf32>,
          %swap3A_213 = arith.constant 10 : i32
          %swap3A_214 = arith.index_cast %swap3A_213 : i32 to index
          %swap3A_215 = arith.index_cast %mul3A_126 : i32 to index
          %swap3A_216 = tpu.vector_load %arg16[%swap3A_214, %swap3A_215] {strides = array<i32>} : memref<32x1024xf32, #tpu.memory_space<vmem>>, vector<16xf32>,
          tpu.vector_store %arg16[%swap3A_214, %swap3A_215], %gather3A_158 {strides = array<i32>} : memref<32x1024xf32, #tpu.memory_space<vmem>>, vector<16xf32>,
          %swap3A_217 = arith.constant 11 : i32
          %swap3A_218 = arith.index_cast %swap3A_217 : i32 to index
          %swap3A_219 = arith.index_cast %mul3A_126 : i32 to index
          %swap3A_220 = tpu.vector_load %arg16[%swap3A_218, %swap3A_219] {strides = array<i32>} : memref<32x1024xf32, #tpu.memory_space<vmem>>, vector<16xf32>,
          tpu.vector_store %arg16[%swap3A_218, %swap3A_219], %gather3A_161 {strides = array<i32>} : memref<32x1024xf32, #tpu.memory_space<vmem>>, vector<16xf32>,
          %swap3A_221 = arith.constant 12 : i32
          %swap3A_222 = arith.index_cast %swap3A_221 : i32 to index
          %swap3A_223 = arith.index_cast %mul3A_126 : i32 to index
          %swap3A_224 = tpu.vector_load %arg16[%swap3A_222, %swap3A_223] {strides = array<i32>} : memref<32x1024xf32, #tpu.memory_space<vmem>>, vector<16xf32>,
          tpu.vector_store %arg16[%swap3A_222, %swap3A_223], %gather3A_164 {strides = array<i32>} : memref<32x1024xf32, #tpu.memory_space<vmem>>, vector<16xf32>,
          %swap3A_225 = arith.constant 13 : i32
          %swap3A_226 = arith.index_cast %swap3A_225 : i32 to index
          %swap3A_227 = arith.index_cast %mul3A_126 : i32 to index
          %swap3A_228 = tpu.vector_load %arg16[%swap3A_226, %swap3A_227] {strides = array<i32>} : memref<32x1024xf32, #tpu.memory_space<vmem>>, vector<16xf32>,
          tpu.vector_store %arg16[%swap3A_226, %swap3A_227], %gather3A_167 {strides = array<i32>} : memref<32x1024xf32, #tpu.memory_space<vmem>>, vector<16xf32>,
          %swap3A_229 = arith.constant 14 : i32
          %swap3A_230 = arith.index_cast %swap3A_229 : i32 to index
          %swap3A_231 = arith.index_cast %mul3A_126 : i32 to index
          %swap3A_232 = tpu.vector_load %arg16[%swap3A_230, %swap3A_231] {strides = array<i32>} : memref<32x1024xf32, #tpu.memory_space<vmem>>, vector<16xf32>,
          tpu.vector_store %arg16[%swap3A_230, %swap3A_231], %gather3A_170 {strides = array<i32>} : memref<32x1024xf32, #tpu.memory_space<vmem>>, vector<16xf32>,
          %swap3A_233 = arith.constant 15 : i32
          %swap3A_234 = arith.index_cast %swap3A_233 : i32 to index
          %swap3A_235 = arith.index_cast %mul3A_126 : i32 to index
          %swap3A_236 = tpu.vector_load %arg16[%swap3A_234, %swap3A_235] {strides = array<i32>} : memref<32x1024xf32, #tpu.memory_space<vmem>>, vector<16xf32>,
          tpu.vector_store %arg16[%swap3A_234, %swap3A_235], %gather3A_173 {strides = array<i32>} : memref<32x1024xf32, #tpu.memory_space<vmem>>, vector<16xf32>,
          %broadcast_in_dim3A_237 = arith.constant 16 : i32
          %broadcast_in_dim3A_238 = vector.broadcast %broadcast_in_dim3A_237 : i32 to vector<16xi32>
          %gather3A_239 = tpu.vector_load_idx %arg14[%broadcast_in_dim3A_238, %get3A_127] : memref<32x1024xf32, #tpu.memory_space<vmem>>[vector<16xi32>, vector<16xi32>], vector<16xf32>,
          %broadcast_in_dim3A_240 = arith.constant 17 : i32
          %broadcast_in_dim3A_241 = vector.broadcast %broadcast_in_dim3A_240 : i32 to vector<16xi32>
          %gather3A_242 = tpu.vector_load_idx %arg14[%broadcast_in_dim3A_241, %get3A_127] : memref<32x1024xf32, #tpu.memory_space<vmem>>[vector<16xi32>, vector<16xi32>], vector<16xf32>,
          %broadcast_in_dim3A_243 = arith.constant 18 : i32
          %broadcast_in_dim3A_244 = vector.broadcast %broadcast_in_dim3A_243 : i32 to vector<16xi32>
          %gather3A_245 = tpu.vector_load_idx %arg14[%broadcast_in_dim3A_244, %get3A_127] : memref<32x1024xf32, #tpu.memory_space<vmem>>[vector<16xi32>, vector<16xi32>], vector<16xf32>,
          %broadcast_in_dim3A_246 = arith.constant 19 : i32
          %broadcast_in_dim3A_247 = vector.broadcast %broadcast_in_dim3A_246 : i32 to vector<16xi32>
          %gather3A_248 = tpu.vector_load_idx %arg14[%broadcast_in_dim3A_247, %get3A_127] : memref<32x1024xf32, #tpu.memory_space<vmem>>[vector<16xi32>, vector<16xi32>], vector<16xf32>,
          %broadcast_in_dim3A_249 = arith.constant 20 : i32
          %broadcast_in_dim3A_250 = vector.broadcast %broadcast_in_dim3A_249 : i32 to vector<16xi32>
          %gather3A_251 = tpu.vector_load_idx %arg14[%broadcast_in_dim3A_250, %get3A_127] : memref<32x1024xf32, #tpu.memory_space<vmem>>[vector<16xi32>, vector<16xi32>], vector<16xf32>,
          %broadcast_in_dim3A_252 = arith.constant 21 : i32
          %broadcast_in_dim3A_253 = vector.broadcast %broadcast_in_dim3A_252 : i32 to vector<16xi32>
          %gather3A_254 = tpu.vector_load_idx %arg14[%broadcast_in_dim3A_253, %get3A_127] : memref<32x1024xf32, #tpu.memory_space<vmem>>[vector<16xi32>, vector<16xi32>], vector<16xf32>,
          %broadcast_in_dim3A_255 = arith.constant 22 : i32
          %broadcast_in_dim3A_256 = vector.broadcast %broadcast_in_dim3A_255 : i32 to vector<16xi32>
          %gather3A_257 = tpu.vector_load_idx %arg14[%broadcast_in_dim3A_256, %get3A_127] : memref<32x1024xf32, #tpu.memory_space<vmem>>[vector<16xi32>, vector<16xi32>], vector<16xf32>,
          %broadcast_in_dim3A_258 = arith.constant 23 : i32
          %broadcast_in_dim3A_259 = vector.broadcast %broadcast_in_dim3A_258 : i32 to vector<16xi32>
          %gather3A_260 = tpu.vector_load_idx %arg14[%broadcast_in_dim3A_259, %get3A_127] : memref<32x1024xf32, #tpu.memory_space<vmem>>[vector<16xi32>, vector<16xi32>], vector<16xf32>,
          %broadcast_in_dim3A_261 = arith.constant 24 : i32
          %broadcast_in_dim3A_262 = vector.broadcast %broadcast_in_dim3A_261 : i32 to vector<16xi32>
          %gather3A_263 = tpu.vector_load_idx %arg14[%broadcast_in_dim3A_262, %get3A_127] : memref<32x1024xf32, #tpu.memory_space<vmem>>[vector<16xi32>, vector<16xi32>], vector<16xf32>,
          %broadcast_in_dim3A_264 = arith.constant 25 : i32
          %broadcast_in_dim3A_265 = vector.broadcast %broadcast_in_dim3A_264 : i32 to vector<16xi32>
          %gather3A_266 = tpu.vector_load_idx %arg14[%broadcast_in_dim3A_265, %get3A_127] : memref<32x1024xf32, #tpu.memory_space<vmem>>[vector<16xi32>, vector<16xi32>], vector<16xf32>,
          %broadcast_in_dim3A_267 = arith.constant 26 : i32
          %broadcast_in_dim3A_268 = vector.broadcast %broadcast_in_dim3A_267 : i32 to vector<16xi32>
          %gather3A_269 = tpu.vector_load_idx %arg14[%broadcast_in_dim3A_268, %get3A_127] : memref<32x1024xf32, #tpu.memory_space<vmem>>[vector<16xi32>, vector<16xi32>], vector<16xf32>,
          %broadcast_in_dim3A_270 = arith.constant 27 : i32
          %broadcast_in_dim3A_271 = vector.broadcast %broadcast_in_dim3A_270 : i32 to vector<16xi32>
          %gather3A_272 = tpu.vector_load_idx %arg14[%broadcast_in_dim3A_271, %get3A_127] : memref<32x1024xf32, #tpu.memory_space<vmem>>[vector<16xi32>, vector<16xi32>], vector<16xf32>,
          %broadcast_in_dim3A_273 = arith.constant 28 : i32
          %broadcast_in_dim3A_274 = vector.broadcast %broadcast_in_dim3A_273 : i32 to vector<16xi32>
          %gather3A_275 = tpu.vector_load_idx %arg14[%broadcast_in_dim3A_274, %get3A_127] : memref<32x1024xf32, #tpu.memory_space<vmem>>[vector<16xi32>, vector<16xi32>], vector<16xf32>,
          %broadcast_in_dim3A_276 = arith.constant 29 : i32
          %broadcast_in_dim3A_277 = vector.broadcast %broadcast_in_dim3A_276 : i32 to vector<16xi32>
          %gather3A_278 = tpu.vector_load_idx %arg14[%broadcast_in_dim3A_277, %get3A_127] : memref<32x1024xf32, #tpu.memory_space<vmem>>[vector<16xi32>, vector<16xi32>], vector<16xf32>,
          %broadcast_in_dim3A_279 = arith.constant 30 : i32
          %broadcast_in_dim3A_280 = vector.broadcast %broadcast_in_dim3A_279 : i32 to vector<16xi32>
          %gather3A_281 = tpu.vector_load_idx %arg14[%broadcast_in_dim3A_280, %get3A_127] : memref<32x1024xf32, #tpu.memory_space<vmem>>[vector<16xi32>, vector<16xi32>], vector<16xf32>,
          %broadcast_in_dim3A_282 = arith.constant 31 : i32
          %broadcast_in_dim3A_283 = vector.broadcast %broadcast_in_dim3A_282 : i32 to vector<16xi32>
          %gather3A_284 = tpu.vector_load_idx %arg14[%broadcast_in_dim3A_283, %get3A_127] : memref<32x1024xf32, #tpu.memory_space<vmem>>[vector<16xi32>, vector<16xi32>], vector<16xf32>,
          %swap3A_285 = arith.constant 16 : i32
          %swap3A_286 = arith.index_cast %swap3A_285 : i32 to index
          %swap3A_287 = arith.index_cast %mul3A_126 : i32 to index
          %swap3A_288 = tpu.vector_load %arg16[%swap3A_286, %swap3A_287] {strides = array<i32>} : memref<32x1024xf32, #tpu.memory_space<vmem>>, vector<16xf32>,
          tpu.vector_store %arg16[%swap3A_286, %swap3A_287], %gather3A_239 {strides = array<i32>} : memref<32x1024xf32, #tpu.memory_space<vmem>>, vector<16xf32>,
          %swap3A_289 = arith.constant 17 : i32
          %swap3A_290 = arith.index_cast %swap3A_289 : i32 to index
          %swap3A_291 = arith.index_cast %mul3A_126 : i32 to index
          %swap3A_292 = tpu.vector_load %arg16[%swap3A_290, %swap3A_291] {strides = array<i32>} : memref<32x1024xf32, #tpu.memory_space<vmem>>, vector<16xf32>,
          tpu.vector_store %arg16[%swap3A_290, %swap3A_291], %gather3A_242 {strides = array<i32>} : memref<32x1024xf32, #tpu.memory_space<vmem>>, vector<16xf32>,
          %swap3A_293 = arith.constant 18 : i32
          %swap3A_294 = arith.index_cast %swap3A_293 : i32 to index
          %swap3A_295 = arith.index_cast %mul3A_126 : i32 to index
          %swap3A_296 = tpu.vector_load %arg16[%swap3A_294, %swap3A_295] {strides = array<i32>} : memref<32x1024xf32, #tpu.memory_space<vmem>>, vector<16xf32>,
          tpu.vector_store %arg16[%swap3A_294, %swap3A_295], %gather3A_245 {strides = array<i32>} : memref<32x1024xf32, #tpu.memory_space<vmem>>, vector<16xf32>,
          %swap3A_297 = arith.constant 19 : i32
          %swap3A_298 = arith.index_cast %swap3A_297 : i32 to index
          %swap3A_299 = arith.index_cast %mul3A_126 : i32 to index
          %swap3A_300 = tpu.vector_load %arg16[%swap3A_298, %swap3A_299] {strides = array<i32>} : memref<32x1024xf32, #tpu.memory_space<vmem>>, vector<16xf32>,
          tpu.vector_store %arg16[%swap3A_298, %swap3A_299], %gather3A_248 {strides = array<i32>} : memref<32x1024xf32, #tpu.memory_space<vmem>>, vector<16xf32>,
          %swap3A_301 = arith.constant 20 : i32
          %swap3A_302 = arith.index_cast %swap3A_301 : i32 to index
          %swap3A_303 = arith.index_cast %mul3A_126 : i32 to index
          %swap3A_304 = tpu.vector_load %arg16[%swap3A_302, %swap3A_303] {strides = array<i32>} : memref<32x1024xf32, #tpu.memory_space<vmem>>, vector<16xf32>,
          tpu.vector_store %arg16[%swap3A_302, %swap3A_303], %gather3A_251 {strides = array<i32>} : memref<32x1024xf32, #tpu.memory_space<vmem>>, vector<16xf32>,
          %swap3A_305 = arith.constant 21 : i32
          %swap3A_306 = arith.index_cast %swap3A_305 : i32 to index
          %swap3A_307 = arith.index_cast %mul3A_126 : i32 to index
          %swap3A_308 = tpu.vector_load %arg16[%swap3A_306, %swap3A_307] {strides = array<i32>} : memref<32x1024xf32, #tpu.memory_space<vmem>>, vector<16xf32>,
          tpu.vector_store %arg16[%swap3A_306, %swap3A_307], %gather3A_254 {strides = array<i32>} : memref<32x1024xf32, #tpu.memory_space<vmem>>, vector<16xf32>,
          %swap3A_309 = arith.constant 22 : i32
          %swap3A_310 = arith.index_cast %swap3A_309 : i32 to index
          %swap3A_311 = arith.index_cast %mul3A_126 : i32 to index
          %swap3A_312 = tpu.vector_load %arg16[%swap3A_310, %swap3A_311] {strides = array<i32>} : memref<32x1024xf32, #tpu.memory_space<vmem>>, vector<16xf32>,
          tpu.vector_store %arg16[%swap3A_310, %swap3A_311], %gather3A_257 {strides = array<i32>} : memref<32x1024xf32, #tpu.memory_space<vmem>>, vector<16xf32>,
          %swap3A_313 = arith.constant 23 : i32
          %swap3A_314 = arith.index_cast %swap3A_313 : i32 to index
          %swap3A_315 = arith.index_cast %mul3A_126 : i32 to index
          %swap3A_316 = tpu.vector_load %arg16[%swap3A_314, %swap3A_315] {strides = array<i32>} : memref<32x1024xf32, #tpu.memory_space<vmem>>, vector<16xf32>,
          tpu.vector_store %arg16[%swap3A_314, %swap3A_315], %gather3A_260 {strides = array<i32>} : memref<32x1024xf32, #tpu.memory_space<vmem>>, vector<16xf32>,
          %swap3A_317 = arith.constant 24 : i32
          %swap3A_318 = arith.index_cast %swap3A_317 : i32 to index
          %swap3A_319 = arith.index_cast %mul3A_126 : i32 to index
          %swap3A_320 = tpu.vector_load %arg16[%swap3A_318, %swap3A_319] {strides = array<i32>} : memref<32x1024xf32, #tpu.memory_space<vmem>>, vector<16xf32>,
          tpu.vector_store %arg16[%swap3A_318, %swap3A_319], %gather3A_263 {strides = array<i32>} : memref<32x1024xf32, #tpu.memory_space<vmem>>, vector<16xf32>,
          %swap3A_321 = arith.constant 25 : i32
          %swap3A_322 = arith.index_cast %swap3A_321 : i32 to index
          %swap3A_323 = arith.index_cast %mul3A_126 : i32 to index
          %swap3A_324 = tpu.vector_load %arg16[%swap3A_322, %swap3A_323] {strides = array<i32>} : memref<32x1024xf32, #tpu.memory_space<vmem>>, vector<16xf32>,
          tpu.vector_store %arg16[%swap3A_322, %swap3A_323], %gather3A_266 {strides = array<i32>} : memref<32x1024xf32, #tpu.memory_space<vmem>>, vector<16xf32>,
          %swap3A_325 = arith.constant 26 : i32
          %swap3A_326 = arith.index_cast %swap3A_325 : i32 to index
          %swap3A_327 = arith.index_cast %mul3A_126 : i32 to index
          %swap3A_328 = tpu.vector_load %arg16[%swap3A_326, %swap3A_327] {strides = array<i32>} : memref<32x1024xf32, #tpu.memory_space<vmem>>, vector<16xf32>,
          tpu.vector_store %arg16[%swap3A_326, %swap3A_327], %gather3A_269 {strides = array<i32>} : memref<32x1024xf32, #tpu.memory_space<vmem>>, vector<16xf32>,
          %swap3A_329 = arith.constant 27 : i32
          %swap3A_330 = arith.index_cast %swap3A_329 : i32 to index
          %swap3A_331 = arith.index_cast %mul3A_126 : i32 to index
          %swap3A_332 = tpu.vector_load %arg16[%swap3A_330, %swap3A_331] {strides = array<i32>} : memref<32x1024xf32, #tpu.memory_space<vmem>>, vector<16xf32>,
          tpu.vector_store %arg16[%swap3A_330, %swap3A_331], %gather3A_272 {strides = array<i32>} : memref<32x1024xf32, #tpu.memory_space<vmem>>, vector<16xf32>,
          %swap3A_333 = arith.constant 28 : i32
          %swap3A_334 = arith.index_cast %swap3A_333 : i32 to index
          %swap3A_335 = arith.index_cast %mul3A_126 : i32 to index
          %swap3A_336 = tpu.vector_load %arg16[%swap3A_334, %swap3A_335] {strides = array<i32>} : memref<32x1024xf32, #tpu.memory_space<vmem>>, vector<16xf32>,
          tpu.vector_store %arg16[%swap3A_334, %swap3A_335], %gather3A_275 {strides = array<i32>} : memref<32x1024xf32, #tpu.memory_space<vmem>>, vector<16xf32>,
          %swap3A_337 = arith.constant 29 : i32
          %swap3A_338 = arith.index_cast %swap3A_337 : i32 to index
          %swap3A_339 = arith.index_cast %mul3A_126 : i32 to index
          %swap3A_340 = tpu.vector_load %arg16[%swap3A_338, %swap3A_339] {strides = array<i32>} : memref<32x1024xf32, #tpu.memory_space<vmem>>, vector<16xf32>,
          tpu.vector_store %arg16[%swap3A_338, %swap3A_339], %gather3A_278 {strides = array<i32>} : memref<32x1024xf32, #tpu.memory_space<vmem>>, vector<16xf32>,
          %swap3A_341 = arith.constant 30 : i32
          %swap3A_342 = arith.index_cast %swap3A_341 : i32 to index
          %swap3A_343 = arith.index_cast %mul3A_126 : i32 to index
          %swap3A_344 = tpu.vector_load %arg16[%swap3A_342, %swap3A_343] {strides = array<i32>} : memref<32x1024xf32, #tpu.memory_space<vmem>>, vector<16xf32>,
          tpu.vector_store %arg16[%swap3A_342, %swap3A_343], %gather3A_281 {strides = array<i32>} : memref<32x1024xf32, #tpu.memory_space<vmem>>, vector<16xf32>,
          %swap3A_345 = arith.constant 31 : i32
          %swap3A_346 = arith.index_cast %swap3A_345 : i32 to index
          %swap3A_347 = arith.index_cast %mul3A_126 : i32 to index
          %swap3A_348 = tpu.vector_load %arg16[%swap3A_346, %swap3A_347] {strides = array<i32>} : memref<32x1024xf32, #tpu.memory_space<vmem>>, vector<16xf32>,
          tpu.vector_store %arg16[%swap3A_346, %swap3A_347], %gather3A_284 {strides = array<i32>} : memref<32x1024xf32, #tpu.memory_space<vmem>>, vector<16xf32>,
          %broadcast_in_dim3A_349 = arith.constant 0 : i32
          %broadcast_in_dim3A_350 = vector.broadcast %broadcast_in_dim3A_349 : i32 to vector<16xi32>
          %gather3A_351 = tpu.vector_load_idx %arg15[%broadcast_in_dim3A_350, %get3A_127] : memref<16x1024xf32, #tpu.memory_space<vmem>>[vector<16xi32>, vector<16xi32>], vector<16xf32>,
          %broadcast_in_dim3A_352 = arith.constant 1 : i32
          %broadcast_in_dim3A_353 = vector.broadcast %broadcast_in_dim3A_352 : i32 to vector<16xi32>
          %gather3A_354 = tpu.vector_load_idx %arg15[%broadcast_in_dim3A_353, %get3A_127] : memref<16x1024xf32, #tpu.memory_space<vmem>>[vector<16xi32>, vector<16xi32>], vector<16xf32>,
          %broadcast_in_dim3A_355 = arith.constant 2 : i32
          %broadcast_in_dim3A_356 = vector.broadcast %broadcast_in_dim3A_355 : i32 to vector<16xi32>
          %gather3A_357 = tpu.vector_load_idx %arg15[%broadcast_in_dim3A_356, %get3A_127] : memref<16x1024xf32, #tpu.memory_space<vmem>>[vector<16xi32>, vector<16xi32>], vector<16xf32>,
          %broadcast_in_dim3A_358 = arith.constant 3 : i32
          %broadcast_in_dim3A_359 = vector.broadcast %broadcast_in_dim3A_358 : i32 to vector<16xi32>
          %gather3A_360 = tpu.vector_load_idx %arg15[%broadcast_in_dim3A_359, %get3A_127] : memref<16x1024xf32, #tpu.memory_space<vmem>>[vector<16xi32>, vector<16xi32>], vector<16xf32>,
          %broadcast_in_dim3A_361 = arith.constant 4 : i32
          %broadcast_in_dim3A_362 = vector.broadcast %broadcast_in_dim3A_361 : i32 to vector<16xi32>
          %gather3A_363 = tpu.vector_load_idx %arg15[%broadcast_in_dim3A_362, %get3A_127] : memref<16x1024xf32, #tpu.memory_space<vmem>>[vector<16xi32>, vector<16xi32>], vector<16xf32>,
          %broadcast_in_dim3A_364 = arith.constant 5 : i32
          %broadcast_in_dim3A_365 = vector.broadcast %broadcast_in_dim3A_364 : i32 to vector<16xi32>
          %gather3A_366 = tpu.vector_load_idx %arg15[%broadcast_in_dim3A_365, %get3A_127] : memref<16x1024xf32, #tpu.memory_space<vmem>>[vector<16xi32>, vector<16xi32>], vector<16xf32>,
          %broadcast_in_dim3A_367 = arith.constant 6 : i32
          %broadcast_in_dim3A_368 = vector.broadcast %broadcast_in_dim3A_367 : i32 to vector<16xi32>
          %gather3A_369 = tpu.vector_load_idx %arg15[%broadcast_in_dim3A_368, %get3A_127] : memref<16x1024xf32, #tpu.memory_space<vmem>>[vector<16xi32>, vector<16xi32>], vector<16xf32>,
          %broadcast_in_dim3A_370 = arith.constant 7 : i32
          %broadcast_in_dim3A_371 = vector.broadcast %broadcast_in_dim3A_370 : i32 to vector<16xi32>
          %gather3A_372 = tpu.vector_load_idx %arg15[%broadcast_in_dim3A_371, %get3A_127] : memref<16x1024xf32, #tpu.memory_space<vmem>>[vector<16xi32>, vector<16xi32>], vector<16xf32>,
          %broadcast_in_dim3A_373 = arith.constant 8 : i32
          %broadcast_in_dim3A_374 = vector.broadcast %broadcast_in_dim3A_373 : i32 to vector<16xi32>
          %gather3A_375 = tpu.vector_load_idx %arg15[%broadcast_in_dim3A_374, %get3A_127] : memref<16x1024xf32, #tpu.memory_space<vmem>>[vector<16xi32>, vector<16xi32>], vector<16xf32>,
          %broadcast_in_dim3A_376 = arith.constant 9 : i32
          %broadcast_in_dim3A_377 = vector.broadcast %broadcast_in_dim3A_376 : i32 to vector<16xi32>
          %gather3A_378 = tpu.vector_load_idx %arg15[%broadcast_in_dim3A_377, %get3A_127] : memref<16x1024xf32, #tpu.memory_space<vmem>>[vector<16xi32>, vector<16xi32>], vector<16xf32>,
          %broadcast_in_dim3A_379 = arith.constant 10 : i32
          %broadcast_in_dim3A_380 = vector.broadcast %broadcast_in_dim3A_379 : i32 to vector<16xi32>
          %gather3A_381 = tpu.vector_load_idx %arg15[%broadcast_in_dim3A_380, %get3A_127] : memref<16x1024xf32, #tpu.memory_space<vmem>>[vector<16xi32>, vector<16xi32>], vector<16xf32>,
          %broadcast_in_dim3A_382 = arith.constant 11 : i32
          %broadcast_in_dim3A_383 = vector.broadcast %broadcast_in_dim3A_382 : i32 to vector<16xi32>
          %gather3A_384 = tpu.vector_load_idx %arg15[%broadcast_in_dim3A_383, %get3A_127] : memref<16x1024xf32, #tpu.memory_space<vmem>>[vector<16xi32>, vector<16xi32>], vector<16xf32>,
          %broadcast_in_dim3A_385 = arith.constant 12 : i32
          %broadcast_in_dim3A_386 = vector.broadcast %broadcast_in_dim3A_385 : i32 to vector<16xi32>
          %gather3A_387 = tpu.vector_load_idx %arg15[%broadcast_in_dim3A_386, %get3A_127] : memref<16x1024xf32, #tpu.memory_space<vmem>>[vector<16xi32>, vector<16xi32>], vector<16xf32>,
          %broadcast_in_dim3A_388 = arith.constant 13 : i32
          %broadcast_in_dim3A_389 = vector.broadcast %broadcast_in_dim3A_388 : i32 to vector<16xi32>
          %gather3A_390 = tpu.vector_load_idx %arg15[%broadcast_in_dim3A_389, %get3A_127] : memref<16x1024xf32, #tpu.memory_space<vmem>>[vector<16xi32>, vector<16xi32>], vector<16xf32>,
          %broadcast_in_dim3A_391 = arith.constant 14 : i32
          %broadcast_in_dim3A_392 = vector.broadcast %broadcast_in_dim3A_391 : i32 to vector<16xi32>
          %gather3A_393 = tpu.vector_load_idx %arg15[%broadcast_in_dim3A_392, %get3A_127] : memref<16x1024xf32, #tpu.memory_space<vmem>>[vector<16xi32>, vector<16xi32>], vector<16xf32>,
          %broadcast_in_dim3A_394 = arith.constant 15 : i32
          %broadcast_in_dim3A_395 = vector.broadcast %broadcast_in_dim3A_394 : i32 to vector<16xi32>
          %gather3A_396 = tpu.vector_load_idx %arg15[%broadcast_in_dim3A_395, %get3A_127] : memref<16x1024xf32, #tpu.memory_space<vmem>>[vector<16xi32>, vector<16xi32>], vector<16xf32>,
          %swap3A_397 = arith.constant 0 : i32
          %swap3A_398 = arith.index_cast %swap3A_397 : i32 to index
          %swap3A_399 = arith.index_cast %mul3A_126 : i32 to index
          %swap3A_400 = tpu.vector_load %arg17[%swap3A_398, %swap3A_399] {strides = array<i32>} : memref<16x1024xf32, #tpu.memory_space<vmem>>, vector<16xf32>,
          tpu.vector_store %arg17[%swap3A_398, %swap3A_399], %gather3A_351 {strides = array<i32>} : memref<16x1024xf32, #tpu.memory_space<vmem>>, vector<16xf32>,
          %swap3A_401 = arith.constant 1 : i32
          %swap3A_402 = arith.index_cast %swap3A_401 : i32 to index
          %swap3A_403 = arith.index_cast %mul3A_126 : i32 to index
          %swap3A_404 = tpu.vector_load %arg17[%swap3A_402, %swap3A_403] {strides = array<i32>} : memref<16x1024xf32, #tpu.memory_space<vmem>>, vector<16xf32>,
          tpu.vector_store %arg17[%swap3A_402, %swap3A_403], %gather3A_354 {strides = array<i32>} : memref<16x1024xf32, #tpu.memory_space<vmem>>, vector<16xf32>,
          %swap3A_405 = arith.constant 2 : i32
          %swap3A_406 = arith.index_cast %swap3A_405 : i32 to index
          %swap3A_407 = arith.index_cast %mul3A_126 : i32 to index
          %swap3A_408 = tpu.vector_load %arg17[%swap3A_406, %swap3A_407] {strides = array<i32>} : memref<16x1024xf32, #tpu.memory_space<vmem>>, vector<16xf32>,
          tpu.vector_store %arg17[%swap3A_406, %swap3A_407], %gather3A_357 {strides = array<i32>} : memref<16x1024xf32, #tpu.memory_space<vmem>>, vector<16xf32>,
          %swap3A_409 = arith.constant 3 : i32
          %swap3A_410 = arith.index_cast %swap3A_409 : i32 to index
          %swap3A_411 = arith.index_cast %mul3A_126 : i32 to index
          %swap3A_412 = tpu.vector_load %arg17[%swap3A_410, %swap3A_411] {strides = array<i32>} : memref<16x1024xf32, #tpu.memory_space<vmem>>, vector<16xf32>,
          tpu.vector_store %arg17[%swap3A_410, %swap3A_411], %gather3A_360 {strides = array<i32>} : memref<16x1024xf32, #tpu.memory_space<vmem>>, vector<16xf32>,
          %swap3A_413 = arith.constant 4 : i32
          %swap3A_414 = arith.index_cast %swap3A_413 : i32 to index
          %swap3A_415 = arith.index_cast %mul3A_126 : i32 to index
          %swap3A_416 = tpu.vector_load %arg17[%swap3A_414, %swap3A_415] {strides = array<i32>} : memref<16x1024xf32, #tpu.memory_space<vmem>>, vector<16xf32>,
          tpu.vector_store %arg17[%swap3A_414, %swap3A_415], %gather3A_363 {strides = array<i32>} : memref<16x1024xf32, #tpu.memory_space<vmem>>, vector<16xf32>,
          %swap3A_417 = arith.constant 5 : i32
          %swap3A_418 = arith.index_cast %swap3A_417 : i32 to index
          %swap3A_419 = arith.index_cast %mul3A_126 : i32 to index
          %swap3A_420 = tpu.vector_load %arg17[%swap3A_418, %swap3A_419] {strides = array<i32>} : memref<16x1024xf32, #tpu.memory_space<vmem>>, vector<16xf32>,
          tpu.vector_store %arg17[%swap3A_418, %swap3A_419], %gather3A_366 {strides = array<i32>} : memref<16x1024xf32, #tpu.memory_space<vmem>>, vector<16xf32>,
          %swap3A_421 = arith.constant 6 : i32
          %swap3A_422 = arith.index_cast %swap3A_421 : i32 to index
          %swap3A_423 = arith.index_cast %mul3A_126 : i32 to index
          %swap3A_424 = tpu.vector_load %arg17[%swap3A_422, %swap3A_423] {strides = array<i32>} : memref<16x1024xf32, #tpu.memory_space<vmem>>, vector<16xf32>,
          tpu.vector_store %arg17[%swap3A_422, %swap3A_423], %gather3A_369 {strides = array<i32>} : memref<16x1024xf32, #tpu.memory_space<vmem>>, vector<16xf32>,
          %swap3A_425 = arith.constant 7 : i32
          %swap3A_426 = arith.index_cast %swap3A_425 : i32 to index
          %swap3A_427 = arith.index_cast %mul3A_126 : i32 to index
          %swap3A_428 = tpu.vector_load %arg17[%swap3A_426, %swap3A_427] {strides = array<i32>} : memref<16x1024xf32, #tpu.memory_space<vmem>>, vector<16xf32>,
          tpu.vector_store %arg17[%swap3A_426, %swap3A_427], %gather3A_372 {strides = array<i32>} : memref<16x1024xf32, #tpu.memory_space<vmem>>, vector<16xf32>,
          %swap3A_429 = arith.constant 8 : i32
          %swap3A_430 = arith.index_cast %swap3A_429 : i32 to index
          %swap3A_431 = arith.index_cast %mul3A_126 : i32 to index
          %swap3A_432 = tpu.vector_load %arg17[%swap3A_430, %swap3A_431] {strides = array<i32>} : memref<16x1024xf32, #tpu.memory_space<vmem>>, vector<16xf32>,
          tpu.vector_store %arg17[%swap3A_430, %swap3A_431], %gather3A_375 {strides = array<i32>} : memref<16x1024xf32, #tpu.memory_space<vmem>>, vector<16xf32>,
          %swap3A_433 = arith.constant 9 : i32
          %swap3A_434 = arith.index_cast %swap3A_433 : i32 to index
          %swap3A_435 = arith.index_cast %mul3A_126 : i32 to index
          %swap3A_436 = tpu.vector_load %arg17[%swap3A_434, %swap3A_435] {strides = array<i32>} : memref<16x1024xf32, #tpu.memory_space<vmem>>, vector<16xf32>,
          tpu.vector_store %arg17[%swap3A_434, %swap3A_435], %gather3A_378 {strides = array<i32>} : memref<16x1024xf32, #tpu.memory_space<vmem>>, vector<16xf32>,
          %swap3A_437 = arith.constant 10 : i32
          %swap3A_438 = arith.index_cast %swap3A_437 : i32 to index
          %swap3A_439 = arith.index_cast %mul3A_126 : i32 to index
          %swap3A_440 = tpu.vector_load %arg17[%swap3A_438, %swap3A_439] {strides = array<i32>} : memref<16x1024xf32, #tpu.memory_space<vmem>>, vector<16xf32>,
          tpu.vector_store %arg17[%swap3A_438, %swap3A_439], %gather3A_381 {strides = array<i32>} : memref<16x1024xf32, #tpu.memory_space<vmem>>, vector<16xf32>,
          %swap3A_441 = arith.constant 11 : i32
          %swap3A_442 = arith.index_cast %swap3A_441 : i32 to index
          %swap3A_443 = arith.index_cast %mul3A_126 : i32 to index
          %swap3A_444 = tpu.vector_load %arg17[%swap3A_442, %swap3A_443] {strides = array<i32>} : memref<16x1024xf32, #tpu.memory_space<vmem>>, vector<16xf32>,
          tpu.vector_store %arg17[%swap3A_442, %swap3A_443], %gather3A_384 {strides = array<i32>} : memref<16x1024xf32, #tpu.memory_space<vmem>>, vector<16xf32>,
          %swap3A_445 = arith.constant 12 : i32
          %swap3A_446 = arith.index_cast %swap3A_445 : i32 to index
          %swap3A_447 = arith.index_cast %mul3A_126 : i32 to index
          %swap3A_448 = tpu.vector_load %arg17[%swap3A_446, %swap3A_447] {strides = array<i32>} : memref<16x1024xf32, #tpu.memory_space<vmem>>, vector<16xf32>,
          tpu.vector_store %arg17[%swap3A_446, %swap3A_447], %gather3A_387 {strides = array<i32>} : memref<16x1024xf32, #tpu.memory_space<vmem>>, vector<16xf32>,
          %swap3A_449 = arith.constant 13 : i32
          %swap3A_450 = arith.index_cast %swap3A_449 : i32 to index
          %swap3A_451 = arith.index_cast %mul3A_126 : i32 to index
          %swap3A_452 = tpu.vector_load %arg17[%swap3A_450, %swap3A_451] {strides = array<i32>} : memref<16x1024xf32, #tpu.memory_space<vmem>>, vector<16xf32>,
          tpu.vector_store %arg17[%swap3A_450, %swap3A_451], %gather3A_390 {strides = array<i32>} : memref<16x1024xf32, #tpu.memory_space<vmem>>, vector<16xf32>,
          %swap3A_453 = arith.constant 14 : i32
          %swap3A_454 = arith.index_cast %swap3A_453 : i32 to index
          %swap3A_455 = arith.index_cast %mul3A_126 : i32 to index
          %swap3A_456 = tpu.vector_load %arg17[%swap3A_454, %swap3A_455] {strides = array<i32>} : memref<16x1024xf32, #tpu.memory_space<vmem>>, vector<16xf32>,
          tpu.vector_store %arg17[%swap3A_454, %swap3A_455], %gather3A_393 {strides = array<i32>} : memref<16x1024xf32, #tpu.memory_space<vmem>>, vector<16xf32>,
          %swap3A_457 = arith.constant 15 : i32
          %swap3A_458 = arith.index_cast %swap3A_457 : i32 to index
          %swap3A_459 = arith.index_cast %mul3A_126 : i32 to index
          %swap3A_460 = tpu.vector_load %arg17[%swap3A_458, %swap3A_459] {strides = array<i32>} : memref<16x1024xf32, #tpu.memory_space<vmem>>, vector<16xf32>,
          tpu.vector_store %arg17[%swap3A_458, %swap3A_459], %gather3A_396 {strides = array<i32>} : memref<16x1024xf32, #tpu.memory_space<vmem>>, vector<16xf32>,
          %scan3A_461 = arith.constant 0 : i32
          scf.yield %scan3A_461 : i32
        }
        %scan3A_105 = arith.constant 64 : i32
        %dma_start3A_106 = arith.constant 0 : i32
        %dma_start3A_107 = arith.constant 0 : i32
        %dma_start3A_108 = tpu.memref_slice %arg6[%add3A_48, %dma_start3A_106, %dma_start3A_107] : memref<1024x32x1024xf32, #tpu.memory_space<hbm>> -> memref<1x32x1024xf32, #tpu.memory_space<hbm>>
        %dma_start3A_109 = tpu.memref_squeeze %dma_start3A_108 : memref<1x32x1024xf32, #tpu.memory_space<hbm>> -> memref<32x1024xf32, #tpu.memory_space<hbm>>
        %dma_start3A_110 = arith.constant 0 : i32
        %dma_start3A_111 = arith.constant 0 : i32
        %dma_start3A_112 = tpu.memref_slice %arg6[%add3A_48, %dma_start3A_110, %dma_start3A_111] : memref<1024x32x1024xf32, #tpu.memory_space<hbm>> -> memref<1x32x1024xf32, #tpu.memory_space<hbm>>
        %dma_start3A_113 = tpu.memref_squeeze %dma_start3A_112 : memref<1x32x1024xf32, #tpu.memory_space<hbm>> -> memref<32x1024xf32, #tpu.memory_space<hbm>>
        tpu.enqueue_dma source(%arg16 : memref<32x1024xf32, #tpu.memory_space<vmem>>) target(%dma_start3A_113 : memref<32x1024xf32, #tpu.memory_space<hbm>>) target_semaphore(%arg19 : memref<!tpu.dma_semaphore, #tpu.memory_space<semaphore_mem>>)
        %dma_start3A_114 = arith.constant 0 : i32
        %dma_start3A_115 = arith.constant 0 : i32
        %dma_start3A_116 = tpu.memref_slice %arg7[%add3A_48, %dma_start3A_114, %dma_start3A_115] : memref<1024x16x1024xf32, #tpu.memory_space<hbm>> -> memref<1x16x1024xf32, #tpu.memory_space<hbm>>
        %dma_start3A_117 = tpu.memref_squeeze %dma_start3A_116 : memref<1x16x1024xf32, #tpu.memory_space<hbm>> -> memref<16x1024xf32, #tpu.memory_space<hbm>>
        %dma_start3A_118 = arith.constant 0 : i32
        %dma_start3A_119 = arith.constant 0 : i32
        %dma_start3A_120 = tpu.memref_slice %arg7[%add3A_48, %dma_start3A_118, %dma_start3A_119] : memref<1024x16x1024xf32, #tpu.memory_space<hbm>> -> memref<1x16x1024xf32, #tpu.memory_space<hbm>>
        %dma_start3A_121 = tpu.memref_squeeze %dma_start3A_120 : memref<1x16x1024xf32, #tpu.memory_space<hbm>> -> memref<16x1024xf32, #tpu.memory_space<hbm>>
        tpu.enqueue_dma source(%arg17 : memref<16x1024xf32, #tpu.memory_space<vmem>>) target(%dma_start3A_121 : memref<16x1024xf32, #tpu.memory_space<hbm>>) target_semaphore(%arg19 : memref<!tpu.dma_semaphore, #tpu.memory_space<semaphore_mem>>)
        %scan3A_122 = arith.constant 0 : i32
        scf.yield %scan3A_122 : i32
      }
      %scan3A_44 = arith.constant 8 : i32
      "tpu.region"() ({
        %run_scoped3A = tpu.sem_alloc : memref<!tpu.dma_semaphore, #tpu.memory_space<semaphore_mem>>
        %dma_start3A = arith.constant 0 : i32
        %dma_start3A_46 = tpu.memref_slice %arg8[%mul3A_37, %dma_start3A] : memref<1024x1024xf32, #tpu.memory_space<hbm>> -> memref<8x1024xf32, #tpu.memory_space<hbm>>
        %dma_start3A_47 = arith.constant 0 : i32
        %dma_start3A_48 = tpu.memref_slice %arg8[%mul3A_37, %dma_start3A_47] : memref<1024x1024xf32, #tpu.memory_space<hbm>> -> memref<8x1024xf32, #tpu.memory_space<hbm>>
        tpu.enqueue_dma source(%arg11 : memref<8x1024xf32, #tpu.memory_space<vmem>>) target(%dma_start3A_48 : memref<8x1024xf32, #tpu.memory_space<hbm>>) target_semaphore(%run_scoped3A : memref<!tpu.dma_semaphore, #tpu.memory_space<semaphore_mem>>)
        %dma_wait3A_49 = arith.constant 0 : i32
        %dma_wait3A_50 = tpu.memref_slice %arg8[%mul3A_37, %dma_wait3A_49] : memref<1024x1024xf32, #tpu.memory_space<hbm>> -> memref<8x1024xf32, #tpu.memory_space<hbm>>
        %dma_wait3A_51 = arith.constant 0 : i32
        %dma_wait3A_52 = tpu.memref_slice %arg8[%mul3A_37, %dma_wait3A_51] : memref<1024x1024xf32, #tpu.memory_space<hbm>> -> memref<8x1024xf32, #tpu.memory_space<hbm>>
        tpu.wait_dma2 semaphore(%run_scoped3A : memref<!tpu.dma_semaphore, #tpu.memory_space<semaphore_mem>>) src(%arg11 : memref<8x1024xf32, #tpu.memory_space<vmem>>) dst(%dma_wait3A_52 : memref<8x1024xf32, #tpu.memory_space<hbm>>)
        tpu.yield
      }) : () -> ()
      %scan3A_45 = arith.constant 0 : i32
      scf.yield %scan3A_45 : i32
    }
    %scan3A_13 = arith.constant 4 : i32
    %dma_wait3A = arith.constant 0 : i32
    %dma_wait3A_14 = arith.constant 0 : i32
    %dma_wait3A_15 = arith.constant 0 : i32
    %dma_wait3A_16 = tpu.memref_slice %arg4[%dma_wait3A, %dma_wait3A_14, %dma_wait3A_15] : memref<1024x32x1024xf32, #tpu.memory_space<hbm>> -> memref<1x32x1024xf32, #tpu.memory_space<hbm>>
    %dma_wait3A_17 = tpu.memref_squeeze %dma_wait3A_16 : memref<1x32x1024xf32, #tpu.memory_space<hbm>> -> memref<32x1024xf32, #tpu.memory_space<hbm>>
    %dma_wait3A_18 = arith.constant 0 : i32
    %dma_wait3A_19 = arith.constant 0 : i32
    %dma_wait3A_20 = tpu.memref_slice %arg4[%dma_wait3A, %dma_wait3A_18, %dma_wait3A_19] : memref<1024x32x1024xf32, #tpu.memory_space<hbm>> -> memref<1x32x1024xf32, #tpu.memory_space<hbm>>
    %dma_wait3A_21 = tpu.memref_squeeze %dma_wait3A_20 : memref<1x32x1024xf32, #tpu.memory_space<hbm>> -> memref<32x1024xf32, #tpu.memory_space<hbm>>
    tpu.wait_dma2 semaphore(%arg19 : memref<!tpu.dma_semaphore, #tpu.memory_space<semaphore_mem>>) src(%dma_wait3A_21 : memref<32x1024xf32, #tpu.memory_space<hbm>>) dst(%arg16 : memref<32x1024xf32, #tpu.memory_space<vmem>>)
    %dma_wait3A_22 = arith.constant 0 : i32
    %dma_wait3A_23 = arith.constant 0 : i32
    %dma_wait3A_24 = arith.constant 0 : i32
    %dma_wait3A_25 = tpu.memref_slice %arg5[%dma_wait3A_22, %dma_wait3A_23, %dma_wait3A_24] : memref<1024x16x1024xf32, #tpu.memory_space<hbm>> -> memref<1x16x1024xf32, #tpu.memory_space<hbm>>
    %dma_wait3A_26 = tpu.memref_squeeze %dma_wait3A_25 : memref<1x16x1024xf32, #tpu.memory_space<hbm>> -> memref<16x1024xf32, #tpu.memory_space<hbm>>
    %dma_wait3A_27 = arith.constant 0 : i32
    %dma_wait3A_28 = arith.constant 0 : i32
    %dma_wait3A_29 = tpu.memref_slice %arg5[%dma_wait3A_22, %dma_wait3A_27, %dma_wait3A_28] : memref<1024x16x1024xf32, #tpu.memory_space<hbm>> -> memref<1x16x1024xf32, #tpu.memory_space<hbm>>
    %dma_wait3A_30 = tpu.memref_squeeze %dma_wait3A_29 : memref<1x16x1024xf32, #tpu.memory_space<hbm>> -> memref<16x1024xf32, #tpu.memory_space<hbm>>
    tpu.wait_dma2 semaphore(%arg19 : memref<!tpu.dma_semaphore, #tpu.memory_space<semaphore_mem>>) src(%dma_wait3A_30 : memref<16x1024xf32, #tpu.memory_space<hbm>>) dst(%arg17 : memref<16x1024xf32, #tpu.memory_space<vmem>>)
    return
  }
}

module attributes {stable_mosaic.version = 14 : i64} {
  func.func @_prep_body(%arg0: i32, %arg1: memref<128x1024xf32, #tpu.memory_space<vmem>>, %arg2: memref<128x1024xf32, #tpu.memory_space<vmem>>) attributes {dimension_semantics = [#tpu.dimension_semantics<arbitrary>], iteration_bounds = array<i64: 8>, scalar_prefetch = 0 : i64, scratch_operands = 0 : i64, tpu.core_type = #tpu.core_type<tc>, window_params = [{transform_indices = @transform_0, window_bounds = array<i64: 128, 1024>}, {transform_indices = @transform_1, window_bounds = array<i64: 128, 1024>}]} {
    %get3A = arith.constant 0 : index
    %get3A_0 = arith.constant 0 : index
    %get3A_1 = vector.load %arg1[%get3A, %get3A_0] : memref<128x1024xf32, #tpu.memory_space<vmem>>, vector<128x1024xf32>
    %reduce_max3A = arith.constant dense<0xFF800000> : vector<128xf32>
    %reduce_max3A_2 = vector.multi_reduction <maximumf>, %get3A_1, %reduce_max3A [1] : vector<128x1024xf32> to vector<128xf32>
    %max3A = arith.constant 0xFF800000 : f32
    %max3A_3 = vector.broadcast %max3A : f32 to vector<128xf32>
    %max3A_4 = arith.maximumf %max3A_3, %reduce_max3A_2 : vector<128xf32>
    %broadcast_in_dim3A = vector.shape_cast %max3A_4 : vector<128xf32> to vector<128x1xf32>
    %sub3A = vector.broadcast %broadcast_in_dim3A : vector<128x1xf32> to vector<128x1024xf32>
    %sub3A_5 = arith.subf %get3A_1, %sub3A : vector<128x1024xf32>
    %exp3A = math.exp %sub3A_5 : vector<128x1024xf32>
    %reduce_sum3A = arith.constant dense<0.000000e+00> : vector<128xf32>
    %reduce_sum3A_6 = vector.multi_reduction <add>, %exp3A, %reduce_sum3A [1] : vector<128x1024xf32> to vector<128xf32>
    %broadcast_in_dim3A_7 = vector.shape_cast %reduce_sum3A_6 : vector<128xf32> to vector<128x1xf32>
    %div3A = vector.broadcast %broadcast_in_dim3A_7 : vector<128x1xf32> to vector<128x1024xf32>
    %div3A_8 = arith.divf %exp3A, %div3A : vector<128x1024xf32>
    %mul3A = arith.constant 5.000000e-01 : f32
    %mul3A_9 = vector.broadcast %mul3A : f32 to vector<128x1024xf32>
    %mul3A_10 = arith.mulf %mul3A_9, %div3A_8 : vector<128x1024xf32>
    %add3A = arith.constant 4.8828125E-4 : f32
    %add3A_11 = vector.broadcast %add3A : f32 to vector<128x1024xf32>
    %add3A_12 = arith.addf %mul3A_10, %add3A_11 : vector<128x1024xf32>
    %swap3A = arith.constant 0 : index
    %swap3A_13 = arith.constant 0 : index
    %swap3A_14 = vector.load %arg2[%swap3A, %swap3A_13] : memref<128x1024xf32, #tpu.memory_space<vmem>>, vector<128x1024xf32>
    tpu.vector_store %arg2[%swap3A, %swap3A_13], %add3A_12 {strides = array<i32>} : memref<128x1024xf32, #tpu.memory_space<vmem>>, vector<128x1024xf32>,
    return
  }
  func.func @transform_0(%arg0: i32) -> (i32, i32) {
    %c0_i32 = arith.constant 0 : i32
    %c0_i32_0 = arith.constant 0 : i32
    return %arg0, %c0_i32 : i32, i32
  }
  func.func @transform_1(%arg0: i32) -> (i32, i32) {
    %c0_i32 = arith.constant 0 : i32
    %c0_i32_0 = arith.constant 0 : i32
    return %arg0, %c0_i32 : i32, i32
  }
}

module attributes {stable_mosaic.version = 14 : i64} {
  func.func @_scan_body(%arg0: i32, %arg1: memref<128x512xf32, #tpu.memory_space<vmem>>, %arg2: memref<128x512xf32, #tpu.memory_space<vmem>>) attributes {dimension_semantics = [#tpu.dimension_semantics<arbitrary>], iteration_bounds = array<i64: 16>, scalar_prefetch = 0 : i64, scratch_operands = 0 : i64, tpu.core_type = #tpu.core_type<tc>, window_params = [{transform_indices = @transform_0, window_bounds = array<i64: 128, 512>}, {transform_indices = @transform_1, window_bounds = array<i64: 128, 512>}]} {
    %get3A = arith.constant 0 : index
    %get3A_0 = arith.constant 0 : index
    %get3A_1 = vector.load %arg1[%get3A, %get3A_0] : memref<128x512xf32, #tpu.memory_space<vmem>>, vector<1x512xf32>
    %get3A_2 = vector.shape_cast %get3A_1 : vector<1x512xf32> to vector<512xf32>
    %swap3A = arith.constant 0 : index
    %swap3A_3 = arith.constant 0 : index
    %swap3A_4 = vector.load %arg2[%swap3A, %swap3A_3] : memref<128x512xf32, #tpu.memory_space<vmem>>, vector<1x512xf32>
    %swap3A_5 = vector.shape_cast %swap3A_4 : vector<1x512xf32> to vector<512xf32>
    %swap3A_6 = vector.shape_cast %get3A_2 : vector<512xf32> to vector<1x512xf32>
    tpu.vector_store %arg2[%swap3A, %swap3A_3], %swap3A_6 {strides = array<i32>} : memref<128x512xf32, #tpu.memory_space<vmem>>, vector<1x512xf32>,
    %get3A_7 = arith.constant 0 : index
    %get3A_8 = arith.constant 0 : index
    %get3A_9 = vector.load %arg2[%get3A_7, %get3A_8] : memref<128x512xf32, #tpu.memory_space<vmem>>, vector<1x512xf32>
    %get3A_10 = vector.shape_cast %get3A_9 : vector<1x512xf32> to vector<512xf32>
    %get3A_11 = arith.constant 1 : index
    %get3A_12 = arith.constant 0 : index
    %get3A_13 = vector.load %arg1[%get3A_11, %get3A_12] : memref<128x512xf32, #tpu.memory_space<vmem>>, vector<1x512xf32>
    %get3A_14 = vector.shape_cast %get3A_13 : vector<1x512xf32> to vector<512xf32>
    %add3A = arith.addf %get3A_10, %get3A_14 : vector<512xf32>
    %swap3A_15 = arith.constant 1 : index
    %swap3A_16 = arith.constant 0 : index
    %swap3A_17 = vector.load %arg2[%swap3A_15, %swap3A_16] : memref<128x512xf32, #tpu.memory_space<vmem>>, vector<1x512xf32>
    %swap3A_18 = vector.shape_cast %swap3A_17 : vector<1x512xf32> to vector<512xf32>
    %swap3A_19 = vector.shape_cast %add3A : vector<512xf32> to vector<1x512xf32>
    tpu.vector_store %arg2[%swap3A_15, %swap3A_16], %swap3A_19 {strides = array<i32>} : memref<128x512xf32, #tpu.memory_space<vmem>>, vector<1x512xf32>,
    %get3A_20 = arith.constant 1 : index
    %get3A_21 = arith.constant 0 : index
    %get3A_22 = vector.load %arg2[%get3A_20, %get3A_21] : memref<128x512xf32, #tpu.memory_space<vmem>>, vector<1x512xf32>
    %get3A_23 = vector.shape_cast %get3A_22 : vector<1x512xf32> to vector<512xf32>
    %get3A_24 = arith.constant 2 : index
    %get3A_25 = arith.constant 0 : index
    %get3A_26 = vector.load %arg1[%get3A_24, %get3A_25] : memref<128x512xf32, #tpu.memory_space<vmem>>, vector<1x512xf32>
    %get3A_27 = vector.shape_cast %get3A_26 : vector<1x512xf32> to vector<512xf32>
    %add3A_28 = arith.addf %get3A_23, %get3A_27 : vector<512xf32>
    %swap3A_29 = arith.constant 2 : index
    %swap3A_30 = arith.constant 0 : index
    %swap3A_31 = vector.load %arg2[%swap3A_29, %swap3A_30] : memref<128x512xf32, #tpu.memory_space<vmem>>, vector<1x512xf32>
    %swap3A_32 = vector.shape_cast %swap3A_31 : vector<1x512xf32> to vector<512xf32>
    %swap3A_33 = vector.shape_cast %add3A_28 : vector<512xf32> to vector<1x512xf32>
    tpu.vector_store %arg2[%swap3A_29, %swap3A_30], %swap3A_33 {strides = array<i32>} : memref<128x512xf32, #tpu.memory_space<vmem>>, vector<1x512xf32>,
    %get3A_34 = arith.constant 2 : index
    %get3A_35 = arith.constant 0 : index
    %get3A_36 = vector.load %arg2[%get3A_34, %get3A_35] : memref<128x512xf32, #tpu.memory_space<vmem>>, vector<1x512xf32>
    %get3A_37 = vector.shape_cast %get3A_36 : vector<1x512xf32> to vector<512xf32>
    %get3A_38 = arith.constant 3 : index
    %get3A_39 = arith.constant 0 : index
    %get3A_40 = vector.load %arg1[%get3A_38, %get3A_39] : memref<128x512xf32, #tpu.memory_space<vmem>>, vector<1x512xf32>
    %get3A_41 = vector.shape_cast %get3A_40 : vector<1x512xf32> to vector<512xf32>
    %add3A_42 = arith.addf %get3A_37, %get3A_41 : vector<512xf32>
    %swap3A_43 = arith.constant 3 : index
    %swap3A_44 = arith.constant 0 : index
    %swap3A_45 = vector.load %arg2[%swap3A_43, %swap3A_44] : memref<128x512xf32, #tpu.memory_space<vmem>>, vector<1x512xf32>
    %swap3A_46 = vector.shape_cast %swap3A_45 : vector<1x512xf32> to vector<512xf32>
    %swap3A_47 = vector.shape_cast %add3A_42 : vector<512xf32> to vector<1x512xf32>
    tpu.vector_store %arg2[%swap3A_43, %swap3A_44], %swap3A_47 {strides = array<i32>} : memref<128x512xf32, #tpu.memory_space<vmem>>, vector<1x512xf32>,
    %get3A_48 = arith.constant 3 : index
    %get3A_49 = arith.constant 0 : index
    %get3A_50 = vector.load %arg2[%get3A_48, %get3A_49] : memref<128x512xf32, #tpu.memory_space<vmem>>, vector<1x512xf32>
    %get3A_51 = vector.shape_cast %get3A_50 : vector<1x512xf32> to vector<512xf32>
    %get3A_52 = arith.constant 4 : index
    %get3A_53 = arith.constant 0 : index
    %get3A_54 = vector.load %arg1[%get3A_52, %get3A_53] : memref<128x512xf32, #tpu.memory_space<vmem>>, vector<1x512xf32>
    %get3A_55 = vector.shape_cast %get3A_54 : vector<1x512xf32> to vector<512xf32>
    %add3A_56 = arith.addf %get3A_51, %get3A_55 : vector<512xf32>
    %swap3A_57 = arith.constant 4 : index
    %swap3A_58 = arith.constant 0 : index
    %swap3A_59 = vector.load %arg2[%swap3A_57, %swap3A_58] : memref<128x512xf32, #tpu.memory_space<vmem>>, vector<1x512xf32>
    %swap3A_60 = vector.shape_cast %swap3A_59 : vector<1x512xf32> to vector<512xf32>
    %swap3A_61 = vector.shape_cast %add3A_56 : vector<512xf32> to vector<1x512xf32>
    tpu.vector_store %arg2[%swap3A_57, %swap3A_58], %swap3A_61 {strides = array<i32>} : memref<128x512xf32, #tpu.memory_space<vmem>>, vector<1x512xf32>,
    %get3A_62 = arith.constant 4 : index
    %get3A_63 = arith.constant 0 : index
    %get3A_64 = vector.load %arg2[%get3A_62, %get3A_63] : memref<128x512xf32, #tpu.memory_space<vmem>>, vector<1x512xf32>
    %get3A_65 = vector.shape_cast %get3A_64 : vector<1x512xf32> to vector<512xf32>
    %get3A_66 = arith.constant 5 : index
    %get3A_67 = arith.constant 0 : index
    %get3A_68 = vector.load %arg1[%get3A_66, %get3A_67] : memref<128x512xf32, #tpu.memory_space<vmem>>, vector<1x512xf32>
    %get3A_69 = vector.shape_cast %get3A_68 : vector<1x512xf32> to vector<512xf32>
    %add3A_70 = arith.addf %get3A_65, %get3A_69 : vector<512xf32>
    %swap3A_71 = arith.constant 5 : index
    %swap3A_72 = arith.constant 0 : index
    %swap3A_73 = vector.load %arg2[%swap3A_71, %swap3A_72] : memref<128x512xf32, #tpu.memory_space<vmem>>, vector<1x512xf32>
    %swap3A_74 = vector.shape_cast %swap3A_73 : vector<1x512xf32> to vector<512xf32>
    %swap3A_75 = vector.shape_cast %add3A_70 : vector<512xf32> to vector<1x512xf32>
    tpu.vector_store %arg2[%swap3A_71, %swap3A_72], %swap3A_75 {strides = array<i32>} : memref<128x512xf32, #tpu.memory_space<vmem>>, vector<1x512xf32>,
    %get3A_76 = arith.constant 5 : index
    %get3A_77 = arith.constant 0 : index
    %get3A_78 = vector.load %arg2[%get3A_76, %get3A_77] : memref<128x512xf32, #tpu.memory_space<vmem>>, vector<1x512xf32>
    %get3A_79 = vector.shape_cast %get3A_78 : vector<1x512xf32> to vector<512xf32>
    %get3A_80 = arith.constant 6 : index
    %get3A_81 = arith.constant 0 : index
    %get3A_82 = vector.load %arg1[%get3A_80, %get3A_81] : memref<128x512xf32, #tpu.memory_space<vmem>>, vector<1x512xf32>
    %get3A_83 = vector.shape_cast %get3A_82 : vector<1x512xf32> to vector<512xf32>
    %add3A_84 = arith.addf %get3A_79, %get3A_83 : vector<512xf32>
    %swap3A_85 = arith.constant 6 : index
    %swap3A_86 = arith.constant 0 : index
    %swap3A_87 = vector.load %arg2[%swap3A_85, %swap3A_86] : memref<128x512xf32, #tpu.memory_space<vmem>>, vector<1x512xf32>
    %swap3A_88 = vector.shape_cast %swap3A_87 : vector<1x512xf32> to vector<512xf32>
    %swap3A_89 = vector.shape_cast %add3A_84 : vector<512xf32> to vector<1x512xf32>
    tpu.vector_store %arg2[%swap3A_85, %swap3A_86], %swap3A_89 {strides = array<i32>} : memref<128x512xf32, #tpu.memory_space<vmem>>, vector<1x512xf32>,
    %get3A_90 = arith.constant 6 : index
    %get3A_91 = arith.constant 0 : index
    %get3A_92 = vector.load %arg2[%get3A_90, %get3A_91] : memref<128x512xf32, #tpu.memory_space<vmem>>, vector<1x512xf32>
    %get3A_93 = vector.shape_cast %get3A_92 : vector<1x512xf32> to vector<512xf32>
    %get3A_94 = arith.constant 7 : index
    %get3A_95 = arith.constant 0 : index
    %get3A_96 = vector.load %arg1[%get3A_94, %get3A_95] : memref<128x512xf32, #tpu.memory_space<vmem>>, vector<1x512xf32>
    %get3A_97 = vector.shape_cast %get3A_96 : vector<1x512xf32> to vector<512xf32>
    %add3A_98 = arith.addf %get3A_93, %get3A_97 : vector<512xf32>
    %swap3A_99 = arith.constant 7 : index
    %swap3A_100 = arith.constant 0 : index
    %swap3A_101 = vector.load %arg2[%swap3A_99, %swap3A_100] : memref<128x512xf32, #tpu.memory_space<vmem>>, vector<1x512xf32>
    %swap3A_102 = vector.shape_cast %swap3A_101 : vector<1x512xf32> to vector<512xf32>
    %swap3A_103 = vector.shape_cast %add3A_98 : vector<512xf32> to vector<1x512xf32>
    tpu.vector_store %arg2[%swap3A_99, %swap3A_100], %swap3A_103 {strides = array<i32>} : memref<128x512xf32, #tpu.memory_space<vmem>>, vector<1x512xf32>,
    %get3A_104 = arith.constant 7 : index
    %get3A_105 = arith.constant 0 : index
    %get3A_106 = vector.load %arg2[%get3A_104, %get3A_105] : memref<128x512xf32, #tpu.memory_space<vmem>>, vector<1x512xf32>
    %get3A_107 = vector.shape_cast %get3A_106 : vector<1x512xf32> to vector<512xf32>
    %get3A_108 = arith.constant 8 : index
    %get3A_109 = arith.constant 0 : index
    %get3A_110 = vector.load %arg1[%get3A_108, %get3A_109] : memref<128x512xf32, #tpu.memory_space<vmem>>, vector<1x512xf32>
    %get3A_111 = vector.shape_cast %get3A_110 : vector<1x512xf32> to vector<512xf32>
    %add3A_112 = arith.addf %get3A_107, %get3A_111 : vector<512xf32>
    %swap3A_113 = arith.constant 8 : index
    %swap3A_114 = arith.constant 0 : index
    %swap3A_115 = vector.load %arg2[%swap3A_113, %swap3A_114] : memref<128x512xf32, #tpu.memory_space<vmem>>, vector<1x512xf32>
    %swap3A_116 = vector.shape_cast %swap3A_115 : vector<1x512xf32> to vector<512xf32>
    %swap3A_117 = vector.shape_cast %add3A_112 : vector<512xf32> to vector<1x512xf32>
    tpu.vector_store %arg2[%swap3A_113, %swap3A_114], %swap3A_117 {strides = array<i32>} : memref<128x512xf32, #tpu.memory_space<vmem>>, vector<1x512xf32>,
    %get3A_118 = arith.constant 8 : index
    %get3A_119 = arith.constant 0 : index
    %get3A_120 = vector.load %arg2[%get3A_118, %get3A_119] : memref<128x512xf32, #tpu.memory_space<vmem>>, vector<1x512xf32>
    %get3A_121 = vector.shape_cast %get3A_120 : vector<1x512xf32> to vector<512xf32>
    %get3A_122 = arith.constant 9 : index
    %get3A_123 = arith.constant 0 : index
    %get3A_124 = vector.load %arg1[%get3A_122, %get3A_123] : memref<128x512xf32, #tpu.memory_space<vmem>>, vector<1x512xf32>
    %get3A_125 = vector.shape_cast %get3A_124 : vector<1x512xf32> to vector<512xf32>
    %add3A_126 = arith.addf %get3A_121, %get3A_125 : vector<512xf32>
    %swap3A_127 = arith.constant 9 : index
    %swap3A_128 = arith.constant 0 : index
    %swap3A_129 = vector.load %arg2[%swap3A_127, %swap3A_128] : memref<128x512xf32, #tpu.memory_space<vmem>>, vector<1x512xf32>
    %swap3A_130 = vector.shape_cast %swap3A_129 : vector<1x512xf32> to vector<512xf32>
    %swap3A_131 = vector.shape_cast %add3A_126 : vector<512xf32> to vector<1x512xf32>
    tpu.vector_store %arg2[%swap3A_127, %swap3A_128], %swap3A_131 {strides = array<i32>} : memref<128x512xf32, #tpu.memory_space<vmem>>, vector<1x512xf32>,
    %get3A_132 = arith.constant 9 : index
    %get3A_133 = arith.constant 0 : index
    %get3A_134 = vector.load %arg2[%get3A_132, %get3A_133] : memref<128x512xf32, #tpu.memory_space<vmem>>, vector<1x512xf32>
    %get3A_135 = vector.shape_cast %get3A_134 : vector<1x512xf32> to vector<512xf32>
    %get3A_136 = arith.constant 10 : index
    %get3A_137 = arith.constant 0 : index
    %get3A_138 = vector.load %arg1[%get3A_136, %get3A_137] : memref<128x512xf32, #tpu.memory_space<vmem>>, vector<1x512xf32>
    %get3A_139 = vector.shape_cast %get3A_138 : vector<1x512xf32> to vector<512xf32>
    %add3A_140 = arith.addf %get3A_135, %get3A_139 : vector<512xf32>
    %swap3A_141 = arith.constant 10 : index
    %swap3A_142 = arith.constant 0 : index
    %swap3A_143 = vector.load %arg2[%swap3A_141, %swap3A_142] : memref<128x512xf32, #tpu.memory_space<vmem>>, vector<1x512xf32>
    %swap3A_144 = vector.shape_cast %swap3A_143 : vector<1x512xf32> to vector<512xf32>
    %swap3A_145 = vector.shape_cast %add3A_140 : vector<512xf32> to vector<1x512xf32>
    tpu.vector_store %arg2[%swap3A_141, %swap3A_142], %swap3A_145 {strides = array<i32>} : memref<128x512xf32, #tpu.memory_space<vmem>>, vector<1x512xf32>,
    %get3A_146 = arith.constant 10 : index
    %get3A_147 = arith.constant 0 : index
    %get3A_148 = vector.load %arg2[%get3A_146, %get3A_147] : memref<128x512xf32, #tpu.memory_space<vmem>>, vector<1x512xf32>
    %get3A_149 = vector.shape_cast %get3A_148 : vector<1x512xf32> to vector<512xf32>
    %get3A_150 = arith.constant 11 : index
    %get3A_151 = arith.constant 0 : index
    %get3A_152 = vector.load %arg1[%get3A_150, %get3A_151] : memref<128x512xf32, #tpu.memory_space<vmem>>, vector<1x512xf32>
    %get3A_153 = vector.shape_cast %get3A_152 : vector<1x512xf32> to vector<512xf32>
    %add3A_154 = arith.addf %get3A_149, %get3A_153 : vector<512xf32>
    %swap3A_155 = arith.constant 11 : index
    %swap3A_156 = arith.constant 0 : index
    %swap3A_157 = vector.load %arg2[%swap3A_155, %swap3A_156] : memref<128x512xf32, #tpu.memory_space<vmem>>, vector<1x512xf32>
    %swap3A_158 = vector.shape_cast %swap3A_157 : vector<1x512xf32> to vector<512xf32>
    %swap3A_159 = vector.shape_cast %add3A_154 : vector<512xf32> to vector<1x512xf32>
    tpu.vector_store %arg2[%swap3A_155, %swap3A_156], %swap3A_159 {strides = array<i32>} : memref<128x512xf32, #tpu.memory_space<vmem>>, vector<1x512xf32>,
    %get3A_160 = arith.constant 11 : index
    %get3A_161 = arith.constant 0 : index
    %get3A_162 = vector.load %arg2[%get3A_160, %get3A_161] : memref<128x512xf32, #tpu.memory_space<vmem>>, vector<1x512xf32>
    %get3A_163 = vector.shape_cast %get3A_162 : vector<1x512xf32> to vector<512xf32>
    %get3A_164 = arith.constant 12 : index
    %get3A_165 = arith.constant 0 : index
    %get3A_166 = vector.load %arg1[%get3A_164, %get3A_165] : memref<128x512xf32, #tpu.memory_space<vmem>>, vector<1x512xf32>
    %get3A_167 = vector.shape_cast %get3A_166 : vector<1x512xf32> to vector<512xf32>
    %add3A_168 = arith.addf %get3A_163, %get3A_167 : vector<512xf32>
    %swap3A_169 = arith.constant 12 : index
    %swap3A_170 = arith.constant 0 : index
    %swap3A_171 = vector.load %arg2[%swap3A_169, %swap3A_170] : memref<128x512xf32, #tpu.memory_space<vmem>>, vector<1x512xf32>
    %swap3A_172 = vector.shape_cast %swap3A_171 : vector<1x512xf32> to vector<512xf32>
    %swap3A_173 = vector.shape_cast %add3A_168 : vector<512xf32> to vector<1x512xf32>
    tpu.vector_store %arg2[%swap3A_169, %swap3A_170], %swap3A_173 {strides = array<i32>} : memref<128x512xf32, #tpu.memory_space<vmem>>, vector<1x512xf32>,
    %get3A_174 = arith.constant 12 : index
    %get3A_175 = arith.constant 0 : index
    %get3A_176 = vector.load %arg2[%get3A_174, %get3A_175] : memref<128x512xf32, #tpu.memory_space<vmem>>, vector<1x512xf32>
    %get3A_177 = vector.shape_cast %get3A_176 : vector<1x512xf32> to vector<512xf32>
    %get3A_178 = arith.constant 13 : index
    %get3A_179 = arith.constant 0 : index
    %get3A_180 = vector.load %arg1[%get3A_178, %get3A_179] : memref<128x512xf32, #tpu.memory_space<vmem>>, vector<1x512xf32>
    %get3A_181 = vector.shape_cast %get3A_180 : vector<1x512xf32> to vector<512xf32>
    %add3A_182 = arith.addf %get3A_177, %get3A_181 : vector<512xf32>
    %swap3A_183 = arith.constant 13 : index
    %swap3A_184 = arith.constant 0 : index
    %swap3A_185 = vector.load %arg2[%swap3A_183, %swap3A_184] : memref<128x512xf32, #tpu.memory_space<vmem>>, vector<1x512xf32>
    %swap3A_186 = vector.shape_cast %swap3A_185 : vector<1x512xf32> to vector<512xf32>
    %swap3A_187 = vector.shape_cast %add3A_182 : vector<512xf32> to vector<1x512xf32>
    tpu.vector_store %arg2[%swap3A_183, %swap3A_184], %swap3A_187 {strides = array<i32>} : memref<128x512xf32, #tpu.memory_space<vmem>>, vector<1x512xf32>,
    %get3A_188 = arith.constant 13 : index
    %get3A_189 = arith.constant 0 : index
    %get3A_190 = vector.load %arg2[%get3A_188, %get3A_189] : memref<128x512xf32, #tpu.memory_space<vmem>>, vector<1x512xf32>
    %get3A_191 = vector.shape_cast %get3A_190 : vector<1x512xf32> to vector<512xf32>
    %get3A_192 = arith.constant 14 : index
    %get3A_193 = arith.constant 0 : index
    %get3A_194 = vector.load %arg1[%get3A_192, %get3A_193] : memref<128x512xf32, #tpu.memory_space<vmem>>, vector<1x512xf32>
    %get3A_195 = vector.shape_cast %get3A_194 : vector<1x512xf32> to vector<512xf32>
    %add3A_196 = arith.addf %get3A_191, %get3A_195 : vector<512xf32>
    %swap3A_197 = arith.constant 14 : index
    %swap3A_198 = arith.constant 0 : index
    %swap3A_199 = vector.load %arg2[%swap3A_197, %swap3A_198] : memref<128x512xf32, #tpu.memory_space<vmem>>, vector<1x512xf32>
    %swap3A_200 = vector.shape_cast %swap3A_199 : vector<1x512xf32> to vector<512xf32>
    %swap3A_201 = vector.shape_cast %add3A_196 : vector<512xf32> to vector<1x512xf32>
    tpu.vector_store %arg2[%swap3A_197, %swap3A_198], %swap3A_201 {strides = array<i32>} : memref<128x512xf32, #tpu.memory_space<vmem>>, vector<1x512xf32>,
    %get3A_202 = arith.constant 14 : index
    %get3A_203 = arith.constant 0 : index
    %get3A_204 = vector.load %arg2[%get3A_202, %get3A_203] : memref<128x512xf32, #tpu.memory_space<vmem>>, vector<1x512xf32>
    %get3A_205 = vector.shape_cast %get3A_204 : vector<1x512xf32> to vector<512xf32>
    %get3A_206 = arith.constant 15 : index
    %get3A_207 = arith.constant 0 : index
    %get3A_208 = vector.load %arg1[%get3A_206, %get3A_207] : memref<128x512xf32, #tpu.memory_space<vmem>>, vector<1x512xf32>
    %get3A_209 = vector.shape_cast %get3A_208 : vector<1x512xf32> to vector<512xf32>
    %add3A_210 = arith.addf %get3A_205, %get3A_209 : vector<512xf32>
    %swap3A_211 = arith.constant 15 : index
    %swap3A_212 = arith.constant 0 : index
    %swap3A_213 = vector.load %arg2[%swap3A_211, %swap3A_212] : memref<128x512xf32, #tpu.memory_space<vmem>>, vector<1x512xf32>
    %swap3A_214 = vector.shape_cast %swap3A_213 : vector<1x512xf32> to vector<512xf32>
    %swap3A_215 = vector.shape_cast %add3A_210 : vector<512xf32> to vector<1x512xf32>
    tpu.vector_store %arg2[%swap3A_211, %swap3A_212], %swap3A_215 {strides = array<i32>} : memref<128x512xf32, #tpu.memory_space<vmem>>, vector<1x512xf32>,
    %get3A_216 = arith.constant 15 : index
    %get3A_217 = arith.constant 0 : index
    %get3A_218 = vector.load %arg2[%get3A_216, %get3A_217] : memref<128x512xf32, #tpu.memory_space<vmem>>, vector<1x512xf32>
    %get3A_219 = vector.shape_cast %get3A_218 : vector<1x512xf32> to vector<512xf32>
    %get3A_220 = arith.constant 16 : index
    %get3A_221 = arith.constant 0 : index
    %get3A_222 = vector.load %arg1[%get3A_220, %get3A_221] : memref<128x512xf32, #tpu.memory_space<vmem>>, vector<1x512xf32>
    %get3A_223 = vector.shape_cast %get3A_222 : vector<1x512xf32> to vector<512xf32>
    %add3A_224 = arith.addf %get3A_219, %get3A_223 : vector<512xf32>
    %swap3A_225 = arith.constant 16 : index
    %swap3A_226 = arith.constant 0 : index
    %swap3A_227 = vector.load %arg2[%swap3A_225, %swap3A_226] : memref<128x512xf32, #tpu.memory_space<vmem>>, vector<1x512xf32>
    %swap3A_228 = vector.shape_cast %swap3A_227 : vector<1x512xf32> to vector<512xf32>
    %swap3A_229 = vector.shape_cast %add3A_224 : vector<512xf32> to vector<1x512xf32>
    tpu.vector_store %arg2[%swap3A_225, %swap3A_226], %swap3A_229 {strides = array<i32>} : memref<128x512xf32, #tpu.memory_space<vmem>>, vector<1x512xf32>,
    %get3A_230 = arith.constant 16 : index
    %get3A_231 = arith.constant 0 : index
    %get3A_232 = vector.load %arg2[%get3A_230, %get3A_231] : memref<128x512xf32, #tpu.memory_space<vmem>>, vector<1x512xf32>
    %get3A_233 = vector.shape_cast %get3A_232 : vector<1x512xf32> to vector<512xf32>
    %get3A_234 = arith.constant 17 : index
    %get3A_235 = arith.constant 0 : index
    %get3A_236 = vector.load %arg1[%get3A_234, %get3A_235] : memref<128x512xf32, #tpu.memory_space<vmem>>, vector<1x512xf32>
    %get3A_237 = vector.shape_cast %get3A_236 : vector<1x512xf32> to vector<512xf32>
    %add3A_238 = arith.addf %get3A_233, %get3A_237 : vector<512xf32>
    %swap3A_239 = arith.constant 17 : index
    %swap3A_240 = arith.constant 0 : index
    %swap3A_241 = vector.load %arg2[%swap3A_239, %swap3A_240] : memref<128x512xf32, #tpu.memory_space<vmem>>, vector<1x512xf32>
    %swap3A_242 = vector.shape_cast %swap3A_241 : vector<1x512xf32> to vector<512xf32>
    %swap3A_243 = vector.shape_cast %add3A_238 : vector<512xf32> to vector<1x512xf32>
    tpu.vector_store %arg2[%swap3A_239, %swap3A_240], %swap3A_243 {strides = array<i32>} : memref<128x512xf32, #tpu.memory_space<vmem>>, vector<1x512xf32>,
    %get3A_244 = arith.constant 17 : index
    %get3A_245 = arith.constant 0 : index
    %get3A_246 = vector.load %arg2[%get3A_244, %get3A_245] : memref<128x512xf32, #tpu.memory_space<vmem>>, vector<1x512xf32>
    %get3A_247 = vector.shape_cast %get3A_246 : vector<1x512xf32> to vector<512xf32>
    %get3A_248 = arith.constant 18 : index
    %get3A_249 = arith.constant 0 : index
    %get3A_250 = vector.load %arg1[%get3A_248, %get3A_249] : memref<128x512xf32, #tpu.memory_space<vmem>>, vector<1x512xf32>
    %get3A_251 = vector.shape_cast %get3A_250 : vector<1x512xf32> to vector<512xf32>
    %add3A_252 = arith.addf %get3A_247, %get3A_251 : vector<512xf32>
    %swap3A_253 = arith.constant 18 : index
    %swap3A_254 = arith.constant 0 : index
    %swap3A_255 = vector.load %arg2[%swap3A_253, %swap3A_254] : memref<128x512xf32, #tpu.memory_space<vmem>>, vector<1x512xf32>
    %swap3A_256 = vector.shape_cast %swap3A_255 : vector<1x512xf32> to vector<512xf32>
    %swap3A_257 = vector.shape_cast %add3A_252 : vector<512xf32> to vector<1x512xf32>
    tpu.vector_store %arg2[%swap3A_253, %swap3A_254], %swap3A_257 {strides = array<i32>} : memref<128x512xf32, #tpu.memory_space<vmem>>, vector<1x512xf32>,
    %get3A_258 = arith.constant 18 : index
    %get3A_259 = arith.constant 0 : index
    %get3A_260 = vector.load %arg2[%get3A_258, %get3A_259] : memref<128x512xf32, #tpu.memory_space<vmem>>, vector<1x512xf32>
    %get3A_261 = vector.shape_cast %get3A_260 : vector<1x512xf32> to vector<512xf32>
    %get3A_262 = arith.constant 19 : index
    %get3A_263 = arith.constant 0 : index
    %get3A_264 = vector.load %arg1[%get3A_262, %get3A_263] : memref<128x512xf32, #tpu.memory_space<vmem>>, vector<1x512xf32>
    %get3A_265 = vector.shape_cast %get3A_264 : vector<1x512xf32> to vector<512xf32>
    %add3A_266 = arith.addf %get3A_261, %get3A_265 : vector<512xf32>
    %swap3A_267 = arith.constant 19 : index
    %swap3A_268 = arith.constant 0 : index
    %swap3A_269 = vector.load %arg2[%swap3A_267, %swap3A_268] : memref<128x512xf32, #tpu.memory_space<vmem>>, vector<1x512xf32>
    %swap3A_270 = vector.shape_cast %swap3A_269 : vector<1x512xf32> to vector<512xf32>
    %swap3A_271 = vector.shape_cast %add3A_266 : vector<512xf32> to vector<1x512xf32>
    tpu.vector_store %arg2[%swap3A_267, %swap3A_268], %swap3A_271 {strides = array<i32>} : memref<128x512xf32, #tpu.memory_space<vmem>>, vector<1x512xf32>,
    %get3A_272 = arith.constant 19 : index
    %get3A_273 = arith.constant 0 : index
    %get3A_274 = vector.load %arg2[%get3A_272, %get3A_273] : memref<128x512xf32, #tpu.memory_space<vmem>>, vector<1x512xf32>
    %get3A_275 = vector.shape_cast %get3A_274 : vector<1x512xf32> to vector<512xf32>
    %get3A_276 = arith.constant 20 : index
    %get3A_277 = arith.constant 0 : index
    %get3A_278 = vector.load %arg1[%get3A_276, %get3A_277] : memref<128x512xf32, #tpu.memory_space<vmem>>, vector<1x512xf32>
    %get3A_279 = vector.shape_cast %get3A_278 : vector<1x512xf32> to vector<512xf32>
    %add3A_280 = arith.addf %get3A_275, %get3A_279 : vector<512xf32>
    %swap3A_281 = arith.constant 20 : index
    %swap3A_282 = arith.constant 0 : index
    %swap3A_283 = vector.load %arg2[%swap3A_281, %swap3A_282] : memref<128x512xf32, #tpu.memory_space<vmem>>, vector<1x512xf32>
    %swap3A_284 = vector.shape_cast %swap3A_283 : vector<1x512xf32> to vector<512xf32>
    %swap3A_285 = vector.shape_cast %add3A_280 : vector<512xf32> to vector<1x512xf32>
    tpu.vector_store %arg2[%swap3A_281, %swap3A_282], %swap3A_285 {strides = array<i32>} : memref<128x512xf32, #tpu.memory_space<vmem>>, vector<1x512xf32>,
    %get3A_286 = arith.constant 20 : index
    %get3A_287 = arith.constant 0 : index
    %get3A_288 = vector.load %arg2[%get3A_286, %get3A_287] : memref<128x512xf32, #tpu.memory_space<vmem>>, vector<1x512xf32>
    %get3A_289 = vector.shape_cast %get3A_288 : vector<1x512xf32> to vector<512xf32>
    %get3A_290 = arith.constant 21 : index
    %get3A_291 = arith.constant 0 : index
    %get3A_292 = vector.load %arg1[%get3A_290, %get3A_291] : memref<128x512xf32, #tpu.memory_space<vmem>>, vector<1x512xf32>
    %get3A_293 = vector.shape_cast %get3A_292 : vector<1x512xf32> to vector<512xf32>
    %add3A_294 = arith.addf %get3A_289, %get3A_293 : vector<512xf32>
    %swap3A_295 = arith.constant 21 : index
    %swap3A_296 = arith.constant 0 : index
    %swap3A_297 = vector.load %arg2[%swap3A_295, %swap3A_296] : memref<128x512xf32, #tpu.memory_space<vmem>>, vector<1x512xf32>
    %swap3A_298 = vector.shape_cast %swap3A_297 : vector<1x512xf32> to vector<512xf32>
    %swap3A_299 = vector.shape_cast %add3A_294 : vector<512xf32> to vector<1x512xf32>
    tpu.vector_store %arg2[%swap3A_295, %swap3A_296], %swap3A_299 {strides = array<i32>} : memref<128x512xf32, #tpu.memory_space<vmem>>, vector<1x512xf32>,
    %get3A_300 = arith.constant 21 : index
    %get3A_301 = arith.constant 0 : index
    %get3A_302 = vector.load %arg2[%get3A_300, %get3A_301] : memref<128x512xf32, #tpu.memory_space<vmem>>, vector<1x512xf32>
    %get3A_303 = vector.shape_cast %get3A_302 : vector<1x512xf32> to vector<512xf32>
    %get3A_304 = arith.constant 22 : index
    %get3A_305 = arith.constant 0 : index
    %get3A_306 = vector.load %arg1[%get3A_304, %get3A_305] : memref<128x512xf32, #tpu.memory_space<vmem>>, vector<1x512xf32>
    %get3A_307 = vector.shape_cast %get3A_306 : vector<1x512xf32> to vector<512xf32>
    %add3A_308 = arith.addf %get3A_303, %get3A_307 : vector<512xf32>
    %swap3A_309 = arith.constant 22 : index
    %swap3A_310 = arith.constant 0 : index
    %swap3A_311 = vector.load %arg2[%swap3A_309, %swap3A_310] : memref<128x512xf32, #tpu.memory_space<vmem>>, vector<1x512xf32>
    %swap3A_312 = vector.shape_cast %swap3A_311 : vector<1x512xf32> to vector<512xf32>
    %swap3A_313 = vector.shape_cast %add3A_308 : vector<512xf32> to vector<1x512xf32>
    tpu.vector_store %arg2[%swap3A_309, %swap3A_310], %swap3A_313 {strides = array<i32>} : memref<128x512xf32, #tpu.memory_space<vmem>>, vector<1x512xf32>,
    %get3A_314 = arith.constant 22 : index
    %get3A_315 = arith.constant 0 : index
    %get3A_316 = vector.load %arg2[%get3A_314, %get3A_315] : memref<128x512xf32, #tpu.memory_space<vmem>>, vector<1x512xf32>
    %get3A_317 = vector.shape_cast %get3A_316 : vector<1x512xf32> to vector<512xf32>
    %get3A_318 = arith.constant 23 : index
    %get3A_319 = arith.constant 0 : index
    %get3A_320 = vector.load %arg1[%get3A_318, %get3A_319] : memref<128x512xf32, #tpu.memory_space<vmem>>, vector<1x512xf32>
    %get3A_321 = vector.shape_cast %get3A_320 : vector<1x512xf32> to vector<512xf32>
    %add3A_322 = arith.addf %get3A_317, %get3A_321 : vector<512xf32>
    %swap3A_323 = arith.constant 23 : index
    %swap3A_324 = arith.constant 0 : index
    %swap3A_325 = vector.load %arg2[%swap3A_323, %swap3A_324] : memref<128x512xf32, #tpu.memory_space<vmem>>, vector<1x512xf32>
    %swap3A_326 = vector.shape_cast %swap3A_325 : vector<1x512xf32> to vector<512xf32>
    %swap3A_327 = vector.shape_cast %add3A_322 : vector<512xf32> to vector<1x512xf32>
    tpu.vector_store %arg2[%swap3A_323, %swap3A_324], %swap3A_327 {strides = array<i32>} : memref<128x512xf32, #tpu.memory_space<vmem>>, vector<1x512xf32>,
    %get3A_328 = arith.constant 23 : index
    %get3A_329 = arith.constant 0 : index
    %get3A_330 = vector.load %arg2[%get3A_328, %get3A_329] : memref<128x512xf32, #tpu.memory_space<vmem>>, vector<1x512xf32>
    %get3A_331 = vector.shape_cast %get3A_330 : vector<1x512xf32> to vector<512xf32>
    %get3A_332 = arith.constant 24 : index
    %get3A_333 = arith.constant 0 : index
    %get3A_334 = vector.load %arg1[%get3A_332, %get3A_333] : memref<128x512xf32, #tpu.memory_space<vmem>>, vector<1x512xf32>
    %get3A_335 = vector.shape_cast %get3A_334 : vector<1x512xf32> to vector<512xf32>
    %add3A_336 = arith.addf %get3A_331, %get3A_335 : vector<512xf32>
    %swap3A_337 = arith.constant 24 : index
    %swap3A_338 = arith.constant 0 : index
    %swap3A_339 = vector.load %arg2[%swap3A_337, %swap3A_338] : memref<128x512xf32, #tpu.memory_space<vmem>>, vector<1x512xf32>
    %swap3A_340 = vector.shape_cast %swap3A_339 : vector<1x512xf32> to vector<512xf32>
    %swap3A_341 = vector.shape_cast %add3A_336 : vector<512xf32> to vector<1x512xf32>
    tpu.vector_store %arg2[%swap3A_337, %swap3A_338], %swap3A_341 {strides = array<i32>} : memref<128x512xf32, #tpu.memory_space<vmem>>, vector<1x512xf32>,
    %get3A_342 = arith.constant 24 : index
    %get3A_343 = arith.constant 0 : index
    %get3A_344 = vector.load %arg2[%get3A_342, %get3A_343] : memref<128x512xf32, #tpu.memory_space<vmem>>, vector<1x512xf32>
    %get3A_345 = vector.shape_cast %get3A_344 : vector<1x512xf32> to vector<512xf32>
    %get3A_346 = arith.constant 25 : index
    %get3A_347 = arith.constant 0 : index
    %get3A_348 = vector.load %arg1[%get3A_346, %get3A_347] : memref<128x512xf32, #tpu.memory_space<vmem>>, vector<1x512xf32>
    %get3A_349 = vector.shape_cast %get3A_348 : vector<1x512xf32> to vector<512xf32>
    %add3A_350 = arith.addf %get3A_345, %get3A_349 : vector<512xf32>
    %swap3A_351 = arith.constant 25 : index
    %swap3A_352 = arith.constant 0 : index
    %swap3A_353 = vector.load %arg2[%swap3A_351, %swap3A_352] : memref<128x512xf32, #tpu.memory_space<vmem>>, vector<1x512xf32>
    %swap3A_354 = vector.shape_cast %swap3A_353 : vector<1x512xf32> to vector<512xf32>
    %swap3A_355 = vector.shape_cast %add3A_350 : vector<512xf32> to vector<1x512xf32>
    tpu.vector_store %arg2[%swap3A_351, %swap3A_352], %swap3A_355 {strides = array<i32>} : memref<128x512xf32, #tpu.memory_space<vmem>>, vector<1x512xf32>,
    %get3A_356 = arith.constant 25 : index
    %get3A_357 = arith.constant 0 : index
    %get3A_358 = vector.load %arg2[%get3A_356, %get3A_357] : memref<128x512xf32, #tpu.memory_space<vmem>>, vector<1x512xf32>
    %get3A_359 = vector.shape_cast %get3A_358 : vector<1x512xf32> to vector<512xf32>
    %get3A_360 = arith.constant 26 : index
    %get3A_361 = arith.constant 0 : index
    %get3A_362 = vector.load %arg1[%get3A_360, %get3A_361] : memref<128x512xf32, #tpu.memory_space<vmem>>, vector<1x512xf32>
    %get3A_363 = vector.shape_cast %get3A_362 : vector<1x512xf32> to vector<512xf32>
    %add3A_364 = arith.addf %get3A_359, %get3A_363 : vector<512xf32>
    %swap3A_365 = arith.constant 26 : index
    %swap3A_366 = arith.constant 0 : index
    %swap3A_367 = vector.load %arg2[%swap3A_365, %swap3A_366] : memref<128x512xf32, #tpu.memory_space<vmem>>, vector<1x512xf32>
    %swap3A_368 = vector.shape_cast %swap3A_367 : vector<1x512xf32> to vector<512xf32>
    %swap3A_369 = vector.shape_cast %add3A_364 : vector<512xf32> to vector<1x512xf32>
    tpu.vector_store %arg2[%swap3A_365, %swap3A_366], %swap3A_369 {strides = array<i32>} : memref<128x512xf32, #tpu.memory_space<vmem>>, vector<1x512xf32>,
    %get3A_370 = arith.constant 26 : index
    %get3A_371 = arith.constant 0 : index
    %get3A_372 = vector.load %arg2[%get3A_370, %get3A_371] : memref<128x512xf32, #tpu.memory_space<vmem>>, vector<1x512xf32>
    %get3A_373 = vector.shape_cast %get3A_372 : vector<1x512xf32> to vector<512xf32>
    %get3A_374 = arith.constant 27 : index
    %get3A_375 = arith.constant 0 : index
    %get3A_376 = vector.load %arg1[%get3A_374, %get3A_375] : memref<128x512xf32, #tpu.memory_space<vmem>>, vector<1x512xf32>
    %get3A_377 = vector.shape_cast %get3A_376 : vector<1x512xf32> to vector<512xf32>
    %add3A_378 = arith.addf %get3A_373, %get3A_377 : vector<512xf32>
    %swap3A_379 = arith.constant 27 : index
    %swap3A_380 = arith.constant 0 : index
    %swap3A_381 = vector.load %arg2[%swap3A_379, %swap3A_380] : memref<128x512xf32, #tpu.memory_space<vmem>>, vector<1x512xf32>
    %swap3A_382 = vector.shape_cast %swap3A_381 : vector<1x512xf32> to vector<512xf32>
    %swap3A_383 = vector.shape_cast %add3A_378 : vector<512xf32> to vector<1x512xf32>
    tpu.vector_store %arg2[%swap3A_379, %swap3A_380], %swap3A_383 {strides = array<i32>} : memref<128x512xf32, #tpu.memory_space<vmem>>, vector<1x512xf32>,
    %get3A_384 = arith.constant 27 : index
    %get3A_385 = arith.constant 0 : index
    %get3A_386 = vector.load %arg2[%get3A_384, %get3A_385] : memref<128x512xf32, #tpu.memory_space<vmem>>, vector<1x512xf32>
    %get3A_387 = vector.shape_cast %get3A_386 : vector<1x512xf32> to vector<512xf32>
    %get3A_388 = arith.constant 28 : index
    %get3A_389 = arith.constant 0 : index
    %get3A_390 = vector.load %arg1[%get3A_388, %get3A_389] : memref<128x512xf32, #tpu.memory_space<vmem>>, vector<1x512xf32>
    %get3A_391 = vector.shape_cast %get3A_390 : vector<1x512xf32> to vector<512xf32>
    %add3A_392 = arith.addf %get3A_387, %get3A_391 : vector<512xf32>
    %swap3A_393 = arith.constant 28 : index
    %swap3A_394 = arith.constant 0 : index
    %swap3A_395 = vector.load %arg2[%swap3A_393, %swap3A_394] : memref<128x512xf32, #tpu.memory_space<vmem>>, vector<1x512xf32>
    %swap3A_396 = vector.shape_cast %swap3A_395 : vector<1x512xf32> to vector<512xf32>
    %swap3A_397 = vector.shape_cast %add3A_392 : vector<512xf32> to vector<1x512xf32>
    tpu.vector_store %arg2[%swap3A_393, %swap3A_394], %swap3A_397 {strides = array<i32>} : memref<128x512xf32, #tpu.memory_space<vmem>>, vector<1x512xf32>,
    %get3A_398 = arith.constant 28 : index
    %get3A_399 = arith.constant 0 : index
    %get3A_400 = vector.load %arg2[%get3A_398, %get3A_399] : memref<128x512xf32, #tpu.memory_space<vmem>>, vector<1x512xf32>
    %get3A_401 = vector.shape_cast %get3A_400 : vector<1x512xf32> to vector<512xf32>
    %get3A_402 = arith.constant 29 : index
    %get3A_403 = arith.constant 0 : index
    %get3A_404 = vector.load %arg1[%get3A_402, %get3A_403] : memref<128x512xf32, #tpu.memory_space<vmem>>, vector<1x512xf32>
    %get3A_405 = vector.shape_cast %get3A_404 : vector<1x512xf32> to vector<512xf32>
    %add3A_406 = arith.addf %get3A_401, %get3A_405 : vector<512xf32>
    %swap3A_407 = arith.constant 29 : index
    %swap3A_408 = arith.constant 0 : index
    %swap3A_409 = vector.load %arg2[%swap3A_407, %swap3A_408] : memref<128x512xf32, #tpu.memory_space<vmem>>, vector<1x512xf32>
    %swap3A_410 = vector.shape_cast %swap3A_409 : vector<1x512xf32> to vector<512xf32>
    %swap3A_411 = vector.shape_cast %add3A_406 : vector<512xf32> to vector<1x512xf32>
    tpu.vector_store %arg2[%swap3A_407, %swap3A_408], %swap3A_411 {strides = array<i32>} : memref<128x512xf32, #tpu.memory_space<vmem>>, vector<1x512xf32>,
    %get3A_412 = arith.constant 29 : index
    %get3A_413 = arith.constant 0 : index
    %get3A_414 = vector.load %arg2[%get3A_412, %get3A_413] : memref<128x512xf32, #tpu.memory_space<vmem>>, vector<1x512xf32>
    %get3A_415 = vector.shape_cast %get3A_414 : vector<1x512xf32> to vector<512xf32>
    %get3A_416 = arith.constant 30 : index
    %get3A_417 = arith.constant 0 : index
    %get3A_418 = vector.load %arg1[%get3A_416, %get3A_417] : memref<128x512xf32, #tpu.memory_space<vmem>>, vector<1x512xf32>
    %get3A_419 = vector.shape_cast %get3A_418 : vector<1x512xf32> to vector<512xf32>
    %add3A_420 = arith.addf %get3A_415, %get3A_419 : vector<512xf32>
    %swap3A_421 = arith.constant 30 : index
    %swap3A_422 = arith.constant 0 : index
    %swap3A_423 = vector.load %arg2[%swap3A_421, %swap3A_422] : memref<128x512xf32, #tpu.memory_space<vmem>>, vector<1x512xf32>
    %swap3A_424 = vector.shape_cast %swap3A_423 : vector<1x512xf32> to vector<512xf32>
    %swap3A_425 = vector.shape_cast %add3A_420 : vector<512xf32> to vector<1x512xf32>
    tpu.vector_store %arg2[%swap3A_421, %swap3A_422], %swap3A_425 {strides = array<i32>} : memref<128x512xf32, #tpu.memory_space<vmem>>, vector<1x512xf32>,
    %get3A_426 = arith.constant 30 : index
    %get3A_427 = arith.constant 0 : index
    %get3A_428 = vector.load %arg2[%get3A_426, %get3A_427] : memref<128x512xf32, #tpu.memory_space<vmem>>, vector<1x512xf32>
    %get3A_429 = vector.shape_cast %get3A_428 : vector<1x512xf32> to vector<512xf32>
    %get3A_430 = arith.constant 31 : index
    %get3A_431 = arith.constant 0 : index
    %get3A_432 = vector.load %arg1[%get3A_430, %get3A_431] : memref<128x512xf32, #tpu.memory_space<vmem>>, vector<1x512xf32>
    %get3A_433 = vector.shape_cast %get3A_432 : vector<1x512xf32> to vector<512xf32>
    %add3A_434 = arith.addf %get3A_429, %get3A_433 : vector<512xf32>
    %swap3A_435 = arith.constant 31 : index
    %swap3A_436 = arith.constant 0 : index
    %swap3A_437 = vector.load %arg2[%swap3A_435, %swap3A_436] : memref<128x512xf32, #tpu.memory_space<vmem>>, vector<1x512xf32>
    %swap3A_438 = vector.shape_cast %swap3A_437 : vector<1x512xf32> to vector<512xf32>
    %swap3A_439 = vector.shape_cast %add3A_434 : vector<512xf32> to vector<1x512xf32>
    tpu.vector_store %arg2[%swap3A_435, %swap3A_436], %swap3A_439 {strides = array<i32>} : memref<128x512xf32, #tpu.memory_space<vmem>>, vector<1x512xf32>,
    %get3A_440 = arith.constant 31 : index
    %get3A_441 = arith.constant 0 : index
    %get3A_442 = vector.load %arg2[%get3A_440, %get3A_441] : memref<128x512xf32, #tpu.memory_space<vmem>>, vector<1x512xf32>
    %get3A_443 = vector.shape_cast %get3A_442 : vector<1x512xf32> to vector<512xf32>
    %get3A_444 = arith.constant 32 : index
    %get3A_445 = arith.constant 0 : index
    %get3A_446 = vector.load %arg1[%get3A_444, %get3A_445] : memref<128x512xf32, #tpu.memory_space<vmem>>, vector<1x512xf32>
    %get3A_447 = vector.shape_cast %get3A_446 : vector<1x512xf32> to vector<512xf32>
    %add3A_448 = arith.addf %get3A_443, %get3A_447 : vector<512xf32>
    %swap3A_449 = arith.constant 32 : index
    %swap3A_450 = arith.constant 0 : index
    %swap3A_451 = vector.load %arg2[%swap3A_449, %swap3A_450] : memref<128x512xf32, #tpu.memory_space<vmem>>, vector<1x512xf32>
    %swap3A_452 = vector.shape_cast %swap3A_451 : vector<1x512xf32> to vector<512xf32>
    %swap3A_453 = vector.shape_cast %add3A_448 : vector<512xf32> to vector<1x512xf32>
    tpu.vector_store %arg2[%swap3A_449, %swap3A_450], %swap3A_453 {strides = array<i32>} : memref<128x512xf32, #tpu.memory_space<vmem>>, vector<1x512xf32>,
    %get3A_454 = arith.constant 32 : index
    %get3A_455 = arith.constant 0 : index
    %get3A_456 = vector.load %arg2[%get3A_454, %get3A_455] : memref<128x512xf32, #tpu.memory_space<vmem>>, vector<1x512xf32>
    %get3A_457 = vector.shape_cast %get3A_456 : vector<1x512xf32> to vector<512xf32>
    %get3A_458 = arith.constant 33 : index
    %get3A_459 = arith.constant 0 : index
    %get3A_460 = vector.load %arg1[%get3A_458, %get3A_459] : memref<128x512xf32, #tpu.memory_space<vmem>>, vector<1x512xf32>
    %get3A_461 = vector.shape_cast %get3A_460 : vector<1x512xf32> to vector<512xf32>
    %add3A_462 = arith.addf %get3A_457, %get3A_461 : vector<512xf32>
    %swap3A_463 = arith.constant 33 : index
    %swap3A_464 = arith.constant 0 : index
    %swap3A_465 = vector.load %arg2[%swap3A_463, %swap3A_464] : memref<128x512xf32, #tpu.memory_space<vmem>>, vector<1x512xf32>
    %swap3A_466 = vector.shape_cast %swap3A_465 : vector<1x512xf32> to vector<512xf32>
    %swap3A_467 = vector.shape_cast %add3A_462 : vector<512xf32> to vector<1x512xf32>
    tpu.vector_store %arg2[%swap3A_463, %swap3A_464], %swap3A_467 {strides = array<i32>} : memref<128x512xf32, #tpu.memory_space<vmem>>, vector<1x512xf32>,
    %get3A_468 = arith.constant 33 : index
    %get3A_469 = arith.constant 0 : index
    %get3A_470 = vector.load %arg2[%get3A_468, %get3A_469] : memref<128x512xf32, #tpu.memory_space<vmem>>, vector<1x512xf32>
    %get3A_471 = vector.shape_cast %get3A_470 : vector<1x512xf32> to vector<512xf32>
    %get3A_472 = arith.constant 34 : index
    %get3A_473 = arith.constant 0 : index
    %get3A_474 = vector.load %arg1[%get3A_472, %get3A_473] : memref<128x512xf32, #tpu.memory_space<vmem>>, vector<1x512xf32>
    %get3A_475 = vector.shape_cast %get3A_474 : vector<1x512xf32> to vector<512xf32>
    %add3A_476 = arith.addf %get3A_471, %get3A_475 : vector<512xf32>
    %swap3A_477 = arith.constant 34 : index
    %swap3A_478 = arith.constant 0 : index
    %swap3A_479 = vector.load %arg2[%swap3A_477, %swap3A_478] : memref<128x512xf32, #tpu.memory_space<vmem>>, vector<1x512xf32>
    %swap3A_480 = vector.shape_cast %swap3A_479 : vector<1x512xf32> to vector<512xf32>
    %swap3A_481 = vector.shape_cast %add3A_476 : vector<512xf32> to vector<1x512xf32>
    tpu.vector_store %arg2[%swap3A_477, %swap3A_478], %swap3A_481 {strides = array<i32>} : memref<128x512xf32, #tpu.memory_space<vmem>>, vector<1x512xf32>,
    %get3A_482 = arith.constant 34 : index
    %get3A_483 = arith.constant 0 : index
    %get3A_484 = vector.load %arg2[%get3A_482, %get3A_483] : memref<128x512xf32, #tpu.memory_space<vmem>>, vector<1x512xf32>
    %get3A_485 = vector.shape_cast %get3A_484 : vector<1x512xf32> to vector<512xf32>
    %get3A_486 = arith.constant 35 : index
    %get3A_487 = arith.constant 0 : index
    %get3A_488 = vector.load %arg1[%get3A_486, %get3A_487] : memref<128x512xf32, #tpu.memory_space<vmem>>, vector<1x512xf32>
    %get3A_489 = vector.shape_cast %get3A_488 : vector<1x512xf32> to vector<512xf32>
    %add3A_490 = arith.addf %get3A_485, %get3A_489 : vector<512xf32>
    %swap3A_491 = arith.constant 35 : index
    %swap3A_492 = arith.constant 0 : index
    %swap3A_493 = vector.load %arg2[%swap3A_491, %swap3A_492] : memref<128x512xf32, #tpu.memory_space<vmem>>, vector<1x512xf32>
    %swap3A_494 = vector.shape_cast %swap3A_493 : vector<1x512xf32> to vector<512xf32>
    %swap3A_495 = vector.shape_cast %add3A_490 : vector<512xf32> to vector<1x512xf32>
    tpu.vector_store %arg2[%swap3A_491, %swap3A_492], %swap3A_495 {strides = array<i32>} : memref<128x512xf32, #tpu.memory_space<vmem>>, vector<1x512xf32>,
    %get3A_496 = arith.constant 35 : index
    %get3A_497 = arith.constant 0 : index
    %get3A_498 = vector.load %arg2[%get3A_496, %get3A_497] : memref<128x512xf32, #tpu.memory_space<vmem>>, vector<1x512xf32>
    %get3A_499 = vector.shape_cast %get3A_498 : vector<1x512xf32> to vector<512xf32>
    %get3A_500 = arith.constant 36 : index
    %get3A_501 = arith.constant 0 : index
    %get3A_502 = vector.load %arg1[%get3A_500, %get3A_501] : memref<128x512xf32, #tpu.memory_space<vmem>>, vector<1x512xf32>
    %get3A_503 = vector.shape_cast %get3A_502 : vector<1x512xf32> to vector<512xf32>
    %add3A_504 = arith.addf %get3A_499, %get3A_503 : vector<512xf32>
    %swap3A_505 = arith.constant 36 : index
    %swap3A_506 = arith.constant 0 : index
    %swap3A_507 = vector.load %arg2[%swap3A_505, %swap3A_506] : memref<128x512xf32, #tpu.memory_space<vmem>>, vector<1x512xf32>
    %swap3A_508 = vector.shape_cast %swap3A_507 : vector<1x512xf32> to vector<512xf32>
    %swap3A_509 = vector.shape_cast %add3A_504 : vector<512xf32> to vector<1x512xf32>
    tpu.vector_store %arg2[%swap3A_505, %swap3A_506], %swap3A_509 {strides = array<i32>} : memref<128x512xf32, #tpu.memory_space<vmem>>, vector<1x512xf32>,
    %get3A_510 = arith.constant 36 : index
    %get3A_511 = arith.constant 0 : index
    %get3A_512 = vector.load %arg2[%get3A_510, %get3A_511] : memref<128x512xf32, #tpu.memory_space<vmem>>, vector<1x512xf32>
    %get3A_513 = vector.shape_cast %get3A_512 : vector<1x512xf32> to vector<512xf32>
    %get3A_514 = arith.constant 37 : index
    %get3A_515 = arith.constant 0 : index
    %get3A_516 = vector.load %arg1[%get3A_514, %get3A_515] : memref<128x512xf32, #tpu.memory_space<vmem>>, vector<1x512xf32>
    %get3A_517 = vector.shape_cast %get3A_516 : vector<1x512xf32> to vector<512xf32>
    %add3A_518 = arith.addf %get3A_513, %get3A_517 : vector<512xf32>
    %swap3A_519 = arith.constant 37 : index
    %swap3A_520 = arith.constant 0 : index
    %swap3A_521 = vector.load %arg2[%swap3A_519, %swap3A_520] : memref<128x512xf32, #tpu.memory_space<vmem>>, vector<1x512xf32>
    %swap3A_522 = vector.shape_cast %swap3A_521 : vector<1x512xf32> to vector<512xf32>
    %swap3A_523 = vector.shape_cast %add3A_518 : vector<512xf32> to vector<1x512xf32>
    tpu.vector_store %arg2[%swap3A_519, %swap3A_520], %swap3A_523 {strides = array<i32>} : memref<128x512xf32, #tpu.memory_space<vmem>>, vector<1x512xf32>,
    %get3A_524 = arith.constant 37 : index
    %get3A_525 = arith.constant 0 : index
    %get3A_526 = vector.load %arg2[%get3A_524, %get3A_525] : memref<128x512xf32, #tpu.memory_space<vmem>>, vector<1x512xf32>
    %get3A_527 = vector.shape_cast %get3A_526 : vector<1x512xf32> to vector<512xf32>
    %get3A_528 = arith.constant 38 : index
    %get3A_529 = arith.constant 0 : index
    %get3A_530 = vector.load %arg1[%get3A_528, %get3A_529] : memref<128x512xf32, #tpu.memory_space<vmem>>, vector<1x512xf32>
    %get3A_531 = vector.shape_cast %get3A_530 : vector<1x512xf32> to vector<512xf32>
    %add3A_532 = arith.addf %get3A_527, %get3A_531 : vector<512xf32>
    %swap3A_533 = arith.constant 38 : index
    %swap3A_534 = arith.constant 0 : index
    %swap3A_535 = vector.load %arg2[%swap3A_533, %swap3A_534] : memref<128x512xf32, #tpu.memory_space<vmem>>, vector<1x512xf32>
    %swap3A_536 = vector.shape_cast %swap3A_535 : vector<1x512xf32> to vector<512xf32>
    %swap3A_537 = vector.shape_cast %add3A_532 : vector<512xf32> to vector<1x512xf32>
    tpu.vector_store %arg2[%swap3A_533, %swap3A_534], %swap3A_537 {strides = array<i32>} : memref<128x512xf32, #tpu.memory_space<vmem>>, vector<1x512xf32>,
    %get3A_538 = arith.constant 38 : index
    %get3A_539 = arith.constant 0 : index
    %get3A_540 = vector.load %arg2[%get3A_538, %get3A_539] : memref<128x512xf32, #tpu.memory_space<vmem>>, vector<1x512xf32>
    %get3A_541 = vector.shape_cast %get3A_540 : vector<1x512xf32> to vector<512xf32>
    %get3A_542 = arith.constant 39 : index
    %get3A_543 = arith.constant 0 : index
    %get3A_544 = vector.load %arg1[%get3A_542, %get3A_543] : memref<128x512xf32, #tpu.memory_space<vmem>>, vector<1x512xf32>
    %get3A_545 = vector.shape_cast %get3A_544 : vector<1x512xf32> to vector<512xf32>
    %add3A_546 = arith.addf %get3A_541, %get3A_545 : vector<512xf32>
    %swap3A_547 = arith.constant 39 : index
    %swap3A_548 = arith.constant 0 : index
    %swap3A_549 = vector.load %arg2[%swap3A_547, %swap3A_548] : memref<128x512xf32, #tpu.memory_space<vmem>>, vector<1x512xf32>
    %swap3A_550 = vector.shape_cast %swap3A_549 : vector<1x512xf32> to vector<512xf32>
    %swap3A_551 = vector.shape_cast %add3A_546 : vector<512xf32> to vector<1x512xf32>
    tpu.vector_store %arg2[%swap3A_547, %swap3A_548], %swap3A_551 {strides = array<i32>} : memref<128x512xf32, #tpu.memory_space<vmem>>, vector<1x512xf32>,
    %get3A_552 = arith.constant 39 : index
    %get3A_553 = arith.constant 0 : index
    %get3A_554 = vector.load %arg2[%get3A_552, %get3A_553] : memref<128x512xf32, #tpu.memory_space<vmem>>, vector<1x512xf32>
    %get3A_555 = vector.shape_cast %get3A_554 : vector<1x512xf32> to vector<512xf32>
    %get3A_556 = arith.constant 40 : index
    %get3A_557 = arith.constant 0 : index
    %get3A_558 = vector.load %arg1[%get3A_556, %get3A_557] : memref<128x512xf32, #tpu.memory_space<vmem>>, vector<1x512xf32>
    %get3A_559 = vector.shape_cast %get3A_558 : vector<1x512xf32> to vector<512xf32>
    %add3A_560 = arith.addf %get3A_555, %get3A_559 : vector<512xf32>
    %swap3A_561 = arith.constant 40 : index
    %swap3A_562 = arith.constant 0 : index
    %swap3A_563 = vector.load %arg2[%swap3A_561, %swap3A_562] : memref<128x512xf32, #tpu.memory_space<vmem>>, vector<1x512xf32>
    %swap3A_564 = vector.shape_cast %swap3A_563 : vector<1x512xf32> to vector<512xf32>
    %swap3A_565 = vector.shape_cast %add3A_560 : vector<512xf32> to vector<1x512xf32>
    tpu.vector_store %arg2[%swap3A_561, %swap3A_562], %swap3A_565 {strides = array<i32>} : memref<128x512xf32, #tpu.memory_space<vmem>>, vector<1x512xf32>,
    %get3A_566 = arith.constant 40 : index
    %get3A_567 = arith.constant 0 : index
    %get3A_568 = vector.load %arg2[%get3A_566, %get3A_567] : memref<128x512xf32, #tpu.memory_space<vmem>>, vector<1x512xf32>
    %get3A_569 = vector.shape_cast %get3A_568 : vector<1x512xf32> to vector<512xf32>
    %get3A_570 = arith.constant 41 : index
    %get3A_571 = arith.constant 0 : index
    %get3A_572 = vector.load %arg1[%get3A_570, %get3A_571] : memref<128x512xf32, #tpu.memory_space<vmem>>, vector<1x512xf32>
    %get3A_573 = vector.shape_cast %get3A_572 : vector<1x512xf32> to vector<512xf32>
    %add3A_574 = arith.addf %get3A_569, %get3A_573 : vector<512xf32>
    %swap3A_575 = arith.constant 41 : index
    %swap3A_576 = arith.constant 0 : index
    %swap3A_577 = vector.load %arg2[%swap3A_575, %swap3A_576] : memref<128x512xf32, #tpu.memory_space<vmem>>, vector<1x512xf32>
    %swap3A_578 = vector.shape_cast %swap3A_577 : vector<1x512xf32> to vector<512xf32>
    %swap3A_579 = vector.shape_cast %add3A_574 : vector<512xf32> to vector<1x512xf32>
    tpu.vector_store %arg2[%swap3A_575, %swap3A_576], %swap3A_579 {strides = array<i32>} : memref<128x512xf32, #tpu.memory_space<vmem>>, vector<1x512xf32>,
    %get3A_580 = arith.constant 41 : index
    %get3A_581 = arith.constant 0 : index
    %get3A_582 = vector.load %arg2[%get3A_580, %get3A_581] : memref<128x512xf32, #tpu.memory_space<vmem>>, vector<1x512xf32>
    %get3A_583 = vector.shape_cast %get3A_582 : vector<1x512xf32> to vector<512xf32>
    %get3A_584 = arith.constant 42 : index
    %get3A_585 = arith.constant 0 : index
    %get3A_586 = vector.load %arg1[%get3A_584, %get3A_585] : memref<128x512xf32, #tpu.memory_space<vmem>>, vector<1x512xf32>
    %get3A_587 = vector.shape_cast %get3A_586 : vector<1x512xf32> to vector<512xf32>
    %add3A_588 = arith.addf %get3A_583, %get3A_587 : vector<512xf32>
    %swap3A_589 = arith.constant 42 : index
    %swap3A_590 = arith.constant 0 : index
    %swap3A_591 = vector.load %arg2[%swap3A_589, %swap3A_590] : memref<128x512xf32, #tpu.memory_space<vmem>>, vector<1x512xf32>
    %swap3A_592 = vector.shape_cast %swap3A_591 : vector<1x512xf32> to vector<512xf32>
    %swap3A_593 = vector.shape_cast %add3A_588 : vector<512xf32> to vector<1x512xf32>
    tpu.vector_store %arg2[%swap3A_589, %swap3A_590], %swap3A_593 {strides = array<i32>} : memref<128x512xf32, #tpu.memory_space<vmem>>, vector<1x512xf32>,
    %get3A_594 = arith.constant 42 : index
    %get3A_595 = arith.constant 0 : index
    %get3A_596 = vector.load %arg2[%get3A_594, %get3A_595] : memref<128x512xf32, #tpu.memory_space<vmem>>, vector<1x512xf32>
    %get3A_597 = vector.shape_cast %get3A_596 : vector<1x512xf32> to vector<512xf32>
    %get3A_598 = arith.constant 43 : index
    %get3A_599 = arith.constant 0 : index
    %get3A_600 = vector.load %arg1[%get3A_598, %get3A_599] : memref<128x512xf32, #tpu.memory_space<vmem>>, vector<1x512xf32>
    %get3A_601 = vector.shape_cast %get3A_600 : vector<1x512xf32> to vector<512xf32>
    %add3A_602 = arith.addf %get3A_597, %get3A_601 : vector<512xf32>
    %swap3A_603 = arith.constant 43 : index
    %swap3A_604 = arith.constant 0 : index
    %swap3A_605 = vector.load %arg2[%swap3A_603, %swap3A_604] : memref<128x512xf32, #tpu.memory_space<vmem>>, vector<1x512xf32>
    %swap3A_606 = vector.shape_cast %swap3A_605 : vector<1x512xf32> to vector<512xf32>
    %swap3A_607 = vector.shape_cast %add3A_602 : vector<512xf32> to vector<1x512xf32>
    tpu.vector_store %arg2[%swap3A_603, %swap3A_604], %swap3A_607 {strides = array<i32>} : memref<128x512xf32, #tpu.memory_space<vmem>>, vector<1x512xf32>,
    %get3A_608 = arith.constant 43 : index
    %get3A_609 = arith.constant 0 : index
    %get3A_610 = vector.load %arg2[%get3A_608, %get3A_609] : memref<128x512xf32, #tpu.memory_space<vmem>>, vector<1x512xf32>
    %get3A_611 = vector.shape_cast %get3A_610 : vector<1x512xf32> to vector<512xf32>
    %get3A_612 = arith.constant 44 : index
    %get3A_613 = arith.constant 0 : index
    %get3A_614 = vector.load %arg1[%get3A_612, %get3A_613] : memref<128x512xf32, #tpu.memory_space<vmem>>, vector<1x512xf32>
    %get3A_615 = vector.shape_cast %get3A_614 : vector<1x512xf32> to vector<512xf32>
    %add3A_616 = arith.addf %get3A_611, %get3A_615 : vector<512xf32>
    %swap3A_617 = arith.constant 44 : index
    %swap3A_618 = arith.constant 0 : index
    %swap3A_619 = vector.load %arg2[%swap3A_617, %swap3A_618] : memref<128x512xf32, #tpu.memory_space<vmem>>, vector<1x512xf32>
    %swap3A_620 = vector.shape_cast %swap3A_619 : vector<1x512xf32> to vector<512xf32>
    %swap3A_621 = vector.shape_cast %add3A_616 : vector<512xf32> to vector<1x512xf32>
    tpu.vector_store %arg2[%swap3A_617, %swap3A_618], %swap3A_621 {strides = array<i32>} : memref<128x512xf32, #tpu.memory_space<vmem>>, vector<1x512xf32>,
    %get3A_622 = arith.constant 44 : index
    %get3A_623 = arith.constant 0 : index
    %get3A_624 = vector.load %arg2[%get3A_622, %get3A_623] : memref<128x512xf32, #tpu.memory_space<vmem>>, vector<1x512xf32>
    %get3A_625 = vector.shape_cast %get3A_624 : vector<1x512xf32> to vector<512xf32>
    %get3A_626 = arith.constant 45 : index
    %get3A_627 = arith.constant 0 : index
    %get3A_628 = vector.load %arg1[%get3A_626, %get3A_627] : memref<128x512xf32, #tpu.memory_space<vmem>>, vector<1x512xf32>
    %get3A_629 = vector.shape_cast %get3A_628 : vector<1x512xf32> to vector<512xf32>
    %add3A_630 = arith.addf %get3A_625, %get3A_629 : vector<512xf32>
    %swap3A_631 = arith.constant 45 : index
    %swap3A_632 = arith.constant 0 : index
    %swap3A_633 = vector.load %arg2[%swap3A_631, %swap3A_632] : memref<128x512xf32, #tpu.memory_space<vmem>>, vector<1x512xf32>
    %swap3A_634 = vector.shape_cast %swap3A_633 : vector<1x512xf32> to vector<512xf32>
    %swap3A_635 = vector.shape_cast %add3A_630 : vector<512xf32> to vector<1x512xf32>
    tpu.vector_store %arg2[%swap3A_631, %swap3A_632], %swap3A_635 {strides = array<i32>} : memref<128x512xf32, #tpu.memory_space<vmem>>, vector<1x512xf32>,
    %get3A_636 = arith.constant 45 : index
    %get3A_637 = arith.constant 0 : index
    %get3A_638 = vector.load %arg2[%get3A_636, %get3A_637] : memref<128x512xf32, #tpu.memory_space<vmem>>, vector<1x512xf32>
    %get3A_639 = vector.shape_cast %get3A_638 : vector<1x512xf32> to vector<512xf32>
    %get3A_640 = arith.constant 46 : index
    %get3A_641 = arith.constant 0 : index
    %get3A_642 = vector.load %arg1[%get3A_640, %get3A_641] : memref<128x512xf32, #tpu.memory_space<vmem>>, vector<1x512xf32>
    %get3A_643 = vector.shape_cast %get3A_642 : vector<1x512xf32> to vector<512xf32>
    %add3A_644 = arith.addf %get3A_639, %get3A_643 : vector<512xf32>
    %swap3A_645 = arith.constant 46 : index
    %swap3A_646 = arith.constant 0 : index
    %swap3A_647 = vector.load %arg2[%swap3A_645, %swap3A_646] : memref<128x512xf32, #tpu.memory_space<vmem>>, vector<1x512xf32>
    %swap3A_648 = vector.shape_cast %swap3A_647 : vector<1x512xf32> to vector<512xf32>
    %swap3A_649 = vector.shape_cast %add3A_644 : vector<512xf32> to vector<1x512xf32>
    tpu.vector_store %arg2[%swap3A_645, %swap3A_646], %swap3A_649 {strides = array<i32>} : memref<128x512xf32, #tpu.memory_space<vmem>>, vector<1x512xf32>,
    %get3A_650 = arith.constant 46 : index
    %get3A_651 = arith.constant 0 : index
    %get3A_652 = vector.load %arg2[%get3A_650, %get3A_651] : memref<128x512xf32, #tpu.memory_space<vmem>>, vector<1x512xf32>
    %get3A_653 = vector.shape_cast %get3A_652 : vector<1x512xf32> to vector<512xf32>
    %get3A_654 = arith.constant 47 : index
    %get3A_655 = arith.constant 0 : index
    %get3A_656 = vector.load %arg1[%get3A_654, %get3A_655] : memref<128x512xf32, #tpu.memory_space<vmem>>, vector<1x512xf32>
    %get3A_657 = vector.shape_cast %get3A_656 : vector<1x512xf32> to vector<512xf32>
    %add3A_658 = arith.addf %get3A_653, %get3A_657 : vector<512xf32>
    %swap3A_659 = arith.constant 47 : index
    %swap3A_660 = arith.constant 0 : index
    %swap3A_661 = vector.load %arg2[%swap3A_659, %swap3A_660] : memref<128x512xf32, #tpu.memory_space<vmem>>, vector<1x512xf32>
    %swap3A_662 = vector.shape_cast %swap3A_661 : vector<1x512xf32> to vector<512xf32>
    %swap3A_663 = vector.shape_cast %add3A_658 : vector<512xf32> to vector<1x512xf32>
    tpu.vector_store %arg2[%swap3A_659, %swap3A_660], %swap3A_663 {strides = array<i32>} : memref<128x512xf32, #tpu.memory_space<vmem>>, vector<1x512xf32>,
    %get3A_664 = arith.constant 47 : index
    %get3A_665 = arith.constant 0 : index
    %get3A_666 = vector.load %arg2[%get3A_664, %get3A_665] : memref<128x512xf32, #tpu.memory_space<vmem>>, vector<1x512xf32>
    %get3A_667 = vector.shape_cast %get3A_666 : vector<1x512xf32> to vector<512xf32>
    %get3A_668 = arith.constant 48 : index
    %get3A_669 = arith.constant 0 : index
    %get3A_670 = vector.load %arg1[%get3A_668, %get3A_669] : memref<128x512xf32, #tpu.memory_space<vmem>>, vector<1x512xf32>
    %get3A_671 = vector.shape_cast %get3A_670 : vector<1x512xf32> to vector<512xf32>
    %add3A_672 = arith.addf %get3A_667, %get3A_671 : vector<512xf32>
    %swap3A_673 = arith.constant 48 : index
    %swap3A_674 = arith.constant 0 : index
    %swap3A_675 = vector.load %arg2[%swap3A_673, %swap3A_674] : memref<128x512xf32, #tpu.memory_space<vmem>>, vector<1x512xf32>
    %swap3A_676 = vector.shape_cast %swap3A_675 : vector<1x512xf32> to vector<512xf32>
    %swap3A_677 = vector.shape_cast %add3A_672 : vector<512xf32> to vector<1x512xf32>
    tpu.vector_store %arg2[%swap3A_673, %swap3A_674], %swap3A_677 {strides = array<i32>} : memref<128x512xf32, #tpu.memory_space<vmem>>, vector<1x512xf32>,
    %get3A_678 = arith.constant 48 : index
    %get3A_679 = arith.constant 0 : index
    %get3A_680 = vector.load %arg2[%get3A_678, %get3A_679] : memref<128x512xf32, #tpu.memory_space<vmem>>, vector<1x512xf32>
    %get3A_681 = vector.shape_cast %get3A_680 : vector<1x512xf32> to vector<512xf32>
    %get3A_682 = arith.constant 49 : index
    %get3A_683 = arith.constant 0 : index
    %get3A_684 = vector.load %arg1[%get3A_682, %get3A_683] : memref<128x512xf32, #tpu.memory_space<vmem>>, vector<1x512xf32>
    %get3A_685 = vector.shape_cast %get3A_684 : vector<1x512xf32> to vector<512xf32>
    %add3A_686 = arith.addf %get3A_681, %get3A_685 : vector<512xf32>
    %swap3A_687 = arith.constant 49 : index
    %swap3A_688 = arith.constant 0 : index
    %swap3A_689 = vector.load %arg2[%swap3A_687, %swap3A_688] : memref<128x512xf32, #tpu.memory_space<vmem>>, vector<1x512xf32>
    %swap3A_690 = vector.shape_cast %swap3A_689 : vector<1x512xf32> to vector<512xf32>
    %swap3A_691 = vector.shape_cast %add3A_686 : vector<512xf32> to vector<1x512xf32>
    tpu.vector_store %arg2[%swap3A_687, %swap3A_688], %swap3A_691 {strides = array<i32>} : memref<128x512xf32, #tpu.memory_space<vmem>>, vector<1x512xf32>,
    %get3A_692 = arith.constant 49 : index
    %get3A_693 = arith.constant 0 : index
    %get3A_694 = vector.load %arg2[%get3A_692, %get3A_693] : memref<128x512xf32, #tpu.memory_space<vmem>>, vector<1x512xf32>
    %get3A_695 = vector.shape_cast %get3A_694 : vector<1x512xf32> to vector<512xf32>
    %get3A_696 = arith.constant 50 : index
    %get3A_697 = arith.constant 0 : index
    %get3A_698 = vector.load %arg1[%get3A_696, %get3A_697] : memref<128x512xf32, #tpu.memory_space<vmem>>, vector<1x512xf32>
    %get3A_699 = vector.shape_cast %get3A_698 : vector<1x512xf32> to vector<512xf32>
    %add3A_700 = arith.addf %get3A_695, %get3A_699 : vector<512xf32>
    %swap3A_701 = arith.constant 50 : index
    %swap3A_702 = arith.constant 0 : index
    %swap3A_703 = vector.load %arg2[%swap3A_701, %swap3A_702] : memref<128x512xf32, #tpu.memory_space<vmem>>, vector<1x512xf32>
    %swap3A_704 = vector.shape_cast %swap3A_703 : vector<1x512xf32> to vector<512xf32>
    %swap3A_705 = vector.shape_cast %add3A_700 : vector<512xf32> to vector<1x512xf32>
    tpu.vector_store %arg2[%swap3A_701, %swap3A_702], %swap3A_705 {strides = array<i32>} : memref<128x512xf32, #tpu.memory_space<vmem>>, vector<1x512xf32>,
    %get3A_706 = arith.constant 50 : index
    %get3A_707 = arith.constant 0 : index
    %get3A_708 = vector.load %arg2[%get3A_706, %get3A_707] : memref<128x512xf32, #tpu.memory_space<vmem>>, vector<1x512xf32>
    %get3A_709 = vector.shape_cast %get3A_708 : vector<1x512xf32> to vector<512xf32>
    %get3A_710 = arith.constant 51 : index
    %get3A_711 = arith.constant 0 : index
    %get3A_712 = vector.load %arg1[%get3A_710, %get3A_711] : memref<128x512xf32, #tpu.memory_space<vmem>>, vector<1x512xf32>
    %get3A_713 = vector.shape_cast %get3A_712 : vector<1x512xf32> to vector<512xf32>
    %add3A_714 = arith.addf %get3A_709, %get3A_713 : vector<512xf32>
    %swap3A_715 = arith.constant 51 : index
    %swap3A_716 = arith.constant 0 : index
    %swap3A_717 = vector.load %arg2[%swap3A_715, %swap3A_716] : memref<128x512xf32, #tpu.memory_space<vmem>>, vector<1x512xf32>
    %swap3A_718 = vector.shape_cast %swap3A_717 : vector<1x512xf32> to vector<512xf32>
    %swap3A_719 = vector.shape_cast %add3A_714 : vector<512xf32> to vector<1x512xf32>
    tpu.vector_store %arg2[%swap3A_715, %swap3A_716], %swap3A_719 {strides = array<i32>} : memref<128x512xf32, #tpu.memory_space<vmem>>, vector<1x512xf32>,
    %get3A_720 = arith.constant 51 : index
    %get3A_721 = arith.constant 0 : index
    %get3A_722 = vector.load %arg2[%get3A_720, %get3A_721] : memref<128x512xf32, #tpu.memory_space<vmem>>, vector<1x512xf32>
    %get3A_723 = vector.shape_cast %get3A_722 : vector<1x512xf32> to vector<512xf32>
    %get3A_724 = arith.constant 52 : index
    %get3A_725 = arith.constant 0 : index
    %get3A_726 = vector.load %arg1[%get3A_724, %get3A_725] : memref<128x512xf32, #tpu.memory_space<vmem>>, vector<1x512xf32>
    %get3A_727 = vector.shape_cast %get3A_726 : vector<1x512xf32> to vector<512xf32>
    %add3A_728 = arith.addf %get3A_723, %get3A_727 : vector<512xf32>
    %swap3A_729 = arith.constant 52 : index
    %swap3A_730 = arith.constant 0 : index
    %swap3A_731 = vector.load %arg2[%swap3A_729, %swap3A_730] : memref<128x512xf32, #tpu.memory_space<vmem>>, vector<1x512xf32>
    %swap3A_732 = vector.shape_cast %swap3A_731 : vector<1x512xf32> to vector<512xf32>
    %swap3A_733 = vector.shape_cast %add3A_728 : vector<512xf32> to vector<1x512xf32>
    tpu.vector_store %arg2[%swap3A_729, %swap3A_730], %swap3A_733 {strides = array<i32>} : memref<128x512xf32, #tpu.memory_space<vmem>>, vector<1x512xf32>,
    %get3A_734 = arith.constant 52 : index
    %get3A_735 = arith.constant 0 : index
    %get3A_736 = vector.load %arg2[%get3A_734, %get3A_735] : memref<128x512xf32, #tpu.memory_space<vmem>>, vector<1x512xf32>
    %get3A_737 = vector.shape_cast %get3A_736 : vector<1x512xf32> to vector<512xf32>
    %get3A_738 = arith.constant 53 : index
    %get3A_739 = arith.constant 0 : index
    %get3A_740 = vector.load %arg1[%get3A_738, %get3A_739] : memref<128x512xf32, #tpu.memory_space<vmem>>, vector<1x512xf32>
    %get3A_741 = vector.shape_cast %get3A_740 : vector<1x512xf32> to vector<512xf32>
    %add3A_742 = arith.addf %get3A_737, %get3A_741 : vector<512xf32>
    %swap3A_743 = arith.constant 53 : index
    %swap3A_744 = arith.constant 0 : index
    %swap3A_745 = vector.load %arg2[%swap3A_743, %swap3A_744] : memref<128x512xf32, #tpu.memory_space<vmem>>, vector<1x512xf32>
    %swap3A_746 = vector.shape_cast %swap3A_745 : vector<1x512xf32> to vector<512xf32>
    %swap3A_747 = vector.shape_cast %add3A_742 : vector<512xf32> to vector<1x512xf32>
    tpu.vector_store %arg2[%swap3A_743, %swap3A_744], %swap3A_747 {strides = array<i32>} : memref<128x512xf32, #tpu.memory_space<vmem>>, vector<1x512xf32>,
    %get3A_748 = arith.constant 53 : index
    %get3A_749 = arith.constant 0 : index
    %get3A_750 = vector.load %arg2[%get3A_748, %get3A_749] : memref<128x512xf32, #tpu.memory_space<vmem>>, vector<1x512xf32>
    %get3A_751 = vector.shape_cast %get3A_750 : vector<1x512xf32> to vector<512xf32>
    %get3A_752 = arith.constant 54 : index
    %get3A_753 = arith.constant 0 : index
    %get3A_754 = vector.load %arg1[%get3A_752, %get3A_753] : memref<128x512xf32, #tpu.memory_space<vmem>>, vector<1x512xf32>
    %get3A_755 = vector.shape_cast %get3A_754 : vector<1x512xf32> to vector<512xf32>
    %add3A_756 = arith.addf %get3A_751, %get3A_755 : vector<512xf32>
    %swap3A_757 = arith.constant 54 : index
    %swap3A_758 = arith.constant 0 : index
    %swap3A_759 = vector.load %arg2[%swap3A_757, %swap3A_758] : memref<128x512xf32, #tpu.memory_space<vmem>>, vector<1x512xf32>
    %swap3A_760 = vector.shape_cast %swap3A_759 : vector<1x512xf32> to vector<512xf32>
    %swap3A_761 = vector.shape_cast %add3A_756 : vector<512xf32> to vector<1x512xf32>
    tpu.vector_store %arg2[%swap3A_757, %swap3A_758], %swap3A_761 {strides = array<i32>} : memref<128x512xf32, #tpu.memory_space<vmem>>, vector<1x512xf32>,
    %get3A_762 = arith.constant 54 : index
    %get3A_763 = arith.constant 0 : index
    %get3A_764 = vector.load %arg2[%get3A_762, %get3A_763] : memref<128x512xf32, #tpu.memory_space<vmem>>, vector<1x512xf32>
    %get3A_765 = vector.shape_cast %get3A_764 : vector<1x512xf32> to vector<512xf32>
    %get3A_766 = arith.constant 55 : index
    %get3A_767 = arith.constant 0 : index
    %get3A_768 = vector.load %arg1[%get3A_766, %get3A_767] : memref<128x512xf32, #tpu.memory_space<vmem>>, vector<1x512xf32>
    %get3A_769 = vector.shape_cast %get3A_768 : vector<1x512xf32> to vector<512xf32>
    %add3A_770 = arith.addf %get3A_765, %get3A_769 : vector<512xf32>
    %swap3A_771 = arith.constant 55 : index
    %swap3A_772 = arith.constant 0 : index
    %swap3A_773 = vector.load %arg2[%swap3A_771, %swap3A_772] : memref<128x512xf32, #tpu.memory_space<vmem>>, vector<1x512xf32>
    %swap3A_774 = vector.shape_cast %swap3A_773 : vector<1x512xf32> to vector<512xf32>
    %swap3A_775 = vector.shape_cast %add3A_770 : vector<512xf32> to vector<1x512xf32>
    tpu.vector_store %arg2[%swap3A_771, %swap3A_772], %swap3A_775 {strides = array<i32>} : memref<128x512xf32, #tpu.memory_space<vmem>>, vector<1x512xf32>,
    %get3A_776 = arith.constant 55 : index
    %get3A_777 = arith.constant 0 : index
    %get3A_778 = vector.load %arg2[%get3A_776, %get3A_777] : memref<128x512xf32, #tpu.memory_space<vmem>>, vector<1x512xf32>
    %get3A_779 = vector.shape_cast %get3A_778 : vector<1x512xf32> to vector<512xf32>
    %get3A_780 = arith.constant 56 : index
    %get3A_781 = arith.constant 0 : index
    %get3A_782 = vector.load %arg1[%get3A_780, %get3A_781] : memref<128x512xf32, #tpu.memory_space<vmem>>, vector<1x512xf32>
    %get3A_783 = vector.shape_cast %get3A_782 : vector<1x512xf32> to vector<512xf32>
    %add3A_784 = arith.addf %get3A_779, %get3A_783 : vector<512xf32>
    %swap3A_785 = arith.constant 56 : index
    %swap3A_786 = arith.constant 0 : index
    %swap3A_787 = vector.load %arg2[%swap3A_785, %swap3A_786] : memref<128x512xf32, #tpu.memory_space<vmem>>, vector<1x512xf32>
    %swap3A_788 = vector.shape_cast %swap3A_787 : vector<1x512xf32> to vector<512xf32>
    %swap3A_789 = vector.shape_cast %add3A_784 : vector<512xf32> to vector<1x512xf32>
    tpu.vector_store %arg2[%swap3A_785, %swap3A_786], %swap3A_789 {strides = array<i32>} : memref<128x512xf32, #tpu.memory_space<vmem>>, vector<1x512xf32>,
    %get3A_790 = arith.constant 56 : index
    %get3A_791 = arith.constant 0 : index
    %get3A_792 = vector.load %arg2[%get3A_790, %get3A_791] : memref<128x512xf32, #tpu.memory_space<vmem>>, vector<1x512xf32>
    %get3A_793 = vector.shape_cast %get3A_792 : vector<1x512xf32> to vector<512xf32>
    %get3A_794 = arith.constant 57 : index
    %get3A_795 = arith.constant 0 : index
    %get3A_796 = vector.load %arg1[%get3A_794, %get3A_795] : memref<128x512xf32, #tpu.memory_space<vmem>>, vector<1x512xf32>
    %get3A_797 = vector.shape_cast %get3A_796 : vector<1x512xf32> to vector<512xf32>
    %add3A_798 = arith.addf %get3A_793, %get3A_797 : vector<512xf32>
    %swap3A_799 = arith.constant 57 : index
    %swap3A_800 = arith.constant 0 : index
    %swap3A_801 = vector.load %arg2[%swap3A_799, %swap3A_800] : memref<128x512xf32, #tpu.memory_space<vmem>>, vector<1x512xf32>
    %swap3A_802 = vector.shape_cast %swap3A_801 : vector<1x512xf32> to vector<512xf32>
    %swap3A_803 = vector.shape_cast %add3A_798 : vector<512xf32> to vector<1x512xf32>
    tpu.vector_store %arg2[%swap3A_799, %swap3A_800], %swap3A_803 {strides = array<i32>} : memref<128x512xf32, #tpu.memory_space<vmem>>, vector<1x512xf32>,
    %get3A_804 = arith.constant 57 : index
    %get3A_805 = arith.constant 0 : index
    %get3A_806 = vector.load %arg2[%get3A_804, %get3A_805] : memref<128x512xf32, #tpu.memory_space<vmem>>, vector<1x512xf32>
    %get3A_807 = vector.shape_cast %get3A_806 : vector<1x512xf32> to vector<512xf32>
    %get3A_808 = arith.constant 58 : index
    %get3A_809 = arith.constant 0 : index
    %get3A_810 = vector.load %arg1[%get3A_808, %get3A_809] : memref<128x512xf32, #tpu.memory_space<vmem>>, vector<1x512xf32>
    %get3A_811 = vector.shape_cast %get3A_810 : vector<1x512xf32> to vector<512xf32>
    %add3A_812 = arith.addf %get3A_807, %get3A_811 : vector<512xf32>
    %swap3A_813 = arith.constant 58 : index
    %swap3A_814 = arith.constant 0 : index
    %swap3A_815 = vector.load %arg2[%swap3A_813, %swap3A_814] : memref<128x512xf32, #tpu.memory_space<vmem>>, vector<1x512xf32>
    %swap3A_816 = vector.shape_cast %swap3A_815 : vector<1x512xf32> to vector<512xf32>
    %swap3A_817 = vector.shape_cast %add3A_812 : vector<512xf32> to vector<1x512xf32>
    tpu.vector_store %arg2[%swap3A_813, %swap3A_814], %swap3A_817 {strides = array<i32>} : memref<128x512xf32, #tpu.memory_space<vmem>>, vector<1x512xf32>,
    %get3A_818 = arith.constant 58 : index
    %get3A_819 = arith.constant 0 : index
    %get3A_820 = vector.load %arg2[%get3A_818, %get3A_819] : memref<128x512xf32, #tpu.memory_space<vmem>>, vector<1x512xf32>
    %get3A_821 = vector.shape_cast %get3A_820 : vector<1x512xf32> to vector<512xf32>
    %get3A_822 = arith.constant 59 : index
    %get3A_823 = arith.constant 0 : index
    %get3A_824 = vector.load %arg1[%get3A_822, %get3A_823] : memref<128x512xf32, #tpu.memory_space<vmem>>, vector<1x512xf32>
    %get3A_825 = vector.shape_cast %get3A_824 : vector<1x512xf32> to vector<512xf32>
    %add3A_826 = arith.addf %get3A_821, %get3A_825 : vector<512xf32>
    %swap3A_827 = arith.constant 59 : index
    %swap3A_828 = arith.constant 0 : index
    %swap3A_829 = vector.load %arg2[%swap3A_827, %swap3A_828] : memref<128x512xf32, #tpu.memory_space<vmem>>, vector<1x512xf32>
    %swap3A_830 = vector.shape_cast %swap3A_829 : vector<1x512xf32> to vector<512xf32>
    %swap3A_831 = vector.shape_cast %add3A_826 : vector<512xf32> to vector<1x512xf32>
    tpu.vector_store %arg2[%swap3A_827, %swap3A_828], %swap3A_831 {strides = array<i32>} : memref<128x512xf32, #tpu.memory_space<vmem>>, vector<1x512xf32>,
    %get3A_832 = arith.constant 59 : index
    %get3A_833 = arith.constant 0 : index
    %get3A_834 = vector.load %arg2[%get3A_832, %get3A_833] : memref<128x512xf32, #tpu.memory_space<vmem>>, vector<1x512xf32>
    %get3A_835 = vector.shape_cast %get3A_834 : vector<1x512xf32> to vector<512xf32>
    %get3A_836 = arith.constant 60 : index
    %get3A_837 = arith.constant 0 : index
    %get3A_838 = vector.load %arg1[%get3A_836, %get3A_837] : memref<128x512xf32, #tpu.memory_space<vmem>>, vector<1x512xf32>
    %get3A_839 = vector.shape_cast %get3A_838 : vector<1x512xf32> to vector<512xf32>
    %add3A_840 = arith.addf %get3A_835, %get3A_839 : vector<512xf32>
    %swap3A_841 = arith.constant 60 : index
    %swap3A_842 = arith.constant 0 : index
    %swap3A_843 = vector.load %arg2[%swap3A_841, %swap3A_842] : memref<128x512xf32, #tpu.memory_space<vmem>>, vector<1x512xf32>
    %swap3A_844 = vector.shape_cast %swap3A_843 : vector<1x512xf32> to vector<512xf32>
    %swap3A_845 = vector.shape_cast %add3A_840 : vector<512xf32> to vector<1x512xf32>
    tpu.vector_store %arg2[%swap3A_841, %swap3A_842], %swap3A_845 {strides = array<i32>} : memref<128x512xf32, #tpu.memory_space<vmem>>, vector<1x512xf32>,
    %get3A_846 = arith.constant 60 : index
    %get3A_847 = arith.constant 0 : index
    %get3A_848 = vector.load %arg2[%get3A_846, %get3A_847] : memref<128x512xf32, #tpu.memory_space<vmem>>, vector<1x512xf32>
    %get3A_849 = vector.shape_cast %get3A_848 : vector<1x512xf32> to vector<512xf32>
    %get3A_850 = arith.constant 61 : index
    %get3A_851 = arith.constant 0 : index
    %get3A_852 = vector.load %arg1[%get3A_850, %get3A_851] : memref<128x512xf32, #tpu.memory_space<vmem>>, vector<1x512xf32>
    %get3A_853 = vector.shape_cast %get3A_852 : vector<1x512xf32> to vector<512xf32>
    %add3A_854 = arith.addf %get3A_849, %get3A_853 : vector<512xf32>
    %swap3A_855 = arith.constant 61 : index
    %swap3A_856 = arith.constant 0 : index
    %swap3A_857 = vector.load %arg2[%swap3A_855, %swap3A_856] : memref<128x512xf32, #tpu.memory_space<vmem>>, vector<1x512xf32>
    %swap3A_858 = vector.shape_cast %swap3A_857 : vector<1x512xf32> to vector<512xf32>
    %swap3A_859 = vector.shape_cast %add3A_854 : vector<512xf32> to vector<1x512xf32>
    tpu.vector_store %arg2[%swap3A_855, %swap3A_856], %swap3A_859 {strides = array<i32>} : memref<128x512xf32, #tpu.memory_space<vmem>>, vector<1x512xf32>,
    %get3A_860 = arith.constant 61 : index
    %get3A_861 = arith.constant 0 : index
    %get3A_862 = vector.load %arg2[%get3A_860, %get3A_861] : memref<128x512xf32, #tpu.memory_space<vmem>>, vector<1x512xf32>
    %get3A_863 = vector.shape_cast %get3A_862 : vector<1x512xf32> to vector<512xf32>
    %get3A_864 = arith.constant 62 : index
    %get3A_865 = arith.constant 0 : index
    %get3A_866 = vector.load %arg1[%get3A_864, %get3A_865] : memref<128x512xf32, #tpu.memory_space<vmem>>, vector<1x512xf32>
    %get3A_867 = vector.shape_cast %get3A_866 : vector<1x512xf32> to vector<512xf32>
    %add3A_868 = arith.addf %get3A_863, %get3A_867 : vector<512xf32>
    %swap3A_869 = arith.constant 62 : index
    %swap3A_870 = arith.constant 0 : index
    %swap3A_871 = vector.load %arg2[%swap3A_869, %swap3A_870] : memref<128x512xf32, #tpu.memory_space<vmem>>, vector<1x512xf32>
    %swap3A_872 = vector.shape_cast %swap3A_871 : vector<1x512xf32> to vector<512xf32>
    %swap3A_873 = vector.shape_cast %add3A_868 : vector<512xf32> to vector<1x512xf32>
    tpu.vector_store %arg2[%swap3A_869, %swap3A_870], %swap3A_873 {strides = array<i32>} : memref<128x512xf32, #tpu.memory_space<vmem>>, vector<1x512xf32>,
    %get3A_874 = arith.constant 62 : index
    %get3A_875 = arith.constant 0 : index
    %get3A_876 = vector.load %arg2[%get3A_874, %get3A_875] : memref<128x512xf32, #tpu.memory_space<vmem>>, vector<1x512xf32>
    %get3A_877 = vector.shape_cast %get3A_876 : vector<1x512xf32> to vector<512xf32>
    %get3A_878 = arith.constant 63 : index
    %get3A_879 = arith.constant 0 : index
    %get3A_880 = vector.load %arg1[%get3A_878, %get3A_879] : memref<128x512xf32, #tpu.memory_space<vmem>>, vector<1x512xf32>
    %get3A_881 = vector.shape_cast %get3A_880 : vector<1x512xf32> to vector<512xf32>
    %add3A_882 = arith.addf %get3A_877, %get3A_881 : vector<512xf32>
    %swap3A_883 = arith.constant 63 : index
    %swap3A_884 = arith.constant 0 : index
    %swap3A_885 = vector.load %arg2[%swap3A_883, %swap3A_884] : memref<128x512xf32, #tpu.memory_space<vmem>>, vector<1x512xf32>
    %swap3A_886 = vector.shape_cast %swap3A_885 : vector<1x512xf32> to vector<512xf32>
    %swap3A_887 = vector.shape_cast %add3A_882 : vector<512xf32> to vector<1x512xf32>
    tpu.vector_store %arg2[%swap3A_883, %swap3A_884], %swap3A_887 {strides = array<i32>} : memref<128x512xf32, #tpu.memory_space<vmem>>, vector<1x512xf32>,
    %get3A_888 = arith.constant 63 : index
    %get3A_889 = arith.constant 0 : index
    %get3A_890 = vector.load %arg2[%get3A_888, %get3A_889] : memref<128x512xf32, #tpu.memory_space<vmem>>, vector<1x512xf32>
    %get3A_891 = vector.shape_cast %get3A_890 : vector<1x512xf32> to vector<512xf32>
    %get3A_892 = arith.constant 64 : index
    %get3A_893 = arith.constant 0 : index
    %get3A_894 = vector.load %arg1[%get3A_892, %get3A_893] : memref<128x512xf32, #tpu.memory_space<vmem>>, vector<1x512xf32>
    %get3A_895 = vector.shape_cast %get3A_894 : vector<1x512xf32> to vector<512xf32>
    %add3A_896 = arith.addf %get3A_891, %get3A_895 : vector<512xf32>
    %swap3A_897 = arith.constant 64 : index
    %swap3A_898 = arith.constant 0 : index
    %swap3A_899 = vector.load %arg2[%swap3A_897, %swap3A_898] : memref<128x512xf32, #tpu.memory_space<vmem>>, vector<1x512xf32>
    %swap3A_900 = vector.shape_cast %swap3A_899 : vector<1x512xf32> to vector<512xf32>
    %swap3A_901 = vector.shape_cast %add3A_896 : vector<512xf32> to vector<1x512xf32>
    tpu.vector_store %arg2[%swap3A_897, %swap3A_898], %swap3A_901 {strides = array<i32>} : memref<128x512xf32, #tpu.memory_space<vmem>>, vector<1x512xf32>,
    %get3A_902 = arith.constant 64 : index
    %get3A_903 = arith.constant 0 : index
    %get3A_904 = vector.load %arg2[%get3A_902, %get3A_903] : memref<128x512xf32, #tpu.memory_space<vmem>>, vector<1x512xf32>
    %get3A_905 = vector.shape_cast %get3A_904 : vector<1x512xf32> to vector<512xf32>
    %get3A_906 = arith.constant 65 : index
    %get3A_907 = arith.constant 0 : index
    %get3A_908 = vector.load %arg1[%get3A_906, %get3A_907] : memref<128x512xf32, #tpu.memory_space<vmem>>, vector<1x512xf32>
    %get3A_909 = vector.shape_cast %get3A_908 : vector<1x512xf32> to vector<512xf32>
    %add3A_910 = arith.addf %get3A_905, %get3A_909 : vector<512xf32>
    %swap3A_911 = arith.constant 65 : index
    %swap3A_912 = arith.constant 0 : index
    %swap3A_913 = vector.load %arg2[%swap3A_911, %swap3A_912] : memref<128x512xf32, #tpu.memory_space<vmem>>, vector<1x512xf32>
    %swap3A_914 = vector.shape_cast %swap3A_913 : vector<1x512xf32> to vector<512xf32>
    %swap3A_915 = vector.shape_cast %add3A_910 : vector<512xf32> to vector<1x512xf32>
    tpu.vector_store %arg2[%swap3A_911, %swap3A_912], %swap3A_915 {strides = array<i32>} : memref<128x512xf32, #tpu.memory_space<vmem>>, vector<1x512xf32>,
    %get3A_916 = arith.constant 65 : index
    %get3A_917 = arith.constant 0 : index
    %get3A_918 = vector.load %arg2[%get3A_916, %get3A_917] : memref<128x512xf32, #tpu.memory_space<vmem>>, vector<1x512xf32>
    %get3A_919 = vector.shape_cast %get3A_918 : vector<1x512xf32> to vector<512xf32>
    %get3A_920 = arith.constant 66 : index
    %get3A_921 = arith.constant 0 : index
    %get3A_922 = vector.load %arg1[%get3A_920, %get3A_921] : memref<128x512xf32, #tpu.memory_space<vmem>>, vector<1x512xf32>
    %get3A_923 = vector.shape_cast %get3A_922 : vector<1x512xf32> to vector<512xf32>
    %add3A_924 = arith.addf %get3A_919, %get3A_923 : vector<512xf32>
    %swap3A_925 = arith.constant 66 : index
    %swap3A_926 = arith.constant 0 : index
    %swap3A_927 = vector.load %arg2[%swap3A_925, %swap3A_926] : memref<128x512xf32, #tpu.memory_space<vmem>>, vector<1x512xf32>
    %swap3A_928 = vector.shape_cast %swap3A_927 : vector<1x512xf32> to vector<512xf32>
    %swap3A_929 = vector.shape_cast %add3A_924 : vector<512xf32> to vector<1x512xf32>
    tpu.vector_store %arg2[%swap3A_925, %swap3A_926], %swap3A_929 {strides = array<i32>} : memref<128x512xf32, #tpu.memory_space<vmem>>, vector<1x512xf32>,
    %get3A_930 = arith.constant 66 : index
    %get3A_931 = arith.constant 0 : index
    %get3A_932 = vector.load %arg2[%get3A_930, %get3A_931] : memref<128x512xf32, #tpu.memory_space<vmem>>, vector<1x512xf32>
    %get3A_933 = vector.shape_cast %get3A_932 : vector<1x512xf32> to vector<512xf32>
    %get3A_934 = arith.constant 67 : index
    %get3A_935 = arith.constant 0 : index
    %get3A_936 = vector.load %arg1[%get3A_934, %get3A_935] : memref<128x512xf32, #tpu.memory_space<vmem>>, vector<1x512xf32>
    %get3A_937 = vector.shape_cast %get3A_936 : vector<1x512xf32> to vector<512xf32>
    %add3A_938 = arith.addf %get3A_933, %get3A_937 : vector<512xf32>
    %swap3A_939 = arith.constant 67 : index
    %swap3A_940 = arith.constant 0 : index
    %swap3A_941 = vector.load %arg2[%swap3A_939, %swap3A_940] : memref<128x512xf32, #tpu.memory_space<vmem>>, vector<1x512xf32>
    %swap3A_942 = vector.shape_cast %swap3A_941 : vector<1x512xf32> to vector<512xf32>
    %swap3A_943 = vector.shape_cast %add3A_938 : vector<512xf32> to vector<1x512xf32>
    tpu.vector_store %arg2[%swap3A_939, %swap3A_940], %swap3A_943 {strides = array<i32>} : memref<128x512xf32, #tpu.memory_space<vmem>>, vector<1x512xf32>,
    %get3A_944 = arith.constant 67 : index
    %get3A_945 = arith.constant 0 : index
    %get3A_946 = vector.load %arg2[%get3A_944, %get3A_945] : memref<128x512xf32, #tpu.memory_space<vmem>>, vector<1x512xf32>
    %get3A_947 = vector.shape_cast %get3A_946 : vector<1x512xf32> to vector<512xf32>
    %get3A_948 = arith.constant 68 : index
    %get3A_949 = arith.constant 0 : index
    %get3A_950 = vector.load %arg1[%get3A_948, %get3A_949] : memref<128x512xf32, #tpu.memory_space<vmem>>, vector<1x512xf32>
    %get3A_951 = vector.shape_cast %get3A_950 : vector<1x512xf32> to vector<512xf32>
    %add3A_952 = arith.addf %get3A_947, %get3A_951 : vector<512xf32>
    %swap3A_953 = arith.constant 68 : index
    %swap3A_954 = arith.constant 0 : index
    %swap3A_955 = vector.load %arg2[%swap3A_953, %swap3A_954] : memref<128x512xf32, #tpu.memory_space<vmem>>, vector<1x512xf32>
    %swap3A_956 = vector.shape_cast %swap3A_955 : vector<1x512xf32> to vector<512xf32>
    %swap3A_957 = vector.shape_cast %add3A_952 : vector<512xf32> to vector<1x512xf32>
    tpu.vector_store %arg2[%swap3A_953, %swap3A_954], %swap3A_957 {strides = array<i32>} : memref<128x512xf32, #tpu.memory_space<vmem>>, vector<1x512xf32>,
    %get3A_958 = arith.constant 68 : index
    %get3A_959 = arith.constant 0 : index
    %get3A_960 = vector.load %arg2[%get3A_958, %get3A_959] : memref<128x512xf32, #tpu.memory_space<vmem>>, vector<1x512xf32>
    %get3A_961 = vector.shape_cast %get3A_960 : vector<1x512xf32> to vector<512xf32>
    %get3A_962 = arith.constant 69 : index
    %get3A_963 = arith.constant 0 : index
    %get3A_964 = vector.load %arg1[%get3A_962, %get3A_963] : memref<128x512xf32, #tpu.memory_space<vmem>>, vector<1x512xf32>
    %get3A_965 = vector.shape_cast %get3A_964 : vector<1x512xf32> to vector<512xf32>
    %add3A_966 = arith.addf %get3A_961, %get3A_965 : vector<512xf32>
    %swap3A_967 = arith.constant 69 : index
    %swap3A_968 = arith.constant 0 : index
    %swap3A_969 = vector.load %arg2[%swap3A_967, %swap3A_968] : memref<128x512xf32, #tpu.memory_space<vmem>>, vector<1x512xf32>
    %swap3A_970 = vector.shape_cast %swap3A_969 : vector<1x512xf32> to vector<512xf32>
    %swap3A_971 = vector.shape_cast %add3A_966 : vector<512xf32> to vector<1x512xf32>
    tpu.vector_store %arg2[%swap3A_967, %swap3A_968], %swap3A_971 {strides = array<i32>} : memref<128x512xf32, #tpu.memory_space<vmem>>, vector<1x512xf32>,
    %get3A_972 = arith.constant 69 : index
    %get3A_973 = arith.constant 0 : index
    %get3A_974 = vector.load %arg2[%get3A_972, %get3A_973] : memref<128x512xf32, #tpu.memory_space<vmem>>, vector<1x512xf32>
    %get3A_975 = vector.shape_cast %get3A_974 : vector<1x512xf32> to vector<512xf32>
    %get3A_976 = arith.constant 70 : index
    %get3A_977 = arith.constant 0 : index
    %get3A_978 = vector.load %arg1[%get3A_976, %get3A_977] : memref<128x512xf32, #tpu.memory_space<vmem>>, vector<1x512xf32>
    %get3A_979 = vector.shape_cast %get3A_978 : vector<1x512xf32> to vector<512xf32>
    %add3A_980 = arith.addf %get3A_975, %get3A_979 : vector<512xf32>
    %swap3A_981 = arith.constant 70 : index
    %swap3A_982 = arith.constant 0 : index
    %swap3A_983 = vector.load %arg2[%swap3A_981, %swap3A_982] : memref<128x512xf32, #tpu.memory_space<vmem>>, vector<1x512xf32>
    %swap3A_984 = vector.shape_cast %swap3A_983 : vector<1x512xf32> to vector<512xf32>
    %swap3A_985 = vector.shape_cast %add3A_980 : vector<512xf32> to vector<1x512xf32>
    tpu.vector_store %arg2[%swap3A_981, %swap3A_982], %swap3A_985 {strides = array<i32>} : memref<128x512xf32, #tpu.memory_space<vmem>>, vector<1x512xf32>,
    %get3A_986 = arith.constant 70 : index
    %get3A_987 = arith.constant 0 : index
    %get3A_988 = vector.load %arg2[%get3A_986, %get3A_987] : memref<128x512xf32, #tpu.memory_space<vmem>>, vector<1x512xf32>
    %get3A_989 = vector.shape_cast %get3A_988 : vector<1x512xf32> to vector<512xf32>
    %get3A_990 = arith.constant 71 : index
    %get3A_991 = arith.constant 0 : index
    %get3A_992 = vector.load %arg1[%get3A_990, %get3A_991] : memref<128x512xf32, #tpu.memory_space<vmem>>, vector<1x512xf32>
    %get3A_993 = vector.shape_cast %get3A_992 : vector<1x512xf32> to vector<512xf32>
    %add3A_994 = arith.addf %get3A_989, %get3A_993 : vector<512xf32>
    %swap3A_995 = arith.constant 71 : index
    %swap3A_996 = arith.constant 0 : index
    %swap3A_997 = vector.load %arg2[%swap3A_995, %swap3A_996] : memref<128x512xf32, #tpu.memory_space<vmem>>, vector<1x512xf32>
    %swap3A_998 = vector.shape_cast %swap3A_997 : vector<1x512xf32> to vector<512xf32>
    %swap3A_999 = vector.shape_cast %add3A_994 : vector<512xf32> to vector<1x512xf32>
    tpu.vector_store %arg2[%swap3A_995, %swap3A_996], %swap3A_999 {strides = array<i32>} : memref<128x512xf32, #tpu.memory_space<vmem>>, vector<1x512xf32>,
    %get3A_1000 = arith.constant 71 : index
    %get3A_1001 = arith.constant 0 : index
    %get3A_1002 = vector.load %arg2[%get3A_1000, %get3A_1001] : memref<128x512xf32, #tpu.memory_space<vmem>>, vector<1x512xf32>
    %get3A_1003 = vector.shape_cast %get3A_1002 : vector<1x512xf32> to vector<512xf32>
    %get3A_1004 = arith.constant 72 : index
    %get3A_1005 = arith.constant 0 : index
    %get3A_1006 = vector.load %arg1[%get3A_1004, %get3A_1005] : memref<128x512xf32, #tpu.memory_space<vmem>>, vector<1x512xf32>
    %get3A_1007 = vector.shape_cast %get3A_1006 : vector<1x512xf32> to vector<512xf32>
    %add3A_1008 = arith.addf %get3A_1003, %get3A_1007 : vector<512xf32>
    %swap3A_1009 = arith.constant 72 : index
    %swap3A_1010 = arith.constant 0 : index
    %swap3A_1011 = vector.load %arg2[%swap3A_1009, %swap3A_1010] : memref<128x512xf32, #tpu.memory_space<vmem>>, vector<1x512xf32>
    %swap3A_1012 = vector.shape_cast %swap3A_1011 : vector<1x512xf32> to vector<512xf32>
    %swap3A_1013 = vector.shape_cast %add3A_1008 : vector<512xf32> to vector<1x512xf32>
    tpu.vector_store %arg2[%swap3A_1009, %swap3A_1010], %swap3A_1013 {strides = array<i32>} : memref<128x512xf32, #tpu.memory_space<vmem>>, vector<1x512xf32>,
    %get3A_1014 = arith.constant 72 : index
    %get3A_1015 = arith.constant 0 : index
    %get3A_1016 = vector.load %arg2[%get3A_1014, %get3A_1015] : memref<128x512xf32, #tpu.memory_space<vmem>>, vector<1x512xf32>
    %get3A_1017 = vector.shape_cast %get3A_1016 : vector<1x512xf32> to vector<512xf32>
    %get3A_1018 = arith.constant 73 : index
    %get3A_1019 = arith.constant 0 : index
    %get3A_1020 = vector.load %arg1[%get3A_1018, %get3A_1019] : memref<128x512xf32, #tpu.memory_space<vmem>>, vector<1x512xf32>
    %get3A_1021 = vector.shape_cast %get3A_1020 : vector<1x512xf32> to vector<512xf32>
    %add3A_1022 = arith.addf %get3A_1017, %get3A_1021 : vector<512xf32>
    %swap3A_1023 = arith.constant 73 : index
    %swap3A_1024 = arith.constant 0 : index
    %swap3A_1025 = vector.load %arg2[%swap3A_1023, %swap3A_1024] : memref<128x512xf32, #tpu.memory_space<vmem>>, vector<1x512xf32>
    %swap3A_1026 = vector.shape_cast %swap3A_1025 : vector<1x512xf32> to vector<512xf32>
    %swap3A_1027 = vector.shape_cast %add3A_1022 : vector<512xf32> to vector<1x512xf32>
    tpu.vector_store %arg2[%swap3A_1023, %swap3A_1024], %swap3A_1027 {strides = array<i32>} : memref<128x512xf32, #tpu.memory_space<vmem>>, vector<1x512xf32>,
    %get3A_1028 = arith.constant 73 : index
    %get3A_1029 = arith.constant 0 : index
    %get3A_1030 = vector.load %arg2[%get3A_1028, %get3A_1029] : memref<128x512xf32, #tpu.memory_space<vmem>>, vector<1x512xf32>
    %get3A_1031 = vector.shape_cast %get3A_1030 : vector<1x512xf32> to vector<512xf32>
    %get3A_1032 = arith.constant 74 : index
    %get3A_1033 = arith.constant 0 : index
    %get3A_1034 = vector.load %arg1[%get3A_1032, %get3A_1033] : memref<128x512xf32, #tpu.memory_space<vmem>>, vector<1x512xf32>
    %get3A_1035 = vector.shape_cast %get3A_1034 : vector<1x512xf32> to vector<512xf32>
    %add3A_1036 = arith.addf %get3A_1031, %get3A_1035 : vector<512xf32>
    %swap3A_1037 = arith.constant 74 : index
    %swap3A_1038 = arith.constant 0 : index
    %swap3A_1039 = vector.load %arg2[%swap3A_1037, %swap3A_1038] : memref<128x512xf32, #tpu.memory_space<vmem>>, vector<1x512xf32>
    %swap3A_1040 = vector.shape_cast %swap3A_1039 : vector<1x512xf32> to vector<512xf32>
    %swap3A_1041 = vector.shape_cast %add3A_1036 : vector<512xf32> to vector<1x512xf32>
    tpu.vector_store %arg2[%swap3A_1037, %swap3A_1038], %swap3A_1041 {strides = array<i32>} : memref<128x512xf32, #tpu.memory_space<vmem>>, vector<1x512xf32>,
    %get3A_1042 = arith.constant 74 : index
    %get3A_1043 = arith.constant 0 : index
    %get3A_1044 = vector.load %arg2[%get3A_1042, %get3A_1043] : memref<128x512xf32, #tpu.memory_space<vmem>>, vector<1x512xf32>
    %get3A_1045 = vector.shape_cast %get3A_1044 : vector<1x512xf32> to vector<512xf32>
    %get3A_1046 = arith.constant 75 : index
    %get3A_1047 = arith.constant 0 : index
    %get3A_1048 = vector.load %arg1[%get3A_1046, %get3A_1047] : memref<128x512xf32, #tpu.memory_space<vmem>>, vector<1x512xf32>
    %get3A_1049 = vector.shape_cast %get3A_1048 : vector<1x512xf32> to vector<512xf32>
    %add3A_1050 = arith.addf %get3A_1045, %get3A_1049 : vector<512xf32>
    %swap3A_1051 = arith.constant 75 : index
    %swap3A_1052 = arith.constant 0 : index
    %swap3A_1053 = vector.load %arg2[%swap3A_1051, %swap3A_1052] : memref<128x512xf32, #tpu.memory_space<vmem>>, vector<1x512xf32>
    %swap3A_1054 = vector.shape_cast %swap3A_1053 : vector<1x512xf32> to vector<512xf32>
    %swap3A_1055 = vector.shape_cast %add3A_1050 : vector<512xf32> to vector<1x512xf32>
    tpu.vector_store %arg2[%swap3A_1051, %swap3A_1052], %swap3A_1055 {strides = array<i32>} : memref<128x512xf32, #tpu.memory_space<vmem>>, vector<1x512xf32>,
    %get3A_1056 = arith.constant 75 : index
    %get3A_1057 = arith.constant 0 : index
    %get3A_1058 = vector.load %arg2[%get3A_1056, %get3A_1057] : memref<128x512xf32, #tpu.memory_space<vmem>>, vector<1x512xf32>
    %get3A_1059 = vector.shape_cast %get3A_1058 : vector<1x512xf32> to vector<512xf32>
    %get3A_1060 = arith.constant 76 : index
    %get3A_1061 = arith.constant 0 : index
    %get3A_1062 = vector.load %arg1[%get3A_1060, %get3A_1061] : memref<128x512xf32, #tpu.memory_space<vmem>>, vector<1x512xf32>
    %get3A_1063 = vector.shape_cast %get3A_1062 : vector<1x512xf32> to vector<512xf32>
    %add3A_1064 = arith.addf %get3A_1059, %get3A_1063 : vector<512xf32>
    %swap3A_1065 = arith.constant 76 : index
    %swap3A_1066 = arith.constant 0 : index
    %swap3A_1067 = vector.load %arg2[%swap3A_1065, %swap3A_1066] : memref<128x512xf32, #tpu.memory_space<vmem>>, vector<1x512xf32>
    %swap3A_1068 = vector.shape_cast %swap3A_1067 : vector<1x512xf32> to vector<512xf32>
    %swap3A_1069 = vector.shape_cast %add3A_1064 : vector<512xf32> to vector<1x512xf32>
    tpu.vector_store %arg2[%swap3A_1065, %swap3A_1066], %swap3A_1069 {strides = array<i32>} : memref<128x512xf32, #tpu.memory_space<vmem>>, vector<1x512xf32>,
    %get3A_1070 = arith.constant 76 : index
    %get3A_1071 = arith.constant 0 : index
    %get3A_1072 = vector.load %arg2[%get3A_1070, %get3A_1071] : memref<128x512xf32, #tpu.memory_space<vmem>>, vector<1x512xf32>
    %get3A_1073 = vector.shape_cast %get3A_1072 : vector<1x512xf32> to vector<512xf32>
    %get3A_1074 = arith.constant 77 : index
    %get3A_1075 = arith.constant 0 : index
    %get3A_1076 = vector.load %arg1[%get3A_1074, %get3A_1075] : memref<128x512xf32, #tpu.memory_space<vmem>>, vector<1x512xf32>
    %get3A_1077 = vector.shape_cast %get3A_1076 : vector<1x512xf32> to vector<512xf32>
    %add3A_1078 = arith.addf %get3A_1073, %get3A_1077 : vector<512xf32>
    %swap3A_1079 = arith.constant 77 : index
    %swap3A_1080 = arith.constant 0 : index
    %swap3A_1081 = vector.load %arg2[%swap3A_1079, %swap3A_1080] : memref<128x512xf32, #tpu.memory_space<vmem>>, vector<1x512xf32>
    %swap3A_1082 = vector.shape_cast %swap3A_1081 : vector<1x512xf32> to vector<512xf32>
    %swap3A_1083 = vector.shape_cast %add3A_1078 : vector<512xf32> to vector<1x512xf32>
    tpu.vector_store %arg2[%swap3A_1079, %swap3A_1080], %swap3A_1083 {strides = array<i32>} : memref<128x512xf32, #tpu.memory_space<vmem>>, vector<1x512xf32>,
    %get3A_1084 = arith.constant 77 : index
    %get3A_1085 = arith.constant 0 : index
    %get3A_1086 = vector.load %arg2[%get3A_1084, %get3A_1085] : memref<128x512xf32, #tpu.memory_space<vmem>>, vector<1x512xf32>
    %get3A_1087 = vector.shape_cast %get3A_1086 : vector<1x512xf32> to vector<512xf32>
    %get3A_1088 = arith.constant 78 : index
    %get3A_1089 = arith.constant 0 : index
    %get3A_1090 = vector.load %arg1[%get3A_1088, %get3A_1089] : memref<128x512xf32, #tpu.memory_space<vmem>>, vector<1x512xf32>
    %get3A_1091 = vector.shape_cast %get3A_1090 : vector<1x512xf32> to vector<512xf32>
    %add3A_1092 = arith.addf %get3A_1087, %get3A_1091 : vector<512xf32>
    %swap3A_1093 = arith.constant 78 : index
    %swap3A_1094 = arith.constant 0 : index
    %swap3A_1095 = vector.load %arg2[%swap3A_1093, %swap3A_1094] : memref<128x512xf32, #tpu.memory_space<vmem>>, vector<1x512xf32>
    %swap3A_1096 = vector.shape_cast %swap3A_1095 : vector<1x512xf32> to vector<512xf32>
    %swap3A_1097 = vector.shape_cast %add3A_1092 : vector<512xf32> to vector<1x512xf32>
    tpu.vector_store %arg2[%swap3A_1093, %swap3A_1094], %swap3A_1097 {strides = array<i32>} : memref<128x512xf32, #tpu.memory_space<vmem>>, vector<1x512xf32>,
    %get3A_1098 = arith.constant 78 : index
    %get3A_1099 = arith.constant 0 : index
    %get3A_1100 = vector.load %arg2[%get3A_1098, %get3A_1099] : memref<128x512xf32, #tpu.memory_space<vmem>>, vector<1x512xf32>
    %get3A_1101 = vector.shape_cast %get3A_1100 : vector<1x512xf32> to vector<512xf32>
    %get3A_1102 = arith.constant 79 : index
    %get3A_1103 = arith.constant 0 : index
    %get3A_1104 = vector.load %arg1[%get3A_1102, %get3A_1103] : memref<128x512xf32, #tpu.memory_space<vmem>>, vector<1x512xf32>
    %get3A_1105 = vector.shape_cast %get3A_1104 : vector<1x512xf32> to vector<512xf32>
    %add3A_1106 = arith.addf %get3A_1101, %get3A_1105 : vector<512xf32>
    %swap3A_1107 = arith.constant 79 : index
    %swap3A_1108 = arith.constant 0 : index
    %swap3A_1109 = vector.load %arg2[%swap3A_1107, %swap3A_1108] : memref<128x512xf32, #tpu.memory_space<vmem>>, vector<1x512xf32>
    %swap3A_1110 = vector.shape_cast %swap3A_1109 : vector<1x512xf32> to vector<512xf32>
    %swap3A_1111 = vector.shape_cast %add3A_1106 : vector<512xf32> to vector<1x512xf32>
    tpu.vector_store %arg2[%swap3A_1107, %swap3A_1108], %swap3A_1111 {strides = array<i32>} : memref<128x512xf32, #tpu.memory_space<vmem>>, vector<1x512xf32>,
    %get3A_1112 = arith.constant 79 : index
    %get3A_1113 = arith.constant 0 : index
    %get3A_1114 = vector.load %arg2[%get3A_1112, %get3A_1113] : memref<128x512xf32, #tpu.memory_space<vmem>>, vector<1x512xf32>
    %get3A_1115 = vector.shape_cast %get3A_1114 : vector<1x512xf32> to vector<512xf32>
    %get3A_1116 = arith.constant 80 : index
    %get3A_1117 = arith.constant 0 : index
    %get3A_1118 = vector.load %arg1[%get3A_1116, %get3A_1117] : memref<128x512xf32, #tpu.memory_space<vmem>>, vector<1x512xf32>
    %get3A_1119 = vector.shape_cast %get3A_1118 : vector<1x512xf32> to vector<512xf32>
    %add3A_1120 = arith.addf %get3A_1115, %get3A_1119 : vector<512xf32>
    %swap3A_1121 = arith.constant 80 : index
    %swap3A_1122 = arith.constant 0 : index
    %swap3A_1123 = vector.load %arg2[%swap3A_1121, %swap3A_1122] : memref<128x512xf32, #tpu.memory_space<vmem>>, vector<1x512xf32>
    %swap3A_1124 = vector.shape_cast %swap3A_1123 : vector<1x512xf32> to vector<512xf32>
    %swap3A_1125 = vector.shape_cast %add3A_1120 : vector<512xf32> to vector<1x512xf32>
    tpu.vector_store %arg2[%swap3A_1121, %swap3A_1122], %swap3A_1125 {strides = array<i32>} : memref<128x512xf32, #tpu.memory_space<vmem>>, vector<1x512xf32>,
    %get3A_1126 = arith.constant 80 : index
    %get3A_1127 = arith.constant 0 : index
    %get3A_1128 = vector.load %arg2[%get3A_1126, %get3A_1127] : memref<128x512xf32, #tpu.memory_space<vmem>>, vector<1x512xf32>
    %get3A_1129 = vector.shape_cast %get3A_1128 : vector<1x512xf32> to vector<512xf32>
    %get3A_1130 = arith.constant 81 : index
    %get3A_1131 = arith.constant 0 : index
    %get3A_1132 = vector.load %arg1[%get3A_1130, %get3A_1131] : memref<128x512xf32, #tpu.memory_space<vmem>>, vector<1x512xf32>
    %get3A_1133 = vector.shape_cast %get3A_1132 : vector<1x512xf32> to vector<512xf32>
    %add3A_1134 = arith.addf %get3A_1129, %get3A_1133 : vector<512xf32>
    %swap3A_1135 = arith.constant 81 : index
    %swap3A_1136 = arith.constant 0 : index
    %swap3A_1137 = vector.load %arg2[%swap3A_1135, %swap3A_1136] : memref<128x512xf32, #tpu.memory_space<vmem>>, vector<1x512xf32>
    %swap3A_1138 = vector.shape_cast %swap3A_1137 : vector<1x512xf32> to vector<512xf32>
    %swap3A_1139 = vector.shape_cast %add3A_1134 : vector<512xf32> to vector<1x512xf32>
    tpu.vector_store %arg2[%swap3A_1135, %swap3A_1136], %swap3A_1139 {strides = array<i32>} : memref<128x512xf32, #tpu.memory_space<vmem>>, vector<1x512xf32>,
    %get3A_1140 = arith.constant 81 : index
    %get3A_1141 = arith.constant 0 : index
    %get3A_1142 = vector.load %arg2[%get3A_1140, %get3A_1141] : memref<128x512xf32, #tpu.memory_space<vmem>>, vector<1x512xf32>
    %get3A_1143 = vector.shape_cast %get3A_1142 : vector<1x512xf32> to vector<512xf32>
    %get3A_1144 = arith.constant 82 : index
    %get3A_1145 = arith.constant 0 : index
    %get3A_1146 = vector.load %arg1[%get3A_1144, %get3A_1145] : memref<128x512xf32, #tpu.memory_space<vmem>>, vector<1x512xf32>
    %get3A_1147 = vector.shape_cast %get3A_1146 : vector<1x512xf32> to vector<512xf32>
    %add3A_1148 = arith.addf %get3A_1143, %get3A_1147 : vector<512xf32>
    %swap3A_1149 = arith.constant 82 : index
    %swap3A_1150 = arith.constant 0 : index
    %swap3A_1151 = vector.load %arg2[%swap3A_1149, %swap3A_1150] : memref<128x512xf32, #tpu.memory_space<vmem>>, vector<1x512xf32>
    %swap3A_1152 = vector.shape_cast %swap3A_1151 : vector<1x512xf32> to vector<512xf32>
    %swap3A_1153 = vector.shape_cast %add3A_1148 : vector<512xf32> to vector<1x512xf32>
    tpu.vector_store %arg2[%swap3A_1149, %swap3A_1150], %swap3A_1153 {strides = array<i32>} : memref<128x512xf32, #tpu.memory_space<vmem>>, vector<1x512xf32>,
    %get3A_1154 = arith.constant 82 : index
    %get3A_1155 = arith.constant 0 : index
    %get3A_1156 = vector.load %arg2[%get3A_1154, %get3A_1155] : memref<128x512xf32, #tpu.memory_space<vmem>>, vector<1x512xf32>
    %get3A_1157 = vector.shape_cast %get3A_1156 : vector<1x512xf32> to vector<512xf32>
    %get3A_1158 = arith.constant 83 : index
    %get3A_1159 = arith.constant 0 : index
    %get3A_1160 = vector.load %arg1[%get3A_1158, %get3A_1159] : memref<128x512xf32, #tpu.memory_space<vmem>>, vector<1x512xf32>
    %get3A_1161 = vector.shape_cast %get3A_1160 : vector<1x512xf32> to vector<512xf32>
    %add3A_1162 = arith.addf %get3A_1157, %get3A_1161 : vector<512xf32>
    %swap3A_1163 = arith.constant 83 : index
    %swap3A_1164 = arith.constant 0 : index
    %swap3A_1165 = vector.load %arg2[%swap3A_1163, %swap3A_1164] : memref<128x512xf32, #tpu.memory_space<vmem>>, vector<1x512xf32>
    %swap3A_1166 = vector.shape_cast %swap3A_1165 : vector<1x512xf32> to vector<512xf32>
    %swap3A_1167 = vector.shape_cast %add3A_1162 : vector<512xf32> to vector<1x512xf32>
    tpu.vector_store %arg2[%swap3A_1163, %swap3A_1164], %swap3A_1167 {strides = array<i32>} : memref<128x512xf32, #tpu.memory_space<vmem>>, vector<1x512xf32>,
    %get3A_1168 = arith.constant 83 : index
    %get3A_1169 = arith.constant 0 : index
    %get3A_1170 = vector.load %arg2[%get3A_1168, %get3A_1169] : memref<128x512xf32, #tpu.memory_space<vmem>>, vector<1x512xf32>
    %get3A_1171 = vector.shape_cast %get3A_1170 : vector<1x512xf32> to vector<512xf32>
    %get3A_1172 = arith.constant 84 : index
    %get3A_1173 = arith.constant 0 : index
    %get3A_1174 = vector.load %arg1[%get3A_1172, %get3A_1173] : memref<128x512xf32, #tpu.memory_space<vmem>>, vector<1x512xf32>
    %get3A_1175 = vector.shape_cast %get3A_1174 : vector<1x512xf32> to vector<512xf32>
    %add3A_1176 = arith.addf %get3A_1171, %get3A_1175 : vector<512xf32>
    %swap3A_1177 = arith.constant 84 : index
    %swap3A_1178 = arith.constant 0 : index
    %swap3A_1179 = vector.load %arg2[%swap3A_1177, %swap3A_1178] : memref<128x512xf32, #tpu.memory_space<vmem>>, vector<1x512xf32>
    %swap3A_1180 = vector.shape_cast %swap3A_1179 : vector<1x512xf32> to vector<512xf32>
    %swap3A_1181 = vector.shape_cast %add3A_1176 : vector<512xf32> to vector<1x512xf32>
    tpu.vector_store %arg2[%swap3A_1177, %swap3A_1178], %swap3A_1181 {strides = array<i32>} : memref<128x512xf32, #tpu.memory_space<vmem>>, vector<1x512xf32>,
    %get3A_1182 = arith.constant 84 : index
    %get3A_1183 = arith.constant 0 : index
    %get3A_1184 = vector.load %arg2[%get3A_1182, %get3A_1183] : memref<128x512xf32, #tpu.memory_space<vmem>>, vector<1x512xf32>
    %get3A_1185 = vector.shape_cast %get3A_1184 : vector<1x512xf32> to vector<512xf32>
    %get3A_1186 = arith.constant 85 : index
    %get3A_1187 = arith.constant 0 : index
    %get3A_1188 = vector.load %arg1[%get3A_1186, %get3A_1187] : memref<128x512xf32, #tpu.memory_space<vmem>>, vector<1x512xf32>
    %get3A_1189 = vector.shape_cast %get3A_1188 : vector<1x512xf32> to vector<512xf32>
    %add3A_1190 = arith.addf %get3A_1185, %get3A_1189 : vector<512xf32>
    %swap3A_1191 = arith.constant 85 : index
    %swap3A_1192 = arith.constant 0 : index
    %swap3A_1193 = vector.load %arg2[%swap3A_1191, %swap3A_1192] : memref<128x512xf32, #tpu.memory_space<vmem>>, vector<1x512xf32>
    %swap3A_1194 = vector.shape_cast %swap3A_1193 : vector<1x512xf32> to vector<512xf32>
    %swap3A_1195 = vector.shape_cast %add3A_1190 : vector<512xf32> to vector<1x512xf32>
    tpu.vector_store %arg2[%swap3A_1191, %swap3A_1192], %swap3A_1195 {strides = array<i32>} : memref<128x512xf32, #tpu.memory_space<vmem>>, vector<1x512xf32>,
    %get3A_1196 = arith.constant 85 : index
    %get3A_1197 = arith.constant 0 : index
    %get3A_1198 = vector.load %arg2[%get3A_1196, %get3A_1197] : memref<128x512xf32, #tpu.memory_space<vmem>>, vector<1x512xf32>
    %get3A_1199 = vector.shape_cast %get3A_1198 : vector<1x512xf32> to vector<512xf32>
    %get3A_1200 = arith.constant 86 : index
    %get3A_1201 = arith.constant 0 : index
    %get3A_1202 = vector.load %arg1[%get3A_1200, %get3A_1201] : memref<128x512xf32, #tpu.memory_space<vmem>>, vector<1x512xf32>
    %get3A_1203 = vector.shape_cast %get3A_1202 : vector<1x512xf32> to vector<512xf32>
    %add3A_1204 = arith.addf %get3A_1199, %get3A_1203 : vector<512xf32>
    %swap3A_1205 = arith.constant 86 : index
    %swap3A_1206 = arith.constant 0 : index
    %swap3A_1207 = vector.load %arg2[%swap3A_1205, %swap3A_1206] : memref<128x512xf32, #tpu.memory_space<vmem>>, vector<1x512xf32>
    %swap3A_1208 = vector.shape_cast %swap3A_1207 : vector<1x512xf32> to vector<512xf32>
    %swap3A_1209 = vector.shape_cast %add3A_1204 : vector<512xf32> to vector<1x512xf32>
    tpu.vector_store %arg2[%swap3A_1205, %swap3A_1206], %swap3A_1209 {strides = array<i32>} : memref<128x512xf32, #tpu.memory_space<vmem>>, vector<1x512xf32>,
    %get3A_1210 = arith.constant 86 : index
    %get3A_1211 = arith.constant 0 : index
    %get3A_1212 = vector.load %arg2[%get3A_1210, %get3A_1211] : memref<128x512xf32, #tpu.memory_space<vmem>>, vector<1x512xf32>
    %get3A_1213 = vector.shape_cast %get3A_1212 : vector<1x512xf32> to vector<512xf32>
    %get3A_1214 = arith.constant 87 : index
    %get3A_1215 = arith.constant 0 : index
    %get3A_1216 = vector.load %arg1[%get3A_1214, %get3A_1215] : memref<128x512xf32, #tpu.memory_space<vmem>>, vector<1x512xf32>
    %get3A_1217 = vector.shape_cast %get3A_1216 : vector<1x512xf32> to vector<512xf32>
    %add3A_1218 = arith.addf %get3A_1213, %get3A_1217 : vector<512xf32>
    %swap3A_1219 = arith.constant 87 : index
    %swap3A_1220 = arith.constant 0 : index
    %swap3A_1221 = vector.load %arg2[%swap3A_1219, %swap3A_1220] : memref<128x512xf32, #tpu.memory_space<vmem>>, vector<1x512xf32>
    %swap3A_1222 = vector.shape_cast %swap3A_1221 : vector<1x512xf32> to vector<512xf32>
    %swap3A_1223 = vector.shape_cast %add3A_1218 : vector<512xf32> to vector<1x512xf32>
    tpu.vector_store %arg2[%swap3A_1219, %swap3A_1220], %swap3A_1223 {strides = array<i32>} : memref<128x512xf32, #tpu.memory_space<vmem>>, vector<1x512xf32>,
    %get3A_1224 = arith.constant 87 : index
    %get3A_1225 = arith.constant 0 : index
    %get3A_1226 = vector.load %arg2[%get3A_1224, %get3A_1225] : memref<128x512xf32, #tpu.memory_space<vmem>>, vector<1x512xf32>
    %get3A_1227 = vector.shape_cast %get3A_1226 : vector<1x512xf32> to vector<512xf32>
    %get3A_1228 = arith.constant 88 : index
    %get3A_1229 = arith.constant 0 : index
    %get3A_1230 = vector.load %arg1[%get3A_1228, %get3A_1229] : memref<128x512xf32, #tpu.memory_space<vmem>>, vector<1x512xf32>
    %get3A_1231 = vector.shape_cast %get3A_1230 : vector<1x512xf32> to vector<512xf32>
    %add3A_1232 = arith.addf %get3A_1227, %get3A_1231 : vector<512xf32>
    %swap3A_1233 = arith.constant 88 : index
    %swap3A_1234 = arith.constant 0 : index
    %swap3A_1235 = vector.load %arg2[%swap3A_1233, %swap3A_1234] : memref<128x512xf32, #tpu.memory_space<vmem>>, vector<1x512xf32>
    %swap3A_1236 = vector.shape_cast %swap3A_1235 : vector<1x512xf32> to vector<512xf32>
    %swap3A_1237 = vector.shape_cast %add3A_1232 : vector<512xf32> to vector<1x512xf32>
    tpu.vector_store %arg2[%swap3A_1233, %swap3A_1234], %swap3A_1237 {strides = array<i32>} : memref<128x512xf32, #tpu.memory_space<vmem>>, vector<1x512xf32>,
    %get3A_1238 = arith.constant 88 : index
    %get3A_1239 = arith.constant 0 : index
    %get3A_1240 = vector.load %arg2[%get3A_1238, %get3A_1239] : memref<128x512xf32, #tpu.memory_space<vmem>>, vector<1x512xf32>
    %get3A_1241 = vector.shape_cast %get3A_1240 : vector<1x512xf32> to vector<512xf32>
    %get3A_1242 = arith.constant 89 : index
    %get3A_1243 = arith.constant 0 : index
    %get3A_1244 = vector.load %arg1[%get3A_1242, %get3A_1243] : memref<128x512xf32, #tpu.memory_space<vmem>>, vector<1x512xf32>
    %get3A_1245 = vector.shape_cast %get3A_1244 : vector<1x512xf32> to vector<512xf32>
    %add3A_1246 = arith.addf %get3A_1241, %get3A_1245 : vector<512xf32>
    %swap3A_1247 = arith.constant 89 : index
    %swap3A_1248 = arith.constant 0 : index
    %swap3A_1249 = vector.load %arg2[%swap3A_1247, %swap3A_1248] : memref<128x512xf32, #tpu.memory_space<vmem>>, vector<1x512xf32>
    %swap3A_1250 = vector.shape_cast %swap3A_1249 : vector<1x512xf32> to vector<512xf32>
    %swap3A_1251 = vector.shape_cast %add3A_1246 : vector<512xf32> to vector<1x512xf32>
    tpu.vector_store %arg2[%swap3A_1247, %swap3A_1248], %swap3A_1251 {strides = array<i32>} : memref<128x512xf32, #tpu.memory_space<vmem>>, vector<1x512xf32>,
    %get3A_1252 = arith.constant 89 : index
    %get3A_1253 = arith.constant 0 : index
    %get3A_1254 = vector.load %arg2[%get3A_1252, %get3A_1253] : memref<128x512xf32, #tpu.memory_space<vmem>>, vector<1x512xf32>
    %get3A_1255 = vector.shape_cast %get3A_1254 : vector<1x512xf32> to vector<512xf32>
    %get3A_1256 = arith.constant 90 : index
    %get3A_1257 = arith.constant 0 : index
    %get3A_1258 = vector.load %arg1[%get3A_1256, %get3A_1257] : memref<128x512xf32, #tpu.memory_space<vmem>>, vector<1x512xf32>
    %get3A_1259 = vector.shape_cast %get3A_1258 : vector<1x512xf32> to vector<512xf32>
    %add3A_1260 = arith.addf %get3A_1255, %get3A_1259 : vector<512xf32>
    %swap3A_1261 = arith.constant 90 : index
    %swap3A_1262 = arith.constant 0 : index
    %swap3A_1263 = vector.load %arg2[%swap3A_1261, %swap3A_1262] : memref<128x512xf32, #tpu.memory_space<vmem>>, vector<1x512xf32>
    %swap3A_1264 = vector.shape_cast %swap3A_1263 : vector<1x512xf32> to vector<512xf32>
    %swap3A_1265 = vector.shape_cast %add3A_1260 : vector<512xf32> to vector<1x512xf32>
    tpu.vector_store %arg2[%swap3A_1261, %swap3A_1262], %swap3A_1265 {strides = array<i32>} : memref<128x512xf32, #tpu.memory_space<vmem>>, vector<1x512xf32>,
    %get3A_1266 = arith.constant 90 : index
    %get3A_1267 = arith.constant 0 : index
    %get3A_1268 = vector.load %arg2[%get3A_1266, %get3A_1267] : memref<128x512xf32, #tpu.memory_space<vmem>>, vector<1x512xf32>
    %get3A_1269 = vector.shape_cast %get3A_1268 : vector<1x512xf32> to vector<512xf32>
    %get3A_1270 = arith.constant 91 : index
    %get3A_1271 = arith.constant 0 : index
    %get3A_1272 = vector.load %arg1[%get3A_1270, %get3A_1271] : memref<128x512xf32, #tpu.memory_space<vmem>>, vector<1x512xf32>
    %get3A_1273 = vector.shape_cast %get3A_1272 : vector<1x512xf32> to vector<512xf32>
    %add3A_1274 = arith.addf %get3A_1269, %get3A_1273 : vector<512xf32>
    %swap3A_1275 = arith.constant 91 : index
    %swap3A_1276 = arith.constant 0 : index
    %swap3A_1277 = vector.load %arg2[%swap3A_1275, %swap3A_1276] : memref<128x512xf32, #tpu.memory_space<vmem>>, vector<1x512xf32>
    %swap3A_1278 = vector.shape_cast %swap3A_1277 : vector<1x512xf32> to vector<512xf32>
    %swap3A_1279 = vector.shape_cast %add3A_1274 : vector<512xf32> to vector<1x512xf32>
    tpu.vector_store %arg2[%swap3A_1275, %swap3A_1276], %swap3A_1279 {strides = array<i32>} : memref<128x512xf32, #tpu.memory_space<vmem>>, vector<1x512xf32>,
    %get3A_1280 = arith.constant 91 : index
    %get3A_1281 = arith.constant 0 : index
    %get3A_1282 = vector.load %arg2[%get3A_1280, %get3A_1281] : memref<128x512xf32, #tpu.memory_space<vmem>>, vector<1x512xf32>
    %get3A_1283 = vector.shape_cast %get3A_1282 : vector<1x512xf32> to vector<512xf32>
    %get3A_1284 = arith.constant 92 : index
    %get3A_1285 = arith.constant 0 : index
    %get3A_1286 = vector.load %arg1[%get3A_1284, %get3A_1285] : memref<128x512xf32, #tpu.memory_space<vmem>>, vector<1x512xf32>
    %get3A_1287 = vector.shape_cast %get3A_1286 : vector<1x512xf32> to vector<512xf32>
    %add3A_1288 = arith.addf %get3A_1283, %get3A_1287 : vector<512xf32>
    %swap3A_1289 = arith.constant 92 : index
    %swap3A_1290 = arith.constant 0 : index
    %swap3A_1291 = vector.load %arg2[%swap3A_1289, %swap3A_1290] : memref<128x512xf32, #tpu.memory_space<vmem>>, vector<1x512xf32>
    %swap3A_1292 = vector.shape_cast %swap3A_1291 : vector<1x512xf32> to vector<512xf32>
    %swap3A_1293 = vector.shape_cast %add3A_1288 : vector<512xf32> to vector<1x512xf32>
    tpu.vector_store %arg2[%swap3A_1289, %swap3A_1290], %swap3A_1293 {strides = array<i32>} : memref<128x512xf32, #tpu.memory_space<vmem>>, vector<1x512xf32>,
    %get3A_1294 = arith.constant 92 : index
    %get3A_1295 = arith.constant 0 : index
    %get3A_1296 = vector.load %arg2[%get3A_1294, %get3A_1295] : memref<128x512xf32, #tpu.memory_space<vmem>>, vector<1x512xf32>
    %get3A_1297 = vector.shape_cast %get3A_1296 : vector<1x512xf32> to vector<512xf32>
    %get3A_1298 = arith.constant 93 : index
    %get3A_1299 = arith.constant 0 : index
    %get3A_1300 = vector.load %arg1[%get3A_1298, %get3A_1299] : memref<128x512xf32, #tpu.memory_space<vmem>>, vector<1x512xf32>
    %get3A_1301 = vector.shape_cast %get3A_1300 : vector<1x512xf32> to vector<512xf32>
    %add3A_1302 = arith.addf %get3A_1297, %get3A_1301 : vector<512xf32>
    %swap3A_1303 = arith.constant 93 : index
    %swap3A_1304 = arith.constant 0 : index
    %swap3A_1305 = vector.load %arg2[%swap3A_1303, %swap3A_1304] : memref<128x512xf32, #tpu.memory_space<vmem>>, vector<1x512xf32>
    %swap3A_1306 = vector.shape_cast %swap3A_1305 : vector<1x512xf32> to vector<512xf32>
    %swap3A_1307 = vector.shape_cast %add3A_1302 : vector<512xf32> to vector<1x512xf32>
    tpu.vector_store %arg2[%swap3A_1303, %swap3A_1304], %swap3A_1307 {strides = array<i32>} : memref<128x512xf32, #tpu.memory_space<vmem>>, vector<1x512xf32>,
    %get3A_1308 = arith.constant 93 : index
    %get3A_1309 = arith.constant 0 : index
    %get3A_1310 = vector.load %arg2[%get3A_1308, %get3A_1309] : memref<128x512xf32, #tpu.memory_space<vmem>>, vector<1x512xf32>
    %get3A_1311 = vector.shape_cast %get3A_1310 : vector<1x512xf32> to vector<512xf32>
    %get3A_1312 = arith.constant 94 : index
    %get3A_1313 = arith.constant 0 : index
    %get3A_1314 = vector.load %arg1[%get3A_1312, %get3A_1313] : memref<128x512xf32, #tpu.memory_space<vmem>>, vector<1x512xf32>
    %get3A_1315 = vector.shape_cast %get3A_1314 : vector<1x512xf32> to vector<512xf32>
    %add3A_1316 = arith.addf %get3A_1311, %get3A_1315 : vector<512xf32>
    %swap3A_1317 = arith.constant 94 : index
    %swap3A_1318 = arith.constant 0 : index
    %swap3A_1319 = vector.load %arg2[%swap3A_1317, %swap3A_1318] : memref<128x512xf32, #tpu.memory_space<vmem>>, vector<1x512xf32>
    %swap3A_1320 = vector.shape_cast %swap3A_1319 : vector<1x512xf32> to vector<512xf32>
    %swap3A_1321 = vector.shape_cast %add3A_1316 : vector<512xf32> to vector<1x512xf32>
    tpu.vector_store %arg2[%swap3A_1317, %swap3A_1318], %swap3A_1321 {strides = array<i32>} : memref<128x512xf32, #tpu.memory_space<vmem>>, vector<1x512xf32>,
    %get3A_1322 = arith.constant 94 : index
    %get3A_1323 = arith.constant 0 : index
    %get3A_1324 = vector.load %arg2[%get3A_1322, %get3A_1323] : memref<128x512xf32, #tpu.memory_space<vmem>>, vector<1x512xf32>
    %get3A_1325 = vector.shape_cast %get3A_1324 : vector<1x512xf32> to vector<512xf32>
    %get3A_1326 = arith.constant 95 : index
    %get3A_1327 = arith.constant 0 : index
    %get3A_1328 = vector.load %arg1[%get3A_1326, %get3A_1327] : memref<128x512xf32, #tpu.memory_space<vmem>>, vector<1x512xf32>
    %get3A_1329 = vector.shape_cast %get3A_1328 : vector<1x512xf32> to vector<512xf32>
    %add3A_1330 = arith.addf %get3A_1325, %get3A_1329 : vector<512xf32>
    %swap3A_1331 = arith.constant 95 : index
    %swap3A_1332 = arith.constant 0 : index
    %swap3A_1333 = vector.load %arg2[%swap3A_1331, %swap3A_1332] : memref<128x512xf32, #tpu.memory_space<vmem>>, vector<1x512xf32>
    %swap3A_1334 = vector.shape_cast %swap3A_1333 : vector<1x512xf32> to vector<512xf32>
    %swap3A_1335 = vector.shape_cast %add3A_1330 : vector<512xf32> to vector<1x512xf32>
    tpu.vector_store %arg2[%swap3A_1331, %swap3A_1332], %swap3A_1335 {strides = array<i32>} : memref<128x512xf32, #tpu.memory_space<vmem>>, vector<1x512xf32>,
    %get3A_1336 = arith.constant 95 : index
    %get3A_1337 = arith.constant 0 : index
    %get3A_1338 = vector.load %arg2[%get3A_1336, %get3A_1337] : memref<128x512xf32, #tpu.memory_space<vmem>>, vector<1x512xf32>
    %get3A_1339 = vector.shape_cast %get3A_1338 : vector<1x512xf32> to vector<512xf32>
    %get3A_1340 = arith.constant 96 : index
    %get3A_1341 = arith.constant 0 : index
    %get3A_1342 = vector.load %arg1[%get3A_1340, %get3A_1341] : memref<128x512xf32, #tpu.memory_space<vmem>>, vector<1x512xf32>
    %get3A_1343 = vector.shape_cast %get3A_1342 : vector<1x512xf32> to vector<512xf32>
    %add3A_1344 = arith.addf %get3A_1339, %get3A_1343 : vector<512xf32>
    %swap3A_1345 = arith.constant 96 : index
    %swap3A_1346 = arith.constant 0 : index
    %swap3A_1347 = vector.load %arg2[%swap3A_1345, %swap3A_1346] : memref<128x512xf32, #tpu.memory_space<vmem>>, vector<1x512xf32>
    %swap3A_1348 = vector.shape_cast %swap3A_1347 : vector<1x512xf32> to vector<512xf32>
    %swap3A_1349 = vector.shape_cast %add3A_1344 : vector<512xf32> to vector<1x512xf32>
    tpu.vector_store %arg2[%swap3A_1345, %swap3A_1346], %swap3A_1349 {strides = array<i32>} : memref<128x512xf32, #tpu.memory_space<vmem>>, vector<1x512xf32>,
    %get3A_1350 = arith.constant 96 : index
    %get3A_1351 = arith.constant 0 : index
    %get3A_1352 = vector.load %arg2[%get3A_1350, %get3A_1351] : memref<128x512xf32, #tpu.memory_space<vmem>>, vector<1x512xf32>
    %get3A_1353 = vector.shape_cast %get3A_1352 : vector<1x512xf32> to vector<512xf32>
    %get3A_1354 = arith.constant 97 : index
    %get3A_1355 = arith.constant 0 : index
    %get3A_1356 = vector.load %arg1[%get3A_1354, %get3A_1355] : memref<128x512xf32, #tpu.memory_space<vmem>>, vector<1x512xf32>
    %get3A_1357 = vector.shape_cast %get3A_1356 : vector<1x512xf32> to vector<512xf32>
    %add3A_1358 = arith.addf %get3A_1353, %get3A_1357 : vector<512xf32>
    %swap3A_1359 = arith.constant 97 : index
    %swap3A_1360 = arith.constant 0 : index
    %swap3A_1361 = vector.load %arg2[%swap3A_1359, %swap3A_1360] : memref<128x512xf32, #tpu.memory_space<vmem>>, vector<1x512xf32>
    %swap3A_1362 = vector.shape_cast %swap3A_1361 : vector<1x512xf32> to vector<512xf32>
    %swap3A_1363 = vector.shape_cast %add3A_1358 : vector<512xf32> to vector<1x512xf32>
    tpu.vector_store %arg2[%swap3A_1359, %swap3A_1360], %swap3A_1363 {strides = array<i32>} : memref<128x512xf32, #tpu.memory_space<vmem>>, vector<1x512xf32>,
    %get3A_1364 = arith.constant 97 : index
    %get3A_1365 = arith.constant 0 : index
    %get3A_1366 = vector.load %arg2[%get3A_1364, %get3A_1365] : memref<128x512xf32, #tpu.memory_space<vmem>>, vector<1x512xf32>
    %get3A_1367 = vector.shape_cast %get3A_1366 : vector<1x512xf32> to vector<512xf32>
    %get3A_1368 = arith.constant 98 : index
    %get3A_1369 = arith.constant 0 : index
    %get3A_1370 = vector.load %arg1[%get3A_1368, %get3A_1369] : memref<128x512xf32, #tpu.memory_space<vmem>>, vector<1x512xf32>
    %get3A_1371 = vector.shape_cast %get3A_1370 : vector<1x512xf32> to vector<512xf32>
    %add3A_1372 = arith.addf %get3A_1367, %get3A_1371 : vector<512xf32>
    %swap3A_1373 = arith.constant 98 : index
    %swap3A_1374 = arith.constant 0 : index
    %swap3A_1375 = vector.load %arg2[%swap3A_1373, %swap3A_1374] : memref<128x512xf32, #tpu.memory_space<vmem>>, vector<1x512xf32>
    %swap3A_1376 = vector.shape_cast %swap3A_1375 : vector<1x512xf32> to vector<512xf32>
    %swap3A_1377 = vector.shape_cast %add3A_1372 : vector<512xf32> to vector<1x512xf32>
    tpu.vector_store %arg2[%swap3A_1373, %swap3A_1374], %swap3A_1377 {strides = array<i32>} : memref<128x512xf32, #tpu.memory_space<vmem>>, vector<1x512xf32>,
    %get3A_1378 = arith.constant 98 : index
    %get3A_1379 = arith.constant 0 : index
    %get3A_1380 = vector.load %arg2[%get3A_1378, %get3A_1379] : memref<128x512xf32, #tpu.memory_space<vmem>>, vector<1x512xf32>
    %get3A_1381 = vector.shape_cast %get3A_1380 : vector<1x512xf32> to vector<512xf32>
    %get3A_1382 = arith.constant 99 : index
    %get3A_1383 = arith.constant 0 : index
    %get3A_1384 = vector.load %arg1[%get3A_1382, %get3A_1383] : memref<128x512xf32, #tpu.memory_space<vmem>>, vector<1x512xf32>
    %get3A_1385 = vector.shape_cast %get3A_1384 : vector<1x512xf32> to vector<512xf32>
    %add3A_1386 = arith.addf %get3A_1381, %get3A_1385 : vector<512xf32>
    %swap3A_1387 = arith.constant 99 : index
    %swap3A_1388 = arith.constant 0 : index
    %swap3A_1389 = vector.load %arg2[%swap3A_1387, %swap3A_1388] : memref<128x512xf32, #tpu.memory_space<vmem>>, vector<1x512xf32>
    %swap3A_1390 = vector.shape_cast %swap3A_1389 : vector<1x512xf32> to vector<512xf32>
    %swap3A_1391 = vector.shape_cast %add3A_1386 : vector<512xf32> to vector<1x512xf32>
    tpu.vector_store %arg2[%swap3A_1387, %swap3A_1388], %swap3A_1391 {strides = array<i32>} : memref<128x512xf32, #tpu.memory_space<vmem>>, vector<1x512xf32>,
    %get3A_1392 = arith.constant 99 : index
    %get3A_1393 = arith.constant 0 : index
    %get3A_1394 = vector.load %arg2[%get3A_1392, %get3A_1393] : memref<128x512xf32, #tpu.memory_space<vmem>>, vector<1x512xf32>
    %get3A_1395 = vector.shape_cast %get3A_1394 : vector<1x512xf32> to vector<512xf32>
    %get3A_1396 = arith.constant 100 : index
    %get3A_1397 = arith.constant 0 : index
    %get3A_1398 = vector.load %arg1[%get3A_1396, %get3A_1397] : memref<128x512xf32, #tpu.memory_space<vmem>>, vector<1x512xf32>
    %get3A_1399 = vector.shape_cast %get3A_1398 : vector<1x512xf32> to vector<512xf32>
    %add3A_1400 = arith.addf %get3A_1395, %get3A_1399 : vector<512xf32>
    %swap3A_1401 = arith.constant 100 : index
    %swap3A_1402 = arith.constant 0 : index
    %swap3A_1403 = vector.load %arg2[%swap3A_1401, %swap3A_1402] : memref<128x512xf32, #tpu.memory_space<vmem>>, vector<1x512xf32>
    %swap3A_1404 = vector.shape_cast %swap3A_1403 : vector<1x512xf32> to vector<512xf32>
    %swap3A_1405 = vector.shape_cast %add3A_1400 : vector<512xf32> to vector<1x512xf32>
    tpu.vector_store %arg2[%swap3A_1401, %swap3A_1402], %swap3A_1405 {strides = array<i32>} : memref<128x512xf32, #tpu.memory_space<vmem>>, vector<1x512xf32>,
    %get3A_1406 = arith.constant 100 : index
    %get3A_1407 = arith.constant 0 : index
    %get3A_1408 = vector.load %arg2[%get3A_1406, %get3A_1407] : memref<128x512xf32, #tpu.memory_space<vmem>>, vector<1x512xf32>
    %get3A_1409 = vector.shape_cast %get3A_1408 : vector<1x512xf32> to vector<512xf32>
    %get3A_1410 = arith.constant 101 : index
    %get3A_1411 = arith.constant 0 : index
    %get3A_1412 = vector.load %arg1[%get3A_1410, %get3A_1411] : memref<128x512xf32, #tpu.memory_space<vmem>>, vector<1x512xf32>
    %get3A_1413 = vector.shape_cast %get3A_1412 : vector<1x512xf32> to vector<512xf32>
    %add3A_1414 = arith.addf %get3A_1409, %get3A_1413 : vector<512xf32>
    %swap3A_1415 = arith.constant 101 : index
    %swap3A_1416 = arith.constant 0 : index
    %swap3A_1417 = vector.load %arg2[%swap3A_1415, %swap3A_1416] : memref<128x512xf32, #tpu.memory_space<vmem>>, vector<1x512xf32>
    %swap3A_1418 = vector.shape_cast %swap3A_1417 : vector<1x512xf32> to vector<512xf32>
    %swap3A_1419 = vector.shape_cast %add3A_1414 : vector<512xf32> to vector<1x512xf32>
    tpu.vector_store %arg2[%swap3A_1415, %swap3A_1416], %swap3A_1419 {strides = array<i32>} : memref<128x512xf32, #tpu.memory_space<vmem>>, vector<1x512xf32>,
    %get3A_1420 = arith.constant 101 : index
    %get3A_1421 = arith.constant 0 : index
    %get3A_1422 = vector.load %arg2[%get3A_1420, %get3A_1421] : memref<128x512xf32, #tpu.memory_space<vmem>>, vector<1x512xf32>
    %get3A_1423 = vector.shape_cast %get3A_1422 : vector<1x512xf32> to vector<512xf32>
    %get3A_1424 = arith.constant 102 : index
    %get3A_1425 = arith.constant 0 : index
    %get3A_1426 = vector.load %arg1[%get3A_1424, %get3A_1425] : memref<128x512xf32, #tpu.memory_space<vmem>>, vector<1x512xf32>
    %get3A_1427 = vector.shape_cast %get3A_1426 : vector<1x512xf32> to vector<512xf32>
    %add3A_1428 = arith.addf %get3A_1423, %get3A_1427 : vector<512xf32>
    %swap3A_1429 = arith.constant 102 : index
    %swap3A_1430 = arith.constant 0 : index
    %swap3A_1431 = vector.load %arg2[%swap3A_1429, %swap3A_1430] : memref<128x512xf32, #tpu.memory_space<vmem>>, vector<1x512xf32>
    %swap3A_1432 = vector.shape_cast %swap3A_1431 : vector<1x512xf32> to vector<512xf32>
    %swap3A_1433 = vector.shape_cast %add3A_1428 : vector<512xf32> to vector<1x512xf32>
    tpu.vector_store %arg2[%swap3A_1429, %swap3A_1430], %swap3A_1433 {strides = array<i32>} : memref<128x512xf32, #tpu.memory_space<vmem>>, vector<1x512xf32>,
    %get3A_1434 = arith.constant 102 : index
    %get3A_1435 = arith.constant 0 : index
    %get3A_1436 = vector.load %arg2[%get3A_1434, %get3A_1435] : memref<128x512xf32, #tpu.memory_space<vmem>>, vector<1x512xf32>
    %get3A_1437 = vector.shape_cast %get3A_1436 : vector<1x512xf32> to vector<512xf32>
    %get3A_1438 = arith.constant 103 : index
    %get3A_1439 = arith.constant 0 : index
    %get3A_1440 = vector.load %arg1[%get3A_1438, %get3A_1439] : memref<128x512xf32, #tpu.memory_space<vmem>>, vector<1x512xf32>
    %get3A_1441 = vector.shape_cast %get3A_1440 : vector<1x512xf32> to vector<512xf32>
    %add3A_1442 = arith.addf %get3A_1437, %get3A_1441 : vector<512xf32>
    %swap3A_1443 = arith.constant 103 : index
    %swap3A_1444 = arith.constant 0 : index
    %swap3A_1445 = vector.load %arg2[%swap3A_1443, %swap3A_1444] : memref<128x512xf32, #tpu.memory_space<vmem>>, vector<1x512xf32>
    %swap3A_1446 = vector.shape_cast %swap3A_1445 : vector<1x512xf32> to vector<512xf32>
    %swap3A_1447 = vector.shape_cast %add3A_1442 : vector<512xf32> to vector<1x512xf32>
    tpu.vector_store %arg2[%swap3A_1443, %swap3A_1444], %swap3A_1447 {strides = array<i32>} : memref<128x512xf32, #tpu.memory_space<vmem>>, vector<1x512xf32>,
    %get3A_1448 = arith.constant 103 : index
    %get3A_1449 = arith.constant 0 : index
    %get3A_1450 = vector.load %arg2[%get3A_1448, %get3A_1449] : memref<128x512xf32, #tpu.memory_space<vmem>>, vector<1x512xf32>
    %get3A_1451 = vector.shape_cast %get3A_1450 : vector<1x512xf32> to vector<512xf32>
    %get3A_1452 = arith.constant 104 : index
    %get3A_1453 = arith.constant 0 : index
    %get3A_1454 = vector.load %arg1[%get3A_1452, %get3A_1453] : memref<128x512xf32, #tpu.memory_space<vmem>>, vector<1x512xf32>
    %get3A_1455 = vector.shape_cast %get3A_1454 : vector<1x512xf32> to vector<512xf32>
    %add3A_1456 = arith.addf %get3A_1451, %get3A_1455 : vector<512xf32>
    %swap3A_1457 = arith.constant 104 : index
    %swap3A_1458 = arith.constant 0 : index
    %swap3A_1459 = vector.load %arg2[%swap3A_1457, %swap3A_1458] : memref<128x512xf32, #tpu.memory_space<vmem>>, vector<1x512xf32>
    %swap3A_1460 = vector.shape_cast %swap3A_1459 : vector<1x512xf32> to vector<512xf32>
    %swap3A_1461 = vector.shape_cast %add3A_1456 : vector<512xf32> to vector<1x512xf32>
    tpu.vector_store %arg2[%swap3A_1457, %swap3A_1458], %swap3A_1461 {strides = array<i32>} : memref<128x512xf32, #tpu.memory_space<vmem>>, vector<1x512xf32>,
    %get3A_1462 = arith.constant 104 : index
    %get3A_1463 = arith.constant 0 : index
    %get3A_1464 = vector.load %arg2[%get3A_1462, %get3A_1463] : memref<128x512xf32, #tpu.memory_space<vmem>>, vector<1x512xf32>
    %get3A_1465 = vector.shape_cast %get3A_1464 : vector<1x512xf32> to vector<512xf32>
    %get3A_1466 = arith.constant 105 : index
    %get3A_1467 = arith.constant 0 : index
    %get3A_1468 = vector.load %arg1[%get3A_1466, %get3A_1467] : memref<128x512xf32, #tpu.memory_space<vmem>>, vector<1x512xf32>
    %get3A_1469 = vector.shape_cast %get3A_1468 : vector<1x512xf32> to vector<512xf32>
    %add3A_1470 = arith.addf %get3A_1465, %get3A_1469 : vector<512xf32>
    %swap3A_1471 = arith.constant 105 : index
    %swap3A_1472 = arith.constant 0 : index
    %swap3A_1473 = vector.load %arg2[%swap3A_1471, %swap3A_1472] : memref<128x512xf32, #tpu.memory_space<vmem>>, vector<1x512xf32>
    %swap3A_1474 = vector.shape_cast %swap3A_1473 : vector<1x512xf32> to vector<512xf32>
    %swap3A_1475 = vector.shape_cast %add3A_1470 : vector<512xf32> to vector<1x512xf32>
    tpu.vector_store %arg2[%swap3A_1471, %swap3A_1472], %swap3A_1475 {strides = array<i32>} : memref<128x512xf32, #tpu.memory_space<vmem>>, vector<1x512xf32>,
    %get3A_1476 = arith.constant 105 : index
    %get3A_1477 = arith.constant 0 : index
    %get3A_1478 = vector.load %arg2[%get3A_1476, %get3A_1477] : memref<128x512xf32, #tpu.memory_space<vmem>>, vector<1x512xf32>
    %get3A_1479 = vector.shape_cast %get3A_1478 : vector<1x512xf32> to vector<512xf32>
    %get3A_1480 = arith.constant 106 : index
    %get3A_1481 = arith.constant 0 : index
    %get3A_1482 = vector.load %arg1[%get3A_1480, %get3A_1481] : memref<128x512xf32, #tpu.memory_space<vmem>>, vector<1x512xf32>
    %get3A_1483 = vector.shape_cast %get3A_1482 : vector<1x512xf32> to vector<512xf32>
    %add3A_1484 = arith.addf %get3A_1479, %get3A_1483 : vector<512xf32>
    %swap3A_1485 = arith.constant 106 : index
    %swap3A_1486 = arith.constant 0 : index
    %swap3A_1487 = vector.load %arg2[%swap3A_1485, %swap3A_1486] : memref<128x512xf32, #tpu.memory_space<vmem>>, vector<1x512xf32>
    %swap3A_1488 = vector.shape_cast %swap3A_1487 : vector<1x512xf32> to vector<512xf32>
    %swap3A_1489 = vector.shape_cast %add3A_1484 : vector<512xf32> to vector<1x512xf32>
    tpu.vector_store %arg2[%swap3A_1485, %swap3A_1486], %swap3A_1489 {strides = array<i32>} : memref<128x512xf32, #tpu.memory_space<vmem>>, vector<1x512xf32>,
    %get3A_1490 = arith.constant 106 : index
    %get3A_1491 = arith.constant 0 : index
    %get3A_1492 = vector.load %arg2[%get3A_1490, %get3A_1491] : memref<128x512xf32, #tpu.memory_space<vmem>>, vector<1x512xf32>
    %get3A_1493 = vector.shape_cast %get3A_1492 : vector<1x512xf32> to vector<512xf32>
    %get3A_1494 = arith.constant 107 : index
    %get3A_1495 = arith.constant 0 : index
    %get3A_1496 = vector.load %arg1[%get3A_1494, %get3A_1495] : memref<128x512xf32, #tpu.memory_space<vmem>>, vector<1x512xf32>
    %get3A_1497 = vector.shape_cast %get3A_1496 : vector<1x512xf32> to vector<512xf32>
    %add3A_1498 = arith.addf %get3A_1493, %get3A_1497 : vector<512xf32>
    %swap3A_1499 = arith.constant 107 : index
    %swap3A_1500 = arith.constant 0 : index
    %swap3A_1501 = vector.load %arg2[%swap3A_1499, %swap3A_1500] : memref<128x512xf32, #tpu.memory_space<vmem>>, vector<1x512xf32>
    %swap3A_1502 = vector.shape_cast %swap3A_1501 : vector<1x512xf32> to vector<512xf32>
    %swap3A_1503 = vector.shape_cast %add3A_1498 : vector<512xf32> to vector<1x512xf32>
    tpu.vector_store %arg2[%swap3A_1499, %swap3A_1500], %swap3A_1503 {strides = array<i32>} : memref<128x512xf32, #tpu.memory_space<vmem>>, vector<1x512xf32>,
    %get3A_1504 = arith.constant 107 : index
    %get3A_1505 = arith.constant 0 : index
    %get3A_1506 = vector.load %arg2[%get3A_1504, %get3A_1505] : memref<128x512xf32, #tpu.memory_space<vmem>>, vector<1x512xf32>
    %get3A_1507 = vector.shape_cast %get3A_1506 : vector<1x512xf32> to vector<512xf32>
    %get3A_1508 = arith.constant 108 : index
    %get3A_1509 = arith.constant 0 : index
    %get3A_1510 = vector.load %arg1[%get3A_1508, %get3A_1509] : memref<128x512xf32, #tpu.memory_space<vmem>>, vector<1x512xf32>
    %get3A_1511 = vector.shape_cast %get3A_1510 : vector<1x512xf32> to vector<512xf32>
    %add3A_1512 = arith.addf %get3A_1507, %get3A_1511 : vector<512xf32>
    %swap3A_1513 = arith.constant 108 : index
    %swap3A_1514 = arith.constant 0 : index
    %swap3A_1515 = vector.load %arg2[%swap3A_1513, %swap3A_1514] : memref<128x512xf32, #tpu.memory_space<vmem>>, vector<1x512xf32>
    %swap3A_1516 = vector.shape_cast %swap3A_1515 : vector<1x512xf32> to vector<512xf32>
    %swap3A_1517 = vector.shape_cast %add3A_1512 : vector<512xf32> to vector<1x512xf32>
    tpu.vector_store %arg2[%swap3A_1513, %swap3A_1514], %swap3A_1517 {strides = array<i32>} : memref<128x512xf32, #tpu.memory_space<vmem>>, vector<1x512xf32>,
    %get3A_1518 = arith.constant 108 : index
    %get3A_1519 = arith.constant 0 : index
    %get3A_1520 = vector.load %arg2[%get3A_1518, %get3A_1519] : memref<128x512xf32, #tpu.memory_space<vmem>>, vector<1x512xf32>
    %get3A_1521 = vector.shape_cast %get3A_1520 : vector<1x512xf32> to vector<512xf32>
    %get3A_1522 = arith.constant 109 : index
    %get3A_1523 = arith.constant 0 : index
    %get3A_1524 = vector.load %arg1[%get3A_1522, %get3A_1523] : memref<128x512xf32, #tpu.memory_space<vmem>>, vector<1x512xf32>
    %get3A_1525 = vector.shape_cast %get3A_1524 : vector<1x512xf32> to vector<512xf32>
    %add3A_1526 = arith.addf %get3A_1521, %get3A_1525 : vector<512xf32>
    %swap3A_1527 = arith.constant 109 : index
    %swap3A_1528 = arith.constant 0 : index
    %swap3A_1529 = vector.load %arg2[%swap3A_1527, %swap3A_1528] : memref<128x512xf32, #tpu.memory_space<vmem>>, vector<1x512xf32>
    %swap3A_1530 = vector.shape_cast %swap3A_1529 : vector<1x512xf32> to vector<512xf32>
    %swap3A_1531 = vector.shape_cast %add3A_1526 : vector<512xf32> to vector<1x512xf32>
    tpu.vector_store %arg2[%swap3A_1527, %swap3A_1528], %swap3A_1531 {strides = array<i32>} : memref<128x512xf32, #tpu.memory_space<vmem>>, vector<1x512xf32>,
    %get3A_1532 = arith.constant 109 : index
    %get3A_1533 = arith.constant 0 : index
    %get3A_1534 = vector.load %arg2[%get3A_1532, %get3A_1533] : memref<128x512xf32, #tpu.memory_space<vmem>>, vector<1x512xf32>
    %get3A_1535 = vector.shape_cast %get3A_1534 : vector<1x512xf32> to vector<512xf32>
    %get3A_1536 = arith.constant 110 : index
    %get3A_1537 = arith.constant 0 : index
    %get3A_1538 = vector.load %arg1[%get3A_1536, %get3A_1537] : memref<128x512xf32, #tpu.memory_space<vmem>>, vector<1x512xf32>
    %get3A_1539 = vector.shape_cast %get3A_1538 : vector<1x512xf32> to vector<512xf32>
    %add3A_1540 = arith.addf %get3A_1535, %get3A_1539 : vector<512xf32>
    %swap3A_1541 = arith.constant 110 : index
    %swap3A_1542 = arith.constant 0 : index
    %swap3A_1543 = vector.load %arg2[%swap3A_1541, %swap3A_1542] : memref<128x512xf32, #tpu.memory_space<vmem>>, vector<1x512xf32>
    %swap3A_1544 = vector.shape_cast %swap3A_1543 : vector<1x512xf32> to vector<512xf32>
    %swap3A_1545 = vector.shape_cast %add3A_1540 : vector<512xf32> to vector<1x512xf32>
    tpu.vector_store %arg2[%swap3A_1541, %swap3A_1542], %swap3A_1545 {strides = array<i32>} : memref<128x512xf32, #tpu.memory_space<vmem>>, vector<1x512xf32>,
    %get3A_1546 = arith.constant 110 : index
    %get3A_1547 = arith.constant 0 : index
    %get3A_1548 = vector.load %arg2[%get3A_1546, %get3A_1547] : memref<128x512xf32, #tpu.memory_space<vmem>>, vector<1x512xf32>
    %get3A_1549 = vector.shape_cast %get3A_1548 : vector<1x512xf32> to vector<512xf32>
    %get3A_1550 = arith.constant 111 : index
    %get3A_1551 = arith.constant 0 : index
    %get3A_1552 = vector.load %arg1[%get3A_1550, %get3A_1551] : memref<128x512xf32, #tpu.memory_space<vmem>>, vector<1x512xf32>
    %get3A_1553 = vector.shape_cast %get3A_1552 : vector<1x512xf32> to vector<512xf32>
    %add3A_1554 = arith.addf %get3A_1549, %get3A_1553 : vector<512xf32>
    %swap3A_1555 = arith.constant 111 : index
    %swap3A_1556 = arith.constant 0 : index
    %swap3A_1557 = vector.load %arg2[%swap3A_1555, %swap3A_1556] : memref<128x512xf32, #tpu.memory_space<vmem>>, vector<1x512xf32>
    %swap3A_1558 = vector.shape_cast %swap3A_1557 : vector<1x512xf32> to vector<512xf32>
    %swap3A_1559 = vector.shape_cast %add3A_1554 : vector<512xf32> to vector<1x512xf32>
    tpu.vector_store %arg2[%swap3A_1555, %swap3A_1556], %swap3A_1559 {strides = array<i32>} : memref<128x512xf32, #tpu.memory_space<vmem>>, vector<1x512xf32>,
    %get3A_1560 = arith.constant 111 : index
    %get3A_1561 = arith.constant 0 : index
    %get3A_1562 = vector.load %arg2[%get3A_1560, %get3A_1561] : memref<128x512xf32, #tpu.memory_space<vmem>>, vector<1x512xf32>
    %get3A_1563 = vector.shape_cast %get3A_1562 : vector<1x512xf32> to vector<512xf32>
    %get3A_1564 = arith.constant 112 : index
    %get3A_1565 = arith.constant 0 : index
    %get3A_1566 = vector.load %arg1[%get3A_1564, %get3A_1565] : memref<128x512xf32, #tpu.memory_space<vmem>>, vector<1x512xf32>
    %get3A_1567 = vector.shape_cast %get3A_1566 : vector<1x512xf32> to vector<512xf32>
    %add3A_1568 = arith.addf %get3A_1563, %get3A_1567 : vector<512xf32>
    %swap3A_1569 = arith.constant 112 : index
    %swap3A_1570 = arith.constant 0 : index
    %swap3A_1571 = vector.load %arg2[%swap3A_1569, %swap3A_1570] : memref<128x512xf32, #tpu.memory_space<vmem>>, vector<1x512xf32>
    %swap3A_1572 = vector.shape_cast %swap3A_1571 : vector<1x512xf32> to vector<512xf32>
    %swap3A_1573 = vector.shape_cast %add3A_1568 : vector<512xf32> to vector<1x512xf32>
    tpu.vector_store %arg2[%swap3A_1569, %swap3A_1570], %swap3A_1573 {strides = array<i32>} : memref<128x512xf32, #tpu.memory_space<vmem>>, vector<1x512xf32>,
    %get3A_1574 = arith.constant 112 : index
    %get3A_1575 = arith.constant 0 : index
    %get3A_1576 = vector.load %arg2[%get3A_1574, %get3A_1575] : memref<128x512xf32, #tpu.memory_space<vmem>>, vector<1x512xf32>
    %get3A_1577 = vector.shape_cast %get3A_1576 : vector<1x512xf32> to vector<512xf32>
    %get3A_1578 = arith.constant 113 : index
    %get3A_1579 = arith.constant 0 : index
    %get3A_1580 = vector.load %arg1[%get3A_1578, %get3A_1579] : memref<128x512xf32, #tpu.memory_space<vmem>>, vector<1x512xf32>
    %get3A_1581 = vector.shape_cast %get3A_1580 : vector<1x512xf32> to vector<512xf32>
    %add3A_1582 = arith.addf %get3A_1577, %get3A_1581 : vector<512xf32>
    %swap3A_1583 = arith.constant 113 : index
    %swap3A_1584 = arith.constant 0 : index
    %swap3A_1585 = vector.load %arg2[%swap3A_1583, %swap3A_1584] : memref<128x512xf32, #tpu.memory_space<vmem>>, vector<1x512xf32>
    %swap3A_1586 = vector.shape_cast %swap3A_1585 : vector<1x512xf32> to vector<512xf32>
    %swap3A_1587 = vector.shape_cast %add3A_1582 : vector<512xf32> to vector<1x512xf32>
    tpu.vector_store %arg2[%swap3A_1583, %swap3A_1584], %swap3A_1587 {strides = array<i32>} : memref<128x512xf32, #tpu.memory_space<vmem>>, vector<1x512xf32>,
    %get3A_1588 = arith.constant 113 : index
    %get3A_1589 = arith.constant 0 : index
    %get3A_1590 = vector.load %arg2[%get3A_1588, %get3A_1589] : memref<128x512xf32, #tpu.memory_space<vmem>>, vector<1x512xf32>
    %get3A_1591 = vector.shape_cast %get3A_1590 : vector<1x512xf32> to vector<512xf32>
    %get3A_1592 = arith.constant 114 : index
    %get3A_1593 = arith.constant 0 : index
    %get3A_1594 = vector.load %arg1[%get3A_1592, %get3A_1593] : memref<128x512xf32, #tpu.memory_space<vmem>>, vector<1x512xf32>
    %get3A_1595 = vector.shape_cast %get3A_1594 : vector<1x512xf32> to vector<512xf32>
    %add3A_1596 = arith.addf %get3A_1591, %get3A_1595 : vector<512xf32>
    %swap3A_1597 = arith.constant 114 : index
    %swap3A_1598 = arith.constant 0 : index
    %swap3A_1599 = vector.load %arg2[%swap3A_1597, %swap3A_1598] : memref<128x512xf32, #tpu.memory_space<vmem>>, vector<1x512xf32>
    %swap3A_1600 = vector.shape_cast %swap3A_1599 : vector<1x512xf32> to vector<512xf32>
    %swap3A_1601 = vector.shape_cast %add3A_1596 : vector<512xf32> to vector<1x512xf32>
    tpu.vector_store %arg2[%swap3A_1597, %swap3A_1598], %swap3A_1601 {strides = array<i32>} : memref<128x512xf32, #tpu.memory_space<vmem>>, vector<1x512xf32>,
    %get3A_1602 = arith.constant 114 : index
    %get3A_1603 = arith.constant 0 : index
    %get3A_1604 = vector.load %arg2[%get3A_1602, %get3A_1603] : memref<128x512xf32, #tpu.memory_space<vmem>>, vector<1x512xf32>
    %get3A_1605 = vector.shape_cast %get3A_1604 : vector<1x512xf32> to vector<512xf32>
    %get3A_1606 = arith.constant 115 : index
    %get3A_1607 = arith.constant 0 : index
    %get3A_1608 = vector.load %arg1[%get3A_1606, %get3A_1607] : memref<128x512xf32, #tpu.memory_space<vmem>>, vector<1x512xf32>
    %get3A_1609 = vector.shape_cast %get3A_1608 : vector<1x512xf32> to vector<512xf32>
    %add3A_1610 = arith.addf %get3A_1605, %get3A_1609 : vector<512xf32>
    %swap3A_1611 = arith.constant 115 : index
    %swap3A_1612 = arith.constant 0 : index
    %swap3A_1613 = vector.load %arg2[%swap3A_1611, %swap3A_1612] : memref<128x512xf32, #tpu.memory_space<vmem>>, vector<1x512xf32>
    %swap3A_1614 = vector.shape_cast %swap3A_1613 : vector<1x512xf32> to vector<512xf32>
    %swap3A_1615 = vector.shape_cast %add3A_1610 : vector<512xf32> to vector<1x512xf32>
    tpu.vector_store %arg2[%swap3A_1611, %swap3A_1612], %swap3A_1615 {strides = array<i32>} : memref<128x512xf32, #tpu.memory_space<vmem>>, vector<1x512xf32>,
    %get3A_1616 = arith.constant 115 : index
    %get3A_1617 = arith.constant 0 : index
    %get3A_1618 = vector.load %arg2[%get3A_1616, %get3A_1617] : memref<128x512xf32, #tpu.memory_space<vmem>>, vector<1x512xf32>
    %get3A_1619 = vector.shape_cast %get3A_1618 : vector<1x512xf32> to vector<512xf32>
    %get3A_1620 = arith.constant 116 : index
    %get3A_1621 = arith.constant 0 : index
    %get3A_1622 = vector.load %arg1[%get3A_1620, %get3A_1621] : memref<128x512xf32, #tpu.memory_space<vmem>>, vector<1x512xf32>
    %get3A_1623 = vector.shape_cast %get3A_1622 : vector<1x512xf32> to vector<512xf32>
    %add3A_1624 = arith.addf %get3A_1619, %get3A_1623 : vector<512xf32>
    %swap3A_1625 = arith.constant 116 : index
    %swap3A_1626 = arith.constant 0 : index
    %swap3A_1627 = vector.load %arg2[%swap3A_1625, %swap3A_1626] : memref<128x512xf32, #tpu.memory_space<vmem>>, vector<1x512xf32>
    %swap3A_1628 = vector.shape_cast %swap3A_1627 : vector<1x512xf32> to vector<512xf32>
    %swap3A_1629 = vector.shape_cast %add3A_1624 : vector<512xf32> to vector<1x512xf32>
    tpu.vector_store %arg2[%swap3A_1625, %swap3A_1626], %swap3A_1629 {strides = array<i32>} : memref<128x512xf32, #tpu.memory_space<vmem>>, vector<1x512xf32>,
    %get3A_1630 = arith.constant 116 : index
    %get3A_1631 = arith.constant 0 : index
    %get3A_1632 = vector.load %arg2[%get3A_1630, %get3A_1631] : memref<128x512xf32, #tpu.memory_space<vmem>>, vector<1x512xf32>
    %get3A_1633 = vector.shape_cast %get3A_1632 : vector<1x512xf32> to vector<512xf32>
    %get3A_1634 = arith.constant 117 : index
    %get3A_1635 = arith.constant 0 : index
    %get3A_1636 = vector.load %arg1[%get3A_1634, %get3A_1635] : memref<128x512xf32, #tpu.memory_space<vmem>>, vector<1x512xf32>
    %get3A_1637 = vector.shape_cast %get3A_1636 : vector<1x512xf32> to vector<512xf32>
    %add3A_1638 = arith.addf %get3A_1633, %get3A_1637 : vector<512xf32>
    %swap3A_1639 = arith.constant 117 : index
    %swap3A_1640 = arith.constant 0 : index
    %swap3A_1641 = vector.load %arg2[%swap3A_1639, %swap3A_1640] : memref<128x512xf32, #tpu.memory_space<vmem>>, vector<1x512xf32>
    %swap3A_1642 = vector.shape_cast %swap3A_1641 : vector<1x512xf32> to vector<512xf32>
    %swap3A_1643 = vector.shape_cast %add3A_1638 : vector<512xf32> to vector<1x512xf32>
    tpu.vector_store %arg2[%swap3A_1639, %swap3A_1640], %swap3A_1643 {strides = array<i32>} : memref<128x512xf32, #tpu.memory_space<vmem>>, vector<1x512xf32>,
    %get3A_1644 = arith.constant 117 : index
    %get3A_1645 = arith.constant 0 : index
    %get3A_1646 = vector.load %arg2[%get3A_1644, %get3A_1645] : memref<128x512xf32, #tpu.memory_space<vmem>>, vector<1x512xf32>
    %get3A_1647 = vector.shape_cast %get3A_1646 : vector<1x512xf32> to vector<512xf32>
    %get3A_1648 = arith.constant 118 : index
    %get3A_1649 = arith.constant 0 : index
    %get3A_1650 = vector.load %arg1[%get3A_1648, %get3A_1649] : memref<128x512xf32, #tpu.memory_space<vmem>>, vector<1x512xf32>
    %get3A_1651 = vector.shape_cast %get3A_1650 : vector<1x512xf32> to vector<512xf32>
    %add3A_1652 = arith.addf %get3A_1647, %get3A_1651 : vector<512xf32>
    %swap3A_1653 = arith.constant 118 : index
    %swap3A_1654 = arith.constant 0 : index
    %swap3A_1655 = vector.load %arg2[%swap3A_1653, %swap3A_1654] : memref<128x512xf32, #tpu.memory_space<vmem>>, vector<1x512xf32>
    %swap3A_1656 = vector.shape_cast %swap3A_1655 : vector<1x512xf32> to vector<512xf32>
    %swap3A_1657 = vector.shape_cast %add3A_1652 : vector<512xf32> to vector<1x512xf32>
    tpu.vector_store %arg2[%swap3A_1653, %swap3A_1654], %swap3A_1657 {strides = array<i32>} : memref<128x512xf32, #tpu.memory_space<vmem>>, vector<1x512xf32>,
    %get3A_1658 = arith.constant 118 : index
    %get3A_1659 = arith.constant 0 : index
    %get3A_1660 = vector.load %arg2[%get3A_1658, %get3A_1659] : memref<128x512xf32, #tpu.memory_space<vmem>>, vector<1x512xf32>
    %get3A_1661 = vector.shape_cast %get3A_1660 : vector<1x512xf32> to vector<512xf32>
    %get3A_1662 = arith.constant 119 : index
    %get3A_1663 = arith.constant 0 : index
    %get3A_1664 = vector.load %arg1[%get3A_1662, %get3A_1663] : memref<128x512xf32, #tpu.memory_space<vmem>>, vector<1x512xf32>
    %get3A_1665 = vector.shape_cast %get3A_1664 : vector<1x512xf32> to vector<512xf32>
    %add3A_1666 = arith.addf %get3A_1661, %get3A_1665 : vector<512xf32>
    %swap3A_1667 = arith.constant 119 : index
    %swap3A_1668 = arith.constant 0 : index
    %swap3A_1669 = vector.load %arg2[%swap3A_1667, %swap3A_1668] : memref<128x512xf32, #tpu.memory_space<vmem>>, vector<1x512xf32>
    %swap3A_1670 = vector.shape_cast %swap3A_1669 : vector<1x512xf32> to vector<512xf32>
    %swap3A_1671 = vector.shape_cast %add3A_1666 : vector<512xf32> to vector<1x512xf32>
    tpu.vector_store %arg2[%swap3A_1667, %swap3A_1668], %swap3A_1671 {strides = array<i32>} : memref<128x512xf32, #tpu.memory_space<vmem>>, vector<1x512xf32>,
    %get3A_1672 = arith.constant 119 : index
    %get3A_1673 = arith.constant 0 : index
    %get3A_1674 = vector.load %arg2[%get3A_1672, %get3A_1673] : memref<128x512xf32, #tpu.memory_space<vmem>>, vector<1x512xf32>
    %get3A_1675 = vector.shape_cast %get3A_1674 : vector<1x512xf32> to vector<512xf32>
    %get3A_1676 = arith.constant 120 : index
    %get3A_1677 = arith.constant 0 : index
    %get3A_1678 = vector.load %arg1[%get3A_1676, %get3A_1677] : memref<128x512xf32, #tpu.memory_space<vmem>>, vector<1x512xf32>
    %get3A_1679 = vector.shape_cast %get3A_1678 : vector<1x512xf32> to vector<512xf32>
    %add3A_1680 = arith.addf %get3A_1675, %get3A_1679 : vector<512xf32>
    %swap3A_1681 = arith.constant 120 : index
    %swap3A_1682 = arith.constant 0 : index
    %swap3A_1683 = vector.load %arg2[%swap3A_1681, %swap3A_1682] : memref<128x512xf32, #tpu.memory_space<vmem>>, vector<1x512xf32>
    %swap3A_1684 = vector.shape_cast %swap3A_1683 : vector<1x512xf32> to vector<512xf32>
    %swap3A_1685 = vector.shape_cast %add3A_1680 : vector<512xf32> to vector<1x512xf32>
    tpu.vector_store %arg2[%swap3A_1681, %swap3A_1682], %swap3A_1685 {strides = array<i32>} : memref<128x512xf32, #tpu.memory_space<vmem>>, vector<1x512xf32>,
    %get3A_1686 = arith.constant 120 : index
    %get3A_1687 = arith.constant 0 : index
    %get3A_1688 = vector.load %arg2[%get3A_1686, %get3A_1687] : memref<128x512xf32, #tpu.memory_space<vmem>>, vector<1x512xf32>
    %get3A_1689 = vector.shape_cast %get3A_1688 : vector<1x512xf32> to vector<512xf32>
    %get3A_1690 = arith.constant 121 : index
    %get3A_1691 = arith.constant 0 : index
    %get3A_1692 = vector.load %arg1[%get3A_1690, %get3A_1691] : memref<128x512xf32, #tpu.memory_space<vmem>>, vector<1x512xf32>
    %get3A_1693 = vector.shape_cast %get3A_1692 : vector<1x512xf32> to vector<512xf32>
    %add3A_1694 = arith.addf %get3A_1689, %get3A_1693 : vector<512xf32>
    %swap3A_1695 = arith.constant 121 : index
    %swap3A_1696 = arith.constant 0 : index
    %swap3A_1697 = vector.load %arg2[%swap3A_1695, %swap3A_1696] : memref<128x512xf32, #tpu.memory_space<vmem>>, vector<1x512xf32>
    %swap3A_1698 = vector.shape_cast %swap3A_1697 : vector<1x512xf32> to vector<512xf32>
    %swap3A_1699 = vector.shape_cast %add3A_1694 : vector<512xf32> to vector<1x512xf32>
    tpu.vector_store %arg2[%swap3A_1695, %swap3A_1696], %swap3A_1699 {strides = array<i32>} : memref<128x512xf32, #tpu.memory_space<vmem>>, vector<1x512xf32>,
    %get3A_1700 = arith.constant 121 : index
    %get3A_1701 = arith.constant 0 : index
    %get3A_1702 = vector.load %arg2[%get3A_1700, %get3A_1701] : memref<128x512xf32, #tpu.memory_space<vmem>>, vector<1x512xf32>
    %get3A_1703 = vector.shape_cast %get3A_1702 : vector<1x512xf32> to vector<512xf32>
    %get3A_1704 = arith.constant 122 : index
    %get3A_1705 = arith.constant 0 : index
    %get3A_1706 = vector.load %arg1[%get3A_1704, %get3A_1705] : memref<128x512xf32, #tpu.memory_space<vmem>>, vector<1x512xf32>
    %get3A_1707 = vector.shape_cast %get3A_1706 : vector<1x512xf32> to vector<512xf32>
    %add3A_1708 = arith.addf %get3A_1703, %get3A_1707 : vector<512xf32>
    %swap3A_1709 = arith.constant 122 : index
    %swap3A_1710 = arith.constant 0 : index
    %swap3A_1711 = vector.load %arg2[%swap3A_1709, %swap3A_1710] : memref<128x512xf32, #tpu.memory_space<vmem>>, vector<1x512xf32>
    %swap3A_1712 = vector.shape_cast %swap3A_1711 : vector<1x512xf32> to vector<512xf32>
    %swap3A_1713 = vector.shape_cast %add3A_1708 : vector<512xf32> to vector<1x512xf32>
    tpu.vector_store %arg2[%swap3A_1709, %swap3A_1710], %swap3A_1713 {strides = array<i32>} : memref<128x512xf32, #tpu.memory_space<vmem>>, vector<1x512xf32>,
    %get3A_1714 = arith.constant 122 : index
    %get3A_1715 = arith.constant 0 : index
    %get3A_1716 = vector.load %arg2[%get3A_1714, %get3A_1715] : memref<128x512xf32, #tpu.memory_space<vmem>>, vector<1x512xf32>
    %get3A_1717 = vector.shape_cast %get3A_1716 : vector<1x512xf32> to vector<512xf32>
    %get3A_1718 = arith.constant 123 : index
    %get3A_1719 = arith.constant 0 : index
    %get3A_1720 = vector.load %arg1[%get3A_1718, %get3A_1719] : memref<128x512xf32, #tpu.memory_space<vmem>>, vector<1x512xf32>
    %get3A_1721 = vector.shape_cast %get3A_1720 : vector<1x512xf32> to vector<512xf32>
    %add3A_1722 = arith.addf %get3A_1717, %get3A_1721 : vector<512xf32>
    %swap3A_1723 = arith.constant 123 : index
    %swap3A_1724 = arith.constant 0 : index
    %swap3A_1725 = vector.load %arg2[%swap3A_1723, %swap3A_1724] : memref<128x512xf32, #tpu.memory_space<vmem>>, vector<1x512xf32>
    %swap3A_1726 = vector.shape_cast %swap3A_1725 : vector<1x512xf32> to vector<512xf32>
    %swap3A_1727 = vector.shape_cast %add3A_1722 : vector<512xf32> to vector<1x512xf32>
    tpu.vector_store %arg2[%swap3A_1723, %swap3A_1724], %swap3A_1727 {strides = array<i32>} : memref<128x512xf32, #tpu.memory_space<vmem>>, vector<1x512xf32>,
    %get3A_1728 = arith.constant 123 : index
    %get3A_1729 = arith.constant 0 : index
    %get3A_1730 = vector.load %arg2[%get3A_1728, %get3A_1729] : memref<128x512xf32, #tpu.memory_space<vmem>>, vector<1x512xf32>
    %get3A_1731 = vector.shape_cast %get3A_1730 : vector<1x512xf32> to vector<512xf32>
    %get3A_1732 = arith.constant 124 : index
    %get3A_1733 = arith.constant 0 : index
    %get3A_1734 = vector.load %arg1[%get3A_1732, %get3A_1733] : memref<128x512xf32, #tpu.memory_space<vmem>>, vector<1x512xf32>
    %get3A_1735 = vector.shape_cast %get3A_1734 : vector<1x512xf32> to vector<512xf32>
    %add3A_1736 = arith.addf %get3A_1731, %get3A_1735 : vector<512xf32>
    %swap3A_1737 = arith.constant 124 : index
    %swap3A_1738 = arith.constant 0 : index
    %swap3A_1739 = vector.load %arg2[%swap3A_1737, %swap3A_1738] : memref<128x512xf32, #tpu.memory_space<vmem>>, vector<1x512xf32>
    %swap3A_1740 = vector.shape_cast %swap3A_1739 : vector<1x512xf32> to vector<512xf32>
    %swap3A_1741 = vector.shape_cast %add3A_1736 : vector<512xf32> to vector<1x512xf32>
    tpu.vector_store %arg2[%swap3A_1737, %swap3A_1738], %swap3A_1741 {strides = array<i32>} : memref<128x512xf32, #tpu.memory_space<vmem>>, vector<1x512xf32>,
    %get3A_1742 = arith.constant 124 : index
    %get3A_1743 = arith.constant 0 : index
    %get3A_1744 = vector.load %arg2[%get3A_1742, %get3A_1743] : memref<128x512xf32, #tpu.memory_space<vmem>>, vector<1x512xf32>
    %get3A_1745 = vector.shape_cast %get3A_1744 : vector<1x512xf32> to vector<512xf32>
    %get3A_1746 = arith.constant 125 : index
    %get3A_1747 = arith.constant 0 : index
    %get3A_1748 = vector.load %arg1[%get3A_1746, %get3A_1747] : memref<128x512xf32, #tpu.memory_space<vmem>>, vector<1x512xf32>
    %get3A_1749 = vector.shape_cast %get3A_1748 : vector<1x512xf32> to vector<512xf32>
    %add3A_1750 = arith.addf %get3A_1745, %get3A_1749 : vector<512xf32>
    %swap3A_1751 = arith.constant 125 : index
    %swap3A_1752 = arith.constant 0 : index
    %swap3A_1753 = vector.load %arg2[%swap3A_1751, %swap3A_1752] : memref<128x512xf32, #tpu.memory_space<vmem>>, vector<1x512xf32>
    %swap3A_1754 = vector.shape_cast %swap3A_1753 : vector<1x512xf32> to vector<512xf32>
    %swap3A_1755 = vector.shape_cast %add3A_1750 : vector<512xf32> to vector<1x512xf32>
    tpu.vector_store %arg2[%swap3A_1751, %swap3A_1752], %swap3A_1755 {strides = array<i32>} : memref<128x512xf32, #tpu.memory_space<vmem>>, vector<1x512xf32>,
    %get3A_1756 = arith.constant 125 : index
    %get3A_1757 = arith.constant 0 : index
    %get3A_1758 = vector.load %arg2[%get3A_1756, %get3A_1757] : memref<128x512xf32, #tpu.memory_space<vmem>>, vector<1x512xf32>
    %get3A_1759 = vector.shape_cast %get3A_1758 : vector<1x512xf32> to vector<512xf32>
    %get3A_1760 = arith.constant 126 : index
    %get3A_1761 = arith.constant 0 : index
    %get3A_1762 = vector.load %arg1[%get3A_1760, %get3A_1761] : memref<128x512xf32, #tpu.memory_space<vmem>>, vector<1x512xf32>
    %get3A_1763 = vector.shape_cast %get3A_1762 : vector<1x512xf32> to vector<512xf32>
    %add3A_1764 = arith.addf %get3A_1759, %get3A_1763 : vector<512xf32>
    %swap3A_1765 = arith.constant 126 : index
    %swap3A_1766 = arith.constant 0 : index
    %swap3A_1767 = vector.load %arg2[%swap3A_1765, %swap3A_1766] : memref<128x512xf32, #tpu.memory_space<vmem>>, vector<1x512xf32>
    %swap3A_1768 = vector.shape_cast %swap3A_1767 : vector<1x512xf32> to vector<512xf32>
    %swap3A_1769 = vector.shape_cast %add3A_1764 : vector<512xf32> to vector<1x512xf32>
    tpu.vector_store %arg2[%swap3A_1765, %swap3A_1766], %swap3A_1769 {strides = array<i32>} : memref<128x512xf32, #tpu.memory_space<vmem>>, vector<1x512xf32>,
    %get3A_1770 = arith.constant 126 : index
    %get3A_1771 = arith.constant 0 : index
    %get3A_1772 = vector.load %arg2[%get3A_1770, %get3A_1771] : memref<128x512xf32, #tpu.memory_space<vmem>>, vector<1x512xf32>
    %get3A_1773 = vector.shape_cast %get3A_1772 : vector<1x512xf32> to vector<512xf32>
    %get3A_1774 = arith.constant 127 : index
    %get3A_1775 = arith.constant 0 : index
    %get3A_1776 = vector.load %arg1[%get3A_1774, %get3A_1775] : memref<128x512xf32, #tpu.memory_space<vmem>>, vector<1x512xf32>
    %get3A_1777 = vector.shape_cast %get3A_1776 : vector<1x512xf32> to vector<512xf32>
    %add3A_1778 = arith.addf %get3A_1773, %get3A_1777 : vector<512xf32>
    %swap3A_1779 = arith.constant 127 : index
    %swap3A_1780 = arith.constant 0 : index
    %swap3A_1781 = vector.load %arg2[%swap3A_1779, %swap3A_1780] : memref<128x512xf32, #tpu.memory_space<vmem>>, vector<1x512xf32>
    %swap3A_1782 = vector.shape_cast %swap3A_1781 : vector<1x512xf32> to vector<512xf32>
    %swap3A_1783 = vector.shape_cast %add3A_1778 : vector<512xf32> to vector<1x512xf32>
    tpu.vector_store %arg2[%swap3A_1779, %swap3A_1780], %swap3A_1783 {strides = array<i32>} : memref<128x512xf32, #tpu.memory_space<vmem>>, vector<1x512xf32>,
    %get3A_1784 = arith.constant 127 : index
    %get3A_1785 = arith.constant 0 : index
    %get3A_1786 = vector.load %arg2[%get3A_1784, %get3A_1785] : memref<128x512xf32, #tpu.memory_space<vmem>>, vector<1x512xf32>
    %get3A_1787 = vector.shape_cast %get3A_1786 : vector<1x512xf32> to vector<512xf32>
    %broadcast_in_dim3A = vector.shape_cast %get3A_1787 : vector<512xf32> to vector<1x512xf32>
    %iota3A = tpu.iota {dimensions = array<i32: 1>} : vector<1x512xi32>
    %and3A = arith.constant 7 : i32
    %and3A_1788 = vector.broadcast %and3A : i32 to vector<1x512xi32>
    %and3A_1789 = arith.andi %iota3A, %and3A_1788 : vector<1x512xi32>
    %broadcast_in_dim3A_1790 = arith.constant 0.000000e+00 : f32
    %broadcast_in_dim3A_1791 = vector.broadcast %broadcast_in_dim3A_1790 : f32 to vector<1x1xf32>
    %broadcast_in_dim3A_1792 = arith.constant 0.000000e+00 : f32
    %broadcast_in_dim3A_1793 = vector.broadcast %broadcast_in_dim3A_1792 : f32 to vector<1x512xf32>
    %slice3A = vector.extract_strided_slice %broadcast_in_dim3A_1793 {offsets = [0, 0], sizes = [1, 511], strides = [1, 1]} : vector<1x512xf32> to vector<1x511xf32>
    %concatenate3A = tpu.concatenate %broadcast_in_dim3A_1791, %slice3A in 1 : vector<1x1xf32>, vector<1x511xf32> -> vector<1x512xf32>
    %slice3A_1794 = vector.extract_strided_slice %broadcast_in_dim3A {offsets = [0, 0], sizes = [1, 511], strides = [1, 1]} : vector<1x512xf32> to vector<1x511xf32>
    %concatenate3A_1795 = tpu.concatenate %broadcast_in_dim3A_1791, %slice3A_1794 in 1 : vector<1x1xf32>, vector<1x511xf32> -> vector<1x512xf32>
    %eq3A = arith.constant 1 : i32
    %eq3A_1796 = vector.broadcast %eq3A : i32 to vector<1x512xi32>
    %eq3A_1797 = arith.cmpi eq, %and3A_1789, %eq3A_1796 : vector<1x512xi32>
    %add3A_1798 = arith.addf %concatenate3A, %concatenate3A_1795 : vector<1x512xf32>
    %select_n3A = arith.select %eq3A_1797, %add3A_1798, %broadcast_in_dim3A_1793 : vector<1x512xi1>, vector<1x512xf32>
    %slice3A_1799 = vector.extract_strided_slice %select_n3A {offsets = [0, 0], sizes = [1, 511], strides = [1, 1]} : vector<1x512xf32> to vector<1x511xf32>
    %concatenate3A_1800 = tpu.concatenate %broadcast_in_dim3A_1791, %slice3A_1799 in 1 : vector<1x1xf32>, vector<1x511xf32> -> vector<1x512xf32>
    %slice3A_1801 = vector.extract_strided_slice %broadcast_in_dim3A {offsets = [0, 0], sizes = [1, 511], strides = [1, 1]} : vector<1x512xf32> to vector<1x511xf32>
    %concatenate3A_1802 = tpu.concatenate %broadcast_in_dim3A_1791, %slice3A_1801 in 1 : vector<1x1xf32>, vector<1x511xf32> -> vector<1x512xf32>
    %eq3A_1803 = arith.constant 2 : i32
    %eq3A_1804 = vector.broadcast %eq3A_1803 : i32 to vector<1x512xi32>
    %eq3A_1805 = arith.cmpi eq, %and3A_1789, %eq3A_1804 : vector<1x512xi32>
    %add3A_1806 = arith.addf %concatenate3A_1800, %concatenate3A_1802 : vector<1x512xf32>
    %select_n3A_1807 = arith.select %eq3A_1805, %add3A_1806, %select_n3A : vector<1x512xi1>, vector<1x512xf32>
    %slice3A_1808 = vector.extract_strided_slice %select_n3A_1807 {offsets = [0, 0], sizes = [1, 511], strides = [1, 1]} : vector<1x512xf32> to vector<1x511xf32>
    %concatenate3A_1809 = tpu.concatenate %broadcast_in_dim3A_1791, %slice3A_1808 in 1 : vector<1x1xf32>, vector<1x511xf32> -> vector<1x512xf32>
    %slice3A_1810 = vector.extract_strided_slice %broadcast_in_dim3A {offsets = [0, 0], sizes = [1, 511], strides = [1, 1]} : vector<1x512xf32> to vector<1x511xf32>
    %concatenate3A_1811 = tpu.concatenate %broadcast_in_dim3A_1791, %slice3A_1810 in 1 : vector<1x1xf32>, vector<1x511xf32> -> vector<1x512xf32>
    %eq3A_1812 = arith.constant 3 : i32
    %eq3A_1813 = vector.broadcast %eq3A_1812 : i32 to vector<1x512xi32>
    %eq3A_1814 = arith.cmpi eq, %and3A_1789, %eq3A_1813 : vector<1x512xi32>
    %add3A_1815 = arith.addf %concatenate3A_1809, %concatenate3A_1811 : vector<1x512xf32>
    %select_n3A_1816 = arith.select %eq3A_1814, %add3A_1815, %select_n3A_1807 : vector<1x512xi1>, vector<1x512xf32>
    %slice3A_1817 = vector.extract_strided_slice %select_n3A_1816 {offsets = [0, 0], sizes = [1, 511], strides = [1, 1]} : vector<1x512xf32> to vector<1x511xf32>
    %concatenate3A_1818 = tpu.concatenate %broadcast_in_dim3A_1791, %slice3A_1817 in 1 : vector<1x1xf32>, vector<1x511xf32> -> vector<1x512xf32>
    %slice3A_1819 = vector.extract_strided_slice %broadcast_in_dim3A {offsets = [0, 0], sizes = [1, 511], strides = [1, 1]} : vector<1x512xf32> to vector<1x511xf32>
    %concatenate3A_1820 = tpu.concatenate %broadcast_in_dim3A_1791, %slice3A_1819 in 1 : vector<1x1xf32>, vector<1x511xf32> -> vector<1x512xf32>
    %eq3A_1821 = arith.constant 4 : i32
    %eq3A_1822 = vector.broadcast %eq3A_1821 : i32 to vector<1x512xi32>
    %eq3A_1823 = arith.cmpi eq, %and3A_1789, %eq3A_1822 : vector<1x512xi32>
    %add3A_1824 = arith.addf %concatenate3A_1818, %concatenate3A_1820 : vector<1x512xf32>
    %select_n3A_1825 = arith.select %eq3A_1823, %add3A_1824, %select_n3A_1816 : vector<1x512xi1>, vector<1x512xf32>
    %slice3A_1826 = vector.extract_strided_slice %select_n3A_1825 {offsets = [0, 0], sizes = [1, 511], strides = [1, 1]} : vector<1x512xf32> to vector<1x511xf32>
    %concatenate3A_1827 = tpu.concatenate %broadcast_in_dim3A_1791, %slice3A_1826 in 1 : vector<1x1xf32>, vector<1x511xf32> -> vector<1x512xf32>
    %slice3A_1828 = vector.extract_strided_slice %broadcast_in_dim3A {offsets = [0, 0], sizes = [1, 511], strides = [1, 1]} : vector<1x512xf32> to vector<1x511xf32>
    %concatenate3A_1829 = tpu.concatenate %broadcast_in_dim3A_1791, %slice3A_1828 in 1 : vector<1x1xf32>, vector<1x511xf32> -> vector<1x512xf32>
    %eq3A_1830 = arith.constant 5 : i32
    %eq3A_1831 = vector.broadcast %eq3A_1830 : i32 to vector<1x512xi32>
    %eq3A_1832 = arith.cmpi eq, %and3A_1789, %eq3A_1831 : vector<1x512xi32>
    %add3A_1833 = arith.addf %concatenate3A_1827, %concatenate3A_1829 : vector<1x512xf32>
    %select_n3A_1834 = arith.select %eq3A_1832, %add3A_1833, %select_n3A_1825 : vector<1x512xi1>, vector<1x512xf32>
    %slice3A_1835 = vector.extract_strided_slice %select_n3A_1834 {offsets = [0, 0], sizes = [1, 511], strides = [1, 1]} : vector<1x512xf32> to vector<1x511xf32>
    %concatenate3A_1836 = tpu.concatenate %broadcast_in_dim3A_1791, %slice3A_1835 in 1 : vector<1x1xf32>, vector<1x511xf32> -> vector<1x512xf32>
    %slice3A_1837 = vector.extract_strided_slice %broadcast_in_dim3A {offsets = [0, 0], sizes = [1, 511], strides = [1, 1]} : vector<1x512xf32> to vector<1x511xf32>
    %concatenate3A_1838 = tpu.concatenate %broadcast_in_dim3A_1791, %slice3A_1837 in 1 : vector<1x1xf32>, vector<1x511xf32> -> vector<1x512xf32>
    %eq3A_1839 = arith.constant 6 : i32
    %eq3A_1840 = vector.broadcast %eq3A_1839 : i32 to vector<1x512xi32>
    %eq3A_1841 = arith.cmpi eq, %and3A_1789, %eq3A_1840 : vector<1x512xi32>
    %add3A_1842 = arith.addf %concatenate3A_1836, %concatenate3A_1838 : vector<1x512xf32>
    %select_n3A_1843 = arith.select %eq3A_1841, %add3A_1842, %select_n3A_1834 : vector<1x512xi1>, vector<1x512xf32>
    %slice3A_1844 = vector.extract_strided_slice %select_n3A_1843 {offsets = [0, 0], sizes = [1, 511], strides = [1, 1]} : vector<1x512xf32> to vector<1x511xf32>
    %concatenate3A_1845 = tpu.concatenate %broadcast_in_dim3A_1791, %slice3A_1844 in 1 : vector<1x1xf32>, vector<1x511xf32> -> vector<1x512xf32>
    %slice3A_1846 = vector.extract_strided_slice %broadcast_in_dim3A {offsets = [0, 0], sizes = [1, 511], strides = [1, 1]} : vector<1x512xf32> to vector<1x511xf32>
    %concatenate3A_1847 = tpu.concatenate %broadcast_in_dim3A_1791, %slice3A_1846 in 1 : vector<1x1xf32>, vector<1x511xf32> -> vector<1x512xf32>
    %eq3A_1848 = arith.constant 7 : i32
    %eq3A_1849 = vector.broadcast %eq3A_1848 : i32 to vector<1x512xi32>
    %eq3A_1850 = arith.cmpi eq, %and3A_1789, %eq3A_1849 : vector<1x512xi32>
    %add3A_1851 = arith.addf %concatenate3A_1845, %concatenate3A_1847 : vector<1x512xf32>
    %select_n3A_1852 = arith.select %eq3A_1850, %add3A_1851, %select_n3A_1843 : vector<1x512xi1>, vector<1x512xf32>
    %get3A_1853 = arith.constant 0 : index
    %get3A_1854 = arith.constant 0 : index
    %get3A_1855 = vector.load %arg2[%get3A_1853, %get3A_1854] : memref<128x512xf32, #tpu.memory_space<vmem>>, vector<128x512xf32>
    %add3A_1856 = vector.broadcast %select_n3A_1852 : vector<1x512xf32> to vector<128x512xf32>
    %add3A_1857 = arith.addf %get3A_1855, %add3A_1856 : vector<128x512xf32>
    %swap3A_1858 = arith.constant 0 : index
    %swap3A_1859 = arith.constant 0 : index
    %swap3A_1860 = vector.load %arg2[%swap3A_1858, %swap3A_1859] : memref<128x512xf32, #tpu.memory_space<vmem>>, vector<128x512xf32>
    tpu.vector_store %arg2[%swap3A_1858, %swap3A_1859], %add3A_1857 {strides = array<i32>} : memref<128x512xf32, #tpu.memory_space<vmem>>, vector<128x512xf32>,
    return
  }
  func.func @transform_0(%arg0: i32) -> (i32, i32) {
    %c0_i32 = arith.constant 0 : i32
    %c0_i32_0 = arith.constant 0 : i32
    return %c0_i32, %arg0 : i32, i32
  }
  func.func @transform_1(%arg0: i32) -> (i32, i32) {
    %c0_i32 = arith.constant 0 : i32
    %c0_i32_0 = arith.constant 0 : i32
    return %c0_i32, %arg0 : i32, i32
  }
}

module attributes {stable_mosaic.version = 14 : i64} {
  func.func @_fin_body(%arg0: i32, %arg1: memref<128x1024xf32, #tpu.memory_space<vmem>>, %arg2: memref<128x1024xf32, #tpu.memory_space<vmem>>) attributes {dimension_semantics = [#tpu.dimension_semantics<arbitrary>], iteration_bounds = array<i64: 8>, scalar_prefetch = 0 : i64, scratch_operands = 0 : i64, tpu.core_type = #tpu.core_type<tc>, window_params = [{transform_indices = @transform_0, window_bounds = array<i64: 128, 1024>}, {transform_indices = @transform_1, window_bounds = array<i64: 128, 1024>}]} {
    %get3A = arith.constant 0 : index
    %get3A_0 = arith.constant 0 : index
    %get3A_1 = vector.load %arg1[%get3A, %get3A_0] : memref<128x1024xf32, #tpu.memory_space<vmem>>, vector<128x1024xf32>
    %add3A = arith.constant 1.000000e-10 : f32
    %add3A_2 = vector.broadcast %add3A : f32 to vector<128x1024xf32>
    %add3A_3 = arith.addf %get3A_1, %add3A_2 : vector<128x1024xf32>
    %log3A = math.log %add3A_3 : vector<128x1024xf32>
    %reduce_max3A = arith.constant dense<0xFF800000> : vector<128xf32>
    %reduce_max3A_4 = vector.multi_reduction <maximumf>, %log3A, %reduce_max3A [1] : vector<128x1024xf32> to vector<128xf32>
    %broadcast_in_dim3A = vector.shape_cast %reduce_max3A_4 : vector<128xf32> to vector<128x1xf32>
    %sub3A = vector.broadcast %broadcast_in_dim3A : vector<128x1xf32> to vector<128x1024xf32>
    %sub3A_5 = arith.subf %log3A, %sub3A : vector<128x1024xf32>
    %exp3A = math.exp %sub3A_5 : vector<128x1024xf32>
    %reduce_sum3A = arith.constant dense<0.000000e+00> : vector<128xf32>
    %reduce_sum3A_6 = vector.multi_reduction <add>, %exp3A, %reduce_sum3A [1] : vector<128x1024xf32> to vector<128xf32>
    %broadcast_in_dim3A_7 = vector.shape_cast %reduce_sum3A_6 : vector<128xf32> to vector<128x1xf32>
    %log3A_8 = math.log %broadcast_in_dim3A_7 : vector<128x1xf32>
    %add3A_9 = arith.addf %broadcast_in_dim3A, %log3A_8 : vector<128x1xf32>
    %sub3A_10 = vector.broadcast %add3A_9 : vector<128x1xf32> to vector<128x1024xf32>
    %sub3A_11 = arith.subf %log3A, %sub3A_10 : vector<128x1024xf32>
    %swap3A = arith.constant 0 : index
    %swap3A_12 = arith.constant 0 : index
    %swap3A_13 = vector.load %arg2[%swap3A, %swap3A_12] : memref<128x1024xf32, #tpu.memory_space<vmem>>, vector<128x1024xf32>
    tpu.vector_store %arg2[%swap3A, %swap3A_12], %sub3A_11 {strides = array<i32>} : memref<128x1024xf32, #tpu.memory_space<vmem>>, vector<128x1024xf32>,
    return
  }
  func.func @transform_0(%arg0: i32) -> (i32, i32) {
    %c0_i32 = arith.constant 0 : i32
    %c0_i32_0 = arith.constant 0 : i32
    return %arg0, %c0_i32 : i32, i32
  }
  func.func @transform_1(%arg0: i32) -> (i32, i32) {
    %c0_i32 = arith.constant 0 : i32
    %c0_i32_0 = arith.constant 0 : i32
    return %arg0, %c0_i32 : i32, i32
  }
}

</mosaic_0001>

<sc_bundles>
// kernel: kernel.6.cloned.1.call-start
scs
__scs_entry_jumppad:
0x0: {  	(pc) =	sbr.rel $0x88, $3  }
0x1: {  	(tag) =	ssettag $0x0;
	lr =	simm.s32 $0x1  }
0x2: {  	[smem:$0x3F9E] =	sst lr;
	_ =	strace $0xD0000000  }
0x3: {  	_ = 	snop  }
0x4: {  	_ = 	snop  }
0x5: {  	_ = 	snop  }
0x6: {  	_ = 	snop  }
0x7: {  	_ = 	snop  }
__scs_overlays_trampoline_lowered:
0x8: {  	[smem:$0x3FAD] =	sst s0  }
0x9: {  	[smem:$0x3FAE] =	sst s1  }
0xa: {  	[smem:$0x3FAF] =	sst s2  }
0xb: {  	[smem:$0x3FB0] =	sst s3  }
0xc: {  	[smem:$0x3FB1] =	sst s4  }
0xd: {  	[smem:$0x3FB2] =	sst s5  }
0xe: {  	[smem:$0x3FB3] =	sst s6  }
0xf: {  	[smem:$0x3FB4] =	sst s7  }
0x10: {  	[smem:$0x3FB5] =	sst s8  }
0x11: {  	[smem:$0x3FB6] =	sst s9;
	s0 =	simm.s32 @!p0 $0x0  }
0x12: {  	s1 =	sld [smem:$0x3F9C];
	s0 =	simm.s32 @p0 $0x1  }
0x13: {  	[smem:$0x3FB7] =	sst s0;
	s0 =	simm.s32 @!p1 $0x0  }
0x14: {  	s2 =	sld [smem:$0x3F9B];
	s0 =	simm.s32 @p1 $0x1  }
0x15: {  	[smem:$0x3FB8] =	sst s0;
	s0 =	simm.s32 @!p2 $0x0  }
0x16: {  	s3 =	sld [smem:$0x3FDB];
	s0 =	simm.s32 @p2 $0x1  }
0x17: {  	s4 =	simm.s32 $0x1BF5;
	[smem:$0x3FBA] =	sst s0  }
0x18: {  	s0 =	sld [smem:$0x3F9D];
	_ =	swait.ge [sflag:s4], $0x0  }
0x19: {  	s7 =	sld [smem:$0x3F9E]  }
0x1a: {  	s8 =	sadd.s32 $0xFFFFE003, lr  }
0x1b: {  	s9 =	sadd.s32 $0xFFFFFEF7, lr;
	s5 =	simm.s32 $0xFFFFFFFF;
	p2 =	slt.u32 s8, $0xFFFFF086  }
0x1c: {  	p1 =	slt.u32 s9, $0xF7A;
	s5 =	simm.s32 @!p2 $0x0  }
0x1d: {  	s5 =	simm.s32 @p1 $0x1;
	p0 =	seq.s32 s7, s2  }
0x1e: {  	s7 =	smul.u32 @!p0 $0xF7A, s2;
	p2 =	seq.s32 @!p0 s5, $0x0  }
0x1f: {  	s9 =	smul.u32 $0xF7A, s1;
	s8 =	simm.s32 @!p0 $0x1BF5;
	p2 =	por !p2, p0  }
0x20: {  	[sflag:s8] =	ssyncset.s32 @!p0 $0xFFFFF086;
	s6 =	sadd.s32 @!p0 s3, s7;
	s7 =	simm.s32 @!p0 $0x108  }
0x21: {  	s3 =	sadd.s32 s3, s9;
	s6 =	sadd.s32 @!p0 $0x88, s6;
	s7 =	simm.s32 @p2 $0x1082  }
0x22: {  	[simem:s7], [sflag:s8] =	dma.local @!p0 [hbm:s6], $0xF7A  }
0x23: {  	s9 =	sor.u32 $0xD0000000, s2;
	s6 =	simm.s32 $0x108;
	_ =	swait.ge @!p0 [sflag:s8], $0x0  }
0x24: {  	s3 =	sadd.s32 $0x88, s3;
	s6 =	simm.s32 @!p1 $0x1082;
	[sflag:s4] =	ssyncset.s32 $0xFFFFF086  }
0x25: {  	[simem:s6], [sflag:s4] =	dma.local [hbm:s3], $0xF7A  }
0x26: {  	[smem:$0x3F9E] =	sst s1;
	(tag) =	ssettag s2;
	_ =	strace s9  }
0x27: {  	s1 =	sld [smem:$0x3FAE]  }
0x28: {  	s2 =	sld [smem:$0x3FAF]  }
0x29: {  	s4 =	sld [smem:$0x3FB1]  }
0x2a: {  	p0 =	seq.s32 s5, $0x0;
	s5 =	sld [smem:$0x3FB2]  }
0x2b: {  	s6 =	sld [smem:$0x3FB3]  }
0x2c: {  	s7 =	sld [smem:$0x3FB4]  }
0x2d: {  	s3 =	simm.s32 $0x108;
	s8 =	sld [smem:$0x3FB5]  }
0x2e: {  	s3 =	simm.s32 @!p0 $0x1082;
	s9 =	sld [smem:$0x3FB6]  }
0x2f: {  	lr =	sadd.s32 s0, s3;
	s0 =	sld [smem:$0x3FAD]  }
0x30: {  	s3 =	sld [smem:$0x3FB0]  }
0x31: {  	[smem:$0x3FB9] =	sst s10  }
0x32: {  	s10 =	sld [smem:$0x3FB7];
	_ =	sdelay $0x3  }
0x33: {  	p0 =	seq.s32 s10, $0x1;
	s10 =	sld [smem:$0x3FB9];
	_ =	sdelay $0x3  }
0x34: {  	[smem:$0x3FB9] =	sst s10  }
0x35: {  	s10 =	sld [smem:$0x3FB8];
	_ =	sdelay $0x3  }
0x36: {  	p1 =	seq.s32 s10, $0x1;
	s10 =	sld [smem:$0x3FB9];
	_ =	sdelay $0x3  }
0x37: {  	[smem:$0x3FB9] =	sst s10  }
0x38: {  	s10 =	sld [smem:$0x3FBA]  }
0x39: {  	_ = 	snop;
	(pc) =	sbr.ind lr, $3  }
0x3a: {  	_ = 	snop  }
0x3b: {  	_ = 	snop  }
0x3c: {  	p2 =	seq.s32 s10, $0x1;
	s10 =	sld [smem:$0x3FB9]  }
0x3d: {  	_ =	shalt  }
0x3e: {  	_ =	shalt  }
0x3f: {  	_ =	shalt  }
0x40: {  	_ =	shalt  }
0x41: {  	_ =	shalt  }
0x42: {  	_ =	shalt  }
0x43: {  	_ =	shalt  }
0x44: {  	_ =	shalt  }
0x45: {  	_ =	shalt  }
0x46: {  	_ =	shalt  }
0x47: {  	_ =	shalt  }
0x48: {  	_ =	shalt  }
0x49: {  	_ =	shalt  }
0x4a: {  	_ =	shalt  }
0x4b: {  	_ =	shalt  }
0x4c: {  	_ =	shalt  }
0x4d: {  	_ =	shalt  }
0x4e: {  	_ =	shalt  }
0x4f: {  	_ =	shalt  }
0x50: {  	_ =	shalt  }
0x51: {  	_ =	shalt  }
0x52: {  	_ =	shalt  }
0x53: {  	_ =	shalt  }
0x54: {  	_ =	shalt  }
0x55: {  	_ =	shalt  }
0x56: {  	_ =	shalt  }
0x57: {  	_ =	shalt  }
0x58: {  	_ =	shalt  }
0x59: {  	_ =	shalt  }
0x5a: {  	_ =	shalt  }
0x5b: {  	_ =	shalt  }
0x5c: {  	_ =	shalt  }
0x5d: {  	_ =	shalt  }
0x5e: {  	_ =	shalt  }
0x5f: {  	_ =	shalt  }
0x60: {  	_ =	shalt  }
0x61: {  	_ =	shalt  }
0x62: {  	_ =	shalt  }
0x63: {  	_ =	shalt  }
0x64: {  	_ =	shalt  }
0x65: {  	_ =	shalt  }
0x66: {  	_ =	shalt  }
0x67: {  	_ =	shalt  }
0x68: {  	_ =	shalt  }
0x69: {  	_ =	shalt  }
0x6a: {  	_ =	shalt  }
0x6b: {  	_ =	shalt  }
0x6c: {  	_ =	shalt  }
0x6d: {  	_ =	shalt  }
0x6e: {  	_ =	shalt  }
0x6f: {  	_ =	shalt  }
0x70: {  	_ =	shalt  }
0x71: {  	_ =	shalt  }
0x72: {  	_ =	shalt  }
0x73: {  	_ =	shalt  }
0x74: {  	_ =	shalt  }
0x75: {  	_ =	shalt  }
0x76: {  	_ =	shalt  }
0x77: {  	_ =	shalt  }
0x78: {  	_ =	shalt  }
0x79: {  	_ =	shalt  }
0x7a: {  	_ =	shalt  }
0x7b: {  	_ =	shalt  }
0x7c: {  	_ =	shalt  }
0x7d: {  	_ =	shalt  }
0x7e: {  	_ =	shalt  }
0x7f: {  	_ =	shalt  }
0x80: {  	_ =	shalt  }
0x81: {  	_ =	shalt  }
0x82: {  	_ =	shalt  }
0x83: {  	_ =	shalt  }
0x84: {  	_ =	shalt  }
0x85: {  	_ =	shalt  }
0x86: {  	_ =	shalt  }
0x87: {  	_ =	shalt  }
.Lfunc_end0:
.L_simem_size_0:
called_computation_lowered:
.L_overlay_start_0:
0x88: {  	s2 =	sld [smem:$0x3FD9]  }
0x89: {  	s3 =	sld [smem:$0x3FFE];
	_ =	sdelay $0x1  }
0x8a: {  	s1 =	srdreg.scid  }
0x8b: {  	s0 =	sand.u32 $0x1, s1  }
0x8c: {  	s14 =	sshll.u32 s0, $0xA;
	s2 =	sadd.s32 s3, s2  }
0x8d: {  	s2 =	sadd.s32 s2, s14  }
0x8e: {  	[smem:$0x3FC5] =	sst s2  }
0x8f: {  	_ = 	snop  }
0x90: {  	s2 =	sld [smem:$0x3FD0];
	_ =	sdelay $0x1  }
0x91: {  	s15 =	sld [smem:$0x3FC9]  }
0x92: {  	s5 =	simm.s32 $0xA;
	s6 =	simm.s32 $0x10;
	s4 =	sld [smem:$0x3FC8]  }
0x93: {  	[smem:s6], [sflag:s5] =	dma.local [hbm:s2], $0x1  }
0x94: {  	_ =	swait.eq [sflag:s5], $0x1  }
0x95: {  	s16 =	sld [smem:$0x10];
	[sflag:s5] =	ssyncset.done $0x0  }
0x96: {  	s17 =	sld [smem:$0x11];
	[sflag:s5] =	ssyncadd.s32 $0xFFFFFFFF  }
0x97: {  	s18 =	sld [smem:$0x12];
	(tm) =	ssettm $0x1  }
0x98: {  	s7 =	sld [smem:$0x3FFB];
	_ =	sdelay $0x3  }
0x99: {  	_ =	strace s7  }
0x9a: {  	s7 =	sld [smem:$0x3FFC];
	_ =	sdelay $0x3  }
0x9b: {  	_ =	strace s7  }
0x9c: {  	s7 =	sld [smem:$0x3FFD];
	_ =	sdelay $0x3  }
0x9d: {  	_ =	strace s7  }
0x9e: {  	_ =	strace $0x8FFFFFFF  }
0x9f: {  	s19 =	sld [smem:$0x3FDB];
	_ =	sdelay $0x1  }
0xa0: {  	s8 =	simm.s32 $_scs_section_size  }
0xa1: {  	s9 =	simm.s32 $_size__tile_overlayer_lowered;
	s10 =	simm.s32 $_tile_overlayer_lowered  }
0xa2: {  	s22 =	simm.s32 $0x1BFF;
	s21 =	sshll.u32 s10, $0x1;
	s7 =	sadd.s32 s8, s19  }
0xa3: {  	s11 =	simm.s32 $0x0;
	s20 =	sshll.u32 s9, $0x1;
	s9 =	sadd.s32 s21, s7  }
0xa4: {  	[timem:s11], [sflag:s22] =	dma.local [hbm:s9], s20  }
0xa5: {  	_ =	swait.ge [sflag:s22], s20  }
0xa6: {  	s8 =	ssub.s32 $0x0, s20;
	[sflag:s22] =	ssyncset.done $0x0  }
0xa7: {  	[sflag:s22] =	ssyncadd.s32 s8;
	_ =	sdelay $0x1  }
0xa8: {  	s23 =	simm.s32 $0x1B8B  }
0xa9: {  	_ =	swait.ge [sflag:s23], $0x1  }
0xaa: {  	[sflag:s23] =	ssyncset.done $0x0  }
0xab: {  	s25 =	simm.s32 $0x1B8E;
	s24 =	sld [smem:$0x3FFE];
	[sflag:s23] =	ssyncadd.s32 $0xFFFFFFFF  }
0xac: {  	s26 =	simm.s32 $execute0_lowered;
	[smem:$0x3FD2] =	sst s25  }
0xad: {  	s9 =	sshll.u32 s26, $0x1;
	_ =	strace $0x80000046;
	[dreg:$0x1] =	wrdreg $0xFFFFFFFF  }
0xae: {  	s28 =	simm.s32 $_size_execute0_lowered;
	s7 =	sadd.s32 s7, s9;
	[dreg:$0x0] =	wrdreg $0x0  }
0xaf: {  	s9 =	sshll.u32 s28, $0x1;
	[dreg:$0x2] =	wrdreg s7  }
0xb0: {  	[dreg:$0x3] =	wrdreg s9  }
0xb1: {  	[dreg:$0x4] =	wrdreg $0xC0  }
0xb2: {  	_ =	task [dreg:s11], $0x5FFFF  }
0xb3: {  	[dreg:$0x1] =	wrdreg $0xFFFFFFFF  }
0xb4: {  	[dreg:$0x0] =	wrdreg $0x60  }
0xb5: {  	[dreg:$0x2] =	wrdreg s18  }
0xb6: {  	[dreg:$0x3] =	wrdreg s24  }
0xb7: {  	[dreg:$0x4] =	wrdreg s15  }
0xb8: {  	[dreg:$0x5] =	wrdreg s4  }
0xb9: {  	[dreg:$0x6] =	wrdreg s16  }
0xba: {  	[dreg:$0x7] =	wrdreg s17  }
0xbb: {  	[dreg:$0x8] =	wrdreg $0x9  }
0xbc: {  	_ =	task.clear_ibuf [dreg:s11], $0x9FFFF;
	_ =	strace $0x90000046  }
0xbd: {  	s29 =	simm.s32 $0x9;
	_ =	strace $0x80000048  }
0xbe: {  	_ =	swait.ge [sflag:s29], $0x1  }
0xbf: {  	[sflag:s29] =	ssyncadd.s32 $0xFFFFFFFF  }
0xc0: {  	_ =	strace $0x90000048  }
0xc1: {  	_ =	sfence  }
0xc2: {  	s30 =	sld [smem:$0x0];
	_ =	sdelay $0x2  }
0xc3: {  	s31 =	sshll.u32 s1, $0xD;
	s1 =	sshrl.u32 s1, $0x2  }
0xc4: {  	s3 =	sand.u32 $0x4000, s31;
	s1 =	sadd.s32 s1, s30  }
0xc5: {  	s0 =	sor.u32 s3, s0;
	s1 =	sshll.u32 s1, $0x11  }
0xc6: {  	s0 =	sor.u32 s1, s0  }
0xc7: {  	s0 =	sadd.s32 $0x8F2B, s0  }
0xc8: {  	[sflag:s0] =	ssyncadd.remote.s32 $0x1  }
0xc9: {  	_ =	sfence.sel $0xFFFF  }
0xca: {  	[dreg:$0x0] =	wrdreg $0xFFFFFFFF;
	(pc) =	sbr.abs _section_cstart, $3  }
0xcb: {  	[dreg:$0x1] =	wrdreg $0xFFFFFFFF  }
0xcc: {  	_ =	task.clear_ibuf [dreg:s11], $0x2FFFF;
	_ =	strace $0x9FFFFFFF  }
0xcd: {  	(tm) =	ssettm $0x7FFFFFFF  }
tec
execute0_lowered:
.L_overlay_start_1:
0x0: {  	(tag) =	ssettag $0x1  }
0x1: {  	s0 =	rddreg [dreg:$0x1]  }
0x2: {  	s2 =	rddreg [dreg:$0x2]  }
0x3: {  	s3 =	rddreg [dreg:$0x3]  }
0x4: {  	s4 =	rddreg [dreg:$0x4]  }
0x5: {  	s5 =	rddreg [dreg:$0x5];
	s6 =	simm.s32 $0x0  }
0x6: {  	s1 =	srdreg.scid;
	s10 =	stileid.u32;
	s12 =	simm.s32 $0x3  }
0x7: {  	s13 =	simm.s32 $0x2000;
	s14 =	simm.s32 $0x6800;
	s15 =	simm.s32 $0xE800  }
0x8: {  	s16 =	simm.s32 $0x1;
	s17 =	simm.s32 $0x12800;
	s1 =	sand.u32 $0x1, s1  }
0x9: {  	s18 =	simm.s32 $0x1A800;
	s22 =	simm.s32 $0x0;
	s7 =	ssub.s32 $0x2, s1  }
0xa: {  	[smem:$0x7FF] =	sst s6;
	s8 =	sadd.s32 $0xE00, s0;
	s30 =	sshrl.u32 s7, $0x1  }
0xb: {  	s9 =	sadd.s32 $0x20E00, s0;
	s31 =	sshll.u32 s10, $0x3;
	s0 =	ssub.s32 s7, s30  }
0xc: {  	_ =	strace $0x80000047;
	s1 =	sshll.u32 s1, $0x2;
	s0 =	smax.u32 s0, $0x1  }
0xd: {  	v0 =	vimm.s32 $0x0;
	v1 =	vimm.s32 $0x1;
	s10 =	sor.u32 s1, s31;
	s7 =	simm.s32 $0x0;
	[dreg:$0x7] =	wrdreg s0  }
.LBB2_1:
0xe: {  	[dreg:$0x8] =	wrdreg s7;
	s0 =	simm.s32 $0x40;
	s1 =	simm.s32 $0x0  }
.LBB2_2:
0xf: {  	p0 =	sne.s32 s0, $0xFC0;
	[tilespmem:s1+$0x6000] =	vst v0;
	s1 =	smov.u32 s0;
	s0 =	sadd.s32 $0x40, s0  }
.Ltmp0:
0x10: {  	(pc) =	sbr.rel @p0 .LBB2_2-.Ltmp0, $2  }
0x11: {  	_ =	sdelay $0x2  }
0x12: {  	s1 =	sshra.s32 s1, $0x2  }
0x13: {  	[tilespmem:s1+$0x6000] =	vst v0;
	s23 =	simm.s32 $0x0  }
.LBB2_4:
0x14: {  	s0 =	sadd.s32 s10, s23  }
0x15: {  	s1 =	rddreg [dreg:$0x0];
	s24 =	sshll.u32 s0, $0xA  }
0x16: {  	s1 =	sadd.s32 s1, s24  }
0x17: {  	[tilespmem:s22], [sflag:$0x3] =	stream.linear.gather [hbm4b:s1+s22], $0x2000, $0x38;
	[tilespmem:$0x1E800] =	vst v63  }
0x18: {  	_ =	swait.ge [sflag:s12], $0x2000  }
0x19: {  	[sflag:s12] =	ssyncset.done $0x0  }
0x1a: {  	s31 =	sadd.s32 s8, s24;
	[sflag:s12] =	ssyncadd.s32 $0xFFFFE000  }
0x1b: {  	[tilespmem:s13], [sflag:$0x3] =	stream.linear.gather [hbm4b:s31+s22], $0x2000, $0x38;
	[tilespmem:$0x1E800] =	vst v63  }
0x1c: {  	_ =	swait.ge [sflag:s12], $0x2000  }
0x1d: {  	[sflag:s12] =	ssyncset.done $0x0  }
0x1e: {  	s26 =	simm.s32 $0x0;
	s25 =	sshll.u32 s0, $0x3;
	[sflag:s12] =	ssyncadd.s32 $0xFFFFE000  }
.LBB2_5:
0x1f: {  	s0 =	sadd.s32 s25, s26  }
0x20: {  	s30 =	simm.s32 $0x0;
	s28 =	sshll.u32 s0, $0xC  }
0x21: {  	v2 =	vmov s26;
	s31 =	sshll.u32 s26, $0x7;
	s29 =	sshll.u32 s0, $0xB;
	s1 =	sadd.s32 s2, s28  }
0x22: {  	v2 =	vshll.u32 v2, $0x7;
	v3 =	vmov s31;
	[tilespmem:s14], [sflag:$0x1] =	stream.linear.gather [hbm4b:s1+s30], $0x8000, $0x38;
	[tilespmem:$0x1E800] =	vst v63  }
0x23: {  	s7 =	simm.s32 $0x0;
	s11 =	simm.s32 $0x0;
	s0 =	sadd.s32 s3, s29;
	v2 =	vand.u32 $0x380, v2  }
0x24: {  	v2 =	vbroadcast v2, $0x0;
	[tilespmem:s15], [sflag:$0x1] =	stream.linear.gather [hbm4b:s0+s30], $0x4000, $0x38;
	[tilespmem:$0x1E800] =	vst v63  }
.LBB2_6:
0x25: {  	s0 =	sand.u32 $0x60, s11;
	s1 =	sand.u32 $0x1C00, s7  }
0x26: {  	s1 =	sor.u32 s0, s1  }
0x27: {  	v4 =	vld.idx.msk [tilespmem:v3+s1+$0x0 ss:$0x1], $0xffff;
	_ =	sdelay $0x4  }
0x28: {  	v5 =	vmul.f32 $1.024000000e+03, v4;
	_ =	sdelay $0x1  }
0x29: {  	v5 =	vtrunc.f32 v5  }
0x2a: {  	v5 =	vcvt.f32.s32 v5;
	_ =	sdelay $0x1  }
0x2b: {  	v5 =	vadd.s32 $0xFFFFFFFF, v5  }
0x2c: {  	vm0 =	vgt.s32 v5, $0x0  }
0x2d: {  	v6 =	vnsel vm0, $0x0, v5  }
0x2e: {  	vm8 =	vlt.s32 v5, $0x400;
	v5 =	vmin.u32 v6, $0x3FF;
	v7 =	vadd.s32 $0x1, v6  }
0x2f: {  	v10 =	vadd.s32 $0x2, v6;
	v8 =	vand.u32 $0x7F, v5;
	v5 =	vshll.u32 v5, $0x3  }
0x30: {  	vm1 =	vlt.s32 v7, $0x3FF;
	vm9 =	vlt.s32 v10, $0x3FF;
	vm10 =	vlt.s32 v7, $0x400  }
0x31: {  	v5 =	vand.u32 $0x1C00, v5;
	v9 =	vnsel vm1, $0x3FF, v7;
	v11 =	vnsel vm9, $0x3FF, v10  }
0x32: {  	v5 =	vor.u32 v5, v8;
	v51 =	vshll.u32 v9, $0x3;
	v9 =	vand.u32 $0x7F, v9  }
0x33: {  	v52 =	vshll.u32 v11, $0x3;
	v53 =	vand.u32 $0x7F, v11;
	v8 =	vand.u32 $0xFFFFFC00, v51  }
0x34: {  	v5 =	vor.u32 v2, v5;
	v8 =	vor.u32 v8, v9;
	v9 =	vand.u32 $0xFFFFFC00, v52  }
0x35: {  	vm2 =	vlt.s32 v10, $0x400;
	v8 =	vor.u32 v2, v8;
	v7 =	vor.u32 v9, v53  }
0x36: {  	v7 =	vor.u32 v2, v7;
	_ =	sdelay $0x2  }
0x37: {  	v5 =	vld.idx.msk [tilespmem:v5+s13+$0x0], vm8  }
0x38: {  	v8 =	vld.idx.msk [tilespmem:v8+s13+$0x0], vm10  }
0x39: {  	v7 =	vld.idx.msk [tilespmem:v7+s13+$0x0], vm2;
	_ =	sdelay $0x2  }
0x3a: {  	vm3 =	vle.f32 v5, v4  }
0x3b: {  	vm0 =	vmand vm3, vm8;
	vm11 =	vle.f32 v8, v4  }
0x3c: {  	v5 =	vsel vm0, $0x1, v0;
	vm12 =	vmand vm11, vm10;
	vm13 =	vle.f32 v7, v4  }
0x3d: {  	v4 =	vadd.s32 v5, v6;
	v5 =	vsel vm12, $0x1, v0;
	vm14 =	vmand vm13, vm2  }
0x3e: {  	v4 =	vadd.s32 v5, v4;
	v5 =	vsel vm14, $0x1, v0  }
0x3f: {  	v4 =	vadd.s32 v5, v4  }
0x40: {  	vm15 =	vlt.s32 v4, $0x3FF;
	vm4 =	vlt.s32 v4, $0x400  }
0x41: {  	v4 =	vnsel vm15, $0x3FF, v4;
	_ =	sdelay $0x3  }
0x42: {  	s0 =	simm.s32 $0x6000  }
0x43: {  	[tilespmem:v4+s0+$0x0] =	vst.idx.add.s32.msk vm4, v1  }
0x44: {  	v4 =	vld.idx.msk [tilespmem:v3+s1+$0x10 ss:$0x1], $0xffff;
	_ =	sdelay $0x4  }
0x45: {  	v5 =	vmul.f32 $1.024000000e+03, v4;
	_ =	sdelay $0x1  }
0x46: {  	v5 =	vtrunc.f32 v5  }
0x47: {  	v5 =	vcvt.f32.s32 v5;
	_ =	sdelay $0x1  }
0x48: {  	v5 =	vadd.s32 $0xFFFFFFFF, v5  }
0x49: {  	vm5 =	vgt.s32 v5, $0x0  }
0x4a: {  	v54 =	vnsel vm5, $0x0, v5  }
0x4b: {  	vm6 =	vlt.s32 v5, $0x400;
	v5 =	vmin.u32 v54, $0x3FF;
	v55 =	vadd.s32 $0x1, v54  }
0x4c: {  	v58 =	vadd.s32 $0x2, v54;
	v56 =	vand.u32 $0x7F, v5;
	v5 =	vshll.u32 v5, $0x3  }
0x4d: {  	vm7 =	vlt.s32 v55, $0x3FF;
	vm8 =	vlt.s32 v58, $0x3FF;
	vm9 =	vlt.s32 v55, $0x400  }
0x4e: {  	v5 =	vand.u32 $0x1C00, v5;
	v57 =	vnsel vm7, $0x3FF, v55;
	v60 =	vnsel vm8, $0x3FF, v58  }
0x4f: {  	v5 =	vor.u32 v5, v56;
	v59 =	vshll.u32 v57, $0x3;
	v9 =	vand.u32 $0x7F, v57  }
0x50: {  	v62 =	vshll.u32 v60, $0x3;
	v63 =	vand.u32 $0x7F, v60;
	v8 =	vand.u32 $0xFFFFFC00, v59  }
0x51: {  	v5 =	vor.u32 v2, v5;
	v61 =	vor.u32 v8, v9;
	v8 =	vand.u32 $0xFFFFFC00, v62  }
0x52: {  	vm10 =	vlt.s32 v58, $0x400;
	v8 =	vor.u32 v8, v63;
	v7 =	vor.u32 v2, v61  }
0x53: {  	v8 =	vor.u32 v2, v8;
	_ =	sdelay $0x2  }
0x54: {  	v5 =	vld.idx.msk [tilespmem:v5+s13+$0x0], vm6  }
0x55: {  	v7 =	vld.idx.msk [tilespmem:v7+s13+$0x0], vm9  }
0x56: {  	v8 =	vld.idx.msk [tilespmem:v8+s13+$0x0], vm10;
	_ =	sdelay $0x2  }
0x57: {  	vm11 =	vle.f32 v5, v4  }
0x58: {  	vm0 =	vmand vm11, vm6;
	vm12 =	vle.f32 v7, v4  }
0x59: {  	v5 =	vsel vm0, $0x1, v0;
	vm1 =	vmand vm12, vm9;
	vm13 =	vle.f32 v8, v4  }
0x5a: {  	v5 =	vadd.s32 v5, v54;
	v4 =	vsel vm1, $0x1, v0;
	vm0 =	vmand vm13, vm10  }
0x5b: {  	v4 =	vadd.s32 v4, v5;
	v5 =	vsel vm0, $0x1, v0  }
0x5c: {  	v4 =	vadd.s32 v5, v4  }
0x5d: {  	vm14 =	vlt.s32 v4, $0x3FF;
	vm15 =	vlt.s32 v4, $0x400  }
0x5e: {  	p0 =	sne.s32 s11, $0x3E0;
	v4 =	vnsel vm14, $0x3FF, v4  }
.Ltmp1:
0x5f: {  	_ = 	snop;
	(pc) =	sbr.rel @p0 .LBB2_6-.Ltmp1, $2  }
0x60: {  	_ =	sdelay $0x2  }
0x61: {  	s7 =	sadd.s32 $0x100, s7;
	s11 =	sadd.s32 $0x20, s11;
	[tilespmem:v4+s0+$0x0] =	vst.idx.add.s32.msk vm15, v1  }
0x62: {  	v3 =	vld [tilespmem:s0+$0x0];
	_ =	sdelay $0x4  }
0x63: {  	(xrf0) =	vadd.scan.msk.s32 $0xffff, v3;
	_ =	sdelay $0x5  }
0x64: {  	v3, _, _ =	vpop (xrf0)  }
0x65: {  	v3 =	vadd.s32 s30, v3  }
0x66: {  	v4 =	vxor.u32 $0x80000000, v3;
	vm0 =	vlt.s32 v3, $0x3FF  }
0x67: {  	(xrf0) =	vmax.scan.msk.u32 $0xffff, v4;
	v4 =	vnsel vm0, $0x3FF, v3  }
0x68: {  	v5 =	vadd.s32 $0xFFFFFFFF, v4  }
0x69: {  	vm11 =	vgt.s32 v5, $0x0  }
0x6a: {  	v5 =	vnsel vm11, $0x0, v5  }
0x6b: {  	v7 =	vshll.u32 v5, $0x3  }
0x6c: {  	v6 =	vshll.u32 v4, $0x3;
	v5 =	vand.u32 $0x7F, v5;
	v7 =	vand.u32 $0xFFFFFC00, v7  }
0x6d: {  	v8 =	vand.u32 $0x7F, v4;
	v6 =	vand.u32 $0xFFFFFC00, v6;
	v5 =	vor.u32 v7, v5  }
0x6e: {  	s11 =	sand.u32 $0x60, s30;
	v6 =	vor.u32 v6, v8;
	v9, _, _ =	vpop (xrf0);
	v5 =	vor.u32 v2, v5  }
0x6f: {  	s7 =	sand.u32 $0x380, s30;
	s1 =	sor.u32 $0x10, s11;
	v6 =	vor.u32 v2, v6;
	(v2sf) =	vpush v9, $0xF  }
0x70: {  	s20 =	sor.u32 s7, s1  }
0x71: {  	s7 =	simm.s32 $0x6400;
	v56 =	vld [tilespmem:s20+$0x6000];
	[tilespmem:s0+$0x0] =	vst v0  }
0x72: {  	[tilespmem:s7+$0x0] =	vst v4  }
0x73: {  	v4 =	vld.idx.msk [tilespmem:v5+s6+$0x0], $0xffff  }
0x74: {  	v5 =	vld.idx.msk [tilespmem:v6+s6+$0x0], $0xffff;
	_ =	sdelay $0x2  }
0x75: {  	vm12 =	vgt.s32 v3, $0x0  }
0x76: {  	v3 =	vnsel vm12, $0x0, v4  }
0x77: {  	(xrf0) =	vadd.scan.msk.s32 $0xffff, v56;
	v3 =	vsub.f32 v5, v3;
	_ =	sdelay $0x1  }
0x78: {  	v4 =	vadd.f32 $1.000000010e-10, v3;
	_ =	sdelay $0x2  }
0x79: {  	s21 =	spop (v2sf)  }
0x7a: {  	(erf) = vrcp.f32 v4;
	s21 =	sxor.u32 $0x80000000, s21;
	v4, _, _ =	vpop (xrf0)  }
0x7b: {  	v4 =	vadd.s32 s21, v4  }
0x7c: {  	vm13 =	vlt.s32 v4, $0x3FF  }
0x7d: {  	v5 =	vnsel vm13, $0x3FF, v4  }
0x7e: {  	v57 =	vadd.s32 $0xFFFFFFFF, v5  }
0x7f: {  	v3 =	vadd.f32 v3, v3;
	vm14 =	vgt.s32 v57, $0x0  }
0x80: {  	v6 =	vnsel vm14, $0x0, v57  }
0x81: {  	v3 =	vadd.f32 $-9.765625000e-04, v3;
	v59 =	vshll.u32 v6, $0x3  }
0x82: {  	s19 =	sand.u32 $0x1C00, s30;
	v58 =	vshll.u32 v5, $0x3;
	v6 =	vand.u32 $0x7F, v6;
	v8 =	vand.u32 $0xFFFFFC00, v59  }
0x83: {  	s21 =	sadd.s32 s31, s19;
	v60 =	vand.u32 $0x7F, v5;
	v7 =	vand.u32 $0xFFFFFC00, v58;
	v61 =	vpop (erf);
	v6 =	vor.u32 v8, v6  }
0x84: {  	s21 =	sadd.s32 $0x4000, s21;
	v7 =	vor.u32 v7, v60;
	v3 =	vmul.f32 v61, v3;
	v6 =	vor.u32 v2, v6  }
0x85: {  	v62 =	vxor.u32 $0x80000000, v4;
	s11 =	sadd.s32 s11, s21;
	v7 =	vor.u32 v2, v7  }
0x86: {  	(xrf0) =	vmax.scan.msk.u32 $0xffff, v62;
	[tilespmem:s11+$0x0] =	vst v3  }
0x87: {  	[tilespmem:s20+$0x6000] =	vst v0  }
0x88: {  	[tilespmem:s20+$0x6400] =	vst v5  }
0x89: {  	v3 =	vld.idx.msk [tilespmem:v6+s6+$0x0], $0xffff  }
0x8a: {  	v5 =	vld.idx.msk [tilespmem:v7+s6+$0x0], $0xffff;
	_ =	sdelay $0x1  }
0x8b: {  	v63, _, _ =	vpop (xrf0)  }
0x8c: {  	vm15 =	vgt.s32 v4, $0x0;
	(v2sf) =	vpush v63, $0xF  }
0x8d: {  	v3 =	vnsel vm15, $0x0, v3  }
0x8e: {  	v3 =	vsub.f32 v5, v3;
	_ =	sdelay $0x1  }
0x8f: {  	v4 =	vadd.f32 $1.000000010e-10, v3;
	_ =	sdelay $0x1  }
0x90: {  	(erf) = vrcp.f32 v4;
	_ =	sdelay $0x5  }
0x91: {  	v3 =	vadd.f32 v3, v3;
	_ =	sdelay $0x1  }
0x92: {  	v3 =	vadd.f32 $-9.765625000e-04, v3  }
0x93: {  	s19 =	spop (v2sf);
	v4 =	vpop (erf)  }
0x94: {  	s1 =	sadd.s32 s1, s21;
	s11 =	simm.s32 $0x20;
	s20 =	sxor.u32 $0x80000000, s19;
	v3 =	vmul.f32 v4, v3  }
.LBB2_8:
0x95: {  	s30 =	sadd.s32 $0x100, s30;
	s0 =	sadd.s32 $0x20, s0;
	s7 =	sadd.s32 $0x20, s7  }
0x96: {  	p0 =	sne.s32 s11, $0x3E0;
	s21 =	smov.u32 s11;
	s11 =	sadd.s32 $0x20, s11;
	[tilespmem:s1+$0x0] =	vst v3  }
0x97: {  	v3 =	vld [tilespmem:s0+$0x0];
	_ =	sdelay $0x4  }
0x98: {  	(xrf0) =	vadd.scan.msk.s32 $0xffff, v3;
	_ =	sdelay $0x5  }
0x99: {  	v3, _, _ =	vpop (xrf0)  }
0x9a: {  	v3 =	vadd.s32 s20, v3  }
0x9b: {  	vm0 =	vlt.s32 v3, $0x3FF;
	v4 =	vxor.u32 $0x80000000, v3  }
0x9c: {  	v5 =	vnsel vm0, $0x3FF, v3;
	(xrf0) =	vmax.scan.msk.u32 $0xffff, v4  }
0x9d: {  	v4 =	vshll.u32 v5, $0x3;
	v6 =	vadd.s32 $0xFFFFFFFF, v5  }
0x9e: {  	v7 =	vand.u32 $0x7F, v5;
	v4 =	vand.u32 $0xFFFFFC00, v4;
	vm0 =	vgt.s32 v6, $0x0  }
0x9f: {  	v4 =	vor.u32 v4, v7;
	v6 =	vnsel vm0, $0x0, v6  }
0xa0: {  	v4 =	vor.u32 v2, v4;
	v9 =	vshll.u32 v6, $0x3  }
0xa1: {  	v6 =	vand.u32 $0x7F, v6;
	v8 =	vand.u32 $0xFFFFFC00, v9  }
0xa2: {  	s20 =	sand.u32 $0x60, s21;
	v6 =	vor.u32 v8, v6;
	v7, _, _ =	vpop (xrf0)  }
0xa3: {  	s21 =	sand.u32 $0x380, s21;
	s1 =	sor.u32 $0x10, s20;
	v6 =	vor.u32 v2, v6;
	(v2sf) =	vpush v7, $0xF  }
0xa4: {  	s21 =	sor.u32 s21, s1  }
0xa5: {  	v7 =	vld [tilespmem:s21+$0x6000]  }
0xa6: {  	[tilespmem:s0+$0x0] =	vst v0  }
0xa7: {  	[tilespmem:s7+$0x0] =	vst v5  }
0xa8: {  	v5 =	vld.idx.msk [tilespmem:v6+s6+$0x0], $0xffff  }
0xa9: {  	v4 =	vld.idx.msk [tilespmem:v4+s6+$0x0], $0xffff;
	_ =	sdelay $0x3  }
0xaa: {  	vm0 =	vgt.s32 v3, $0x0;
	(xrf0) =	vadd.scan.msk.s32 $0xffff, v7  }
0xab: {  	v3 =	vnsel vm0, $0x0, v5  }
0xac: {  	v3 =	vsub.f32 v4, v3;
	_ =	sdelay $0x1  }
0xad: {  	v4 =	vadd.f32 v3, v3;
	v5 =	vadd.f32 $1.000000010e-10, v3  }
0xae: {  	s19 =	spop (v2sf)  }
0xaf: {  	s19 =	sxor.u32 $0x80000000, s19;
	(erf) = vrcp.f32 v5;
	v3, _, _ =	vpop (xrf0)  }
0xb0: {  	v3 =	vadd.s32 s19, v3  }
0xb1: {  	vm0 =	vlt.s32 v3, $0x3FF;
	v5 =	vxor.u32 $0x80000000, v3  }
0xb2: {  	v6 =	vnsel vm0, $0x3FF, v3  }
0xb3: {  	v7 =	vshll.u32 v6, $0x3;
	v8 =	vadd.s32 $0xFFFFFFFF, v6;
	(xrf0) =	vmax.scan.msk.u32 $0xffff, v5  }
0xb4: {  	v5 =	vand.u32 $0x7F, v6;
	v7 =	vand.u32 $0xFFFFFC00, v7;
	vm0 =	vgt.s32 v8, $0x0  }
0xb5: {  	v5 =	vor.u32 v7, v5;
	v7 =	vnsel vm0, $0x0, v8  }
0xb6: {  	v10 =	vshll.u32 v7, $0x3  }
0xb7: {  	v4 =	vadd.f32 $-9.765625000e-04, v4;
	s19 =	sand.u32 $0x1C00, s30;
	v7 =	vand.u32 $0x7F, v7;
	v9 =	vand.u32 $0xFFFFFC00, v10  }
0xb8: {  	s19 =	sadd.s32 s31, s19;
	v7 =	vor.u32 v9, v7;
	v8 =	vpop (erf)  }
0xb9: {  	s19 =	sadd.s32 $0x4000, s19;
	v4 =	vmul.f32 v8, v4;
	v7 =	vor.u32 v2, v7;
	v8, _, _ =	vpop (xrf0)  }
0xba: {  	s20 =	sadd.s32 s20, s19;
	s1 =	sadd.s32 s1, s19;
	v5 =	vor.u32 v2, v5;
	(v2sf) =	vpush v8, $0xF  }
0xbb: {  	[tilespmem:s20+$0x0] =	vst v4  }
0xbc: {  	[tilespmem:s21+$0x6000] =	vst v0  }
0xbd: {  	[tilespmem:s21+$0x6400] =	vst v6  }
0xbe: {  	v4 =	vld.idx.msk [tilespmem:v7+s6+$0x0], $0xffff  }
0xbf: {  	v5 =	vld.idx.msk [tilespmem:v5+s6+$0x0], $0xffff;
	_ =	sdelay $0x2  }
0xc0: {  	vm0 =	vgt.s32 v3, $0x0;
	_ =	sdelay $0x1  }
0xc1: {  	v3 =	vnsel vm0, $0x0, v4  }
0xc2: {  	v3 =	vsub.f32 v5, v3;
	_ =	sdelay $0x1  }
0xc3: {  	v4 =	vadd.f32 v3, v3;
	v3 =	vadd.f32 $1.000000010e-10, v3;
	_ =	sdelay $0x1  }
0xc4: {  	(erf) = vrcp.f32 v3;
	s19 =	spop (v2sf)  }
0xc5: {  	s20 =	sxor.u32 $0x80000000, s19;
	_ =	sdelay $0x4  }
.Ltmp2:
0xc6: {  	(pc) =	sbr.rel @p0 .LBB2_8-.Ltmp2, $3  }
0xc7: {  	v3 =	vadd.f32 $-9.765625000e-04, v4;
	_ =	sdelay $0x1  }
0xc8: {  	v4 =	vpop (erf)  }
0xc9: {  	v3 =	vmul.f32 v4, v3  }
0xca: {  	_ = 	snop  }
0xcb: {  	[tilespmem:s1+$0x0] =	vst v3  }
0xcc: {  	_ =	swait.ge [sflag:s16], $0x8000  }
0xcd: {  	[sflag:s16] =	ssyncset.done $0x0  }
0xce: {  	[sflag:s16] =	ssyncadd.s32 $0xFFFF8000  }
0xcf: {  	s0 =	sor.u32 s23, s26;
	_ =	swait.ge [sflag:s16], $0x4000  }
0xd0: {  	p0 =	seq.s32 s0, $0x0;
	[sflag:s16] =	ssyncset.done $0x0  }
0xd1: {  	s0 =	simm.s32 @!p0 $0x2;
	[sflag:s16] =	ssyncadd.s32 $0xFFFFC000  }
0xd2: {  	_ =	swait.ge @!p0 [sflag:s0], $0x8000  }
0xd3: {  	[sflag:s0] =	ssyncset.done @!p0 $0x0  }
0xd4: {  	[sflag:s0] =	ssyncadd.s32 @!p0 $0xFFFF8000  }
0xd5: {  	_ =	swait.ge @!p0 [sflag:s0], $0x4000  }
0xd6: {  	s7 =	simm.s32 $0x6400;
	[sflag:s0] =	ssyncset.done @!p0 $0x0  }
0xd7: {  	s11 =	simm.s32 $0x0;
	[sflag:s0] =	ssyncadd.s32 @!p0 $0xFFFFC000;
	s0 =	simm.s32 $0x0  }
.LBB2_10:
0xd8: {  	v2 =	vld [tilespmem:s7+$0x0];
	_ =	sdelay $0x4  }
0xd9: {  	v3 =	vshll.u32 v2, $0x3  }
0xda: {  	v2 =	vand.u32 $0x7F, v2;
	v3 =	vand.u32 $0xFFFFFC00, v3  }
0xdb: {  	v2 =	vor.u32 v2, v3  }
0xdc: {  	v3 =	vor.u32 $0x80, v2  }
0xdd: {  	v4 =	vor.u32 $0x100, v2  }
0xde: {  	v5 =	vor.u32 $0x180, v2  }
0xdf: {  	v6 =	vor.u32 $0x200, v2  }
0xe0: {  	v8 =	vor.u32 $0x280, v2;
	v7 =	vld.idx.msk [tilespmem:v2+s14+$0x0], $0xffff  }
0xe1: {  	v10 =	vor.u32 $0x300, v2;
	v9 =	vld.idx.msk [tilespmem:v3+s14+$0x0], $0xffff  }
0xe2: {  	v12 =	vor.u32 $0x380, v2;
	v11 =	vld.idx.msk [tilespmem:v4+s14+$0x0], $0xffff  }
0xe3: {  	v14 =	vadd.s32 $0x2000, v2;
	v13 =	vld.idx.msk [tilespmem:v5+s14+$0x0], $0xffff  }
0xe4: {  	v16 =	vadd.s32 $0x2080, v2;
	v15 =	vld.idx.msk [tilespmem:v6+s14+$0x0], $0xffff  }
0xe5: {  	v18 =	vadd.s32 $0x2100, v2;
	v17 =	vld.idx.msk [tilespmem:v8+s14+$0x0], $0xffff  }
0xe6: {  	v20 =	vadd.s32 $0x2180, v2;
	v19 =	vld.idx.msk [tilespmem:v10+s14+$0x0], $0xffff  }
0xe7: {  	v22 =	vadd.s32 $0x2200, v2;
	v21 =	vld.idx.msk [tilespmem:v12+s14+$0x0], $0xffff  }
0xe8: {  	v24 =	vadd.s32 $0x2280, v2;
	v23 =	vld.idx.msk [tilespmem:v14+s14+$0x0], $0xffff  }
0xe9: {  	v26 =	vadd.s32 $0x2300, v2;
	v25 =	vld.idx.msk [tilespmem:v16+s14+$0x0], $0xffff  }
0xea: {  	v28 =	vadd.s32 $0x2380, v2;
	v27 =	vld.idx.msk [tilespmem:v18+s14+$0x0], $0xffff  }
0xeb: {  	v29 =	vld.idx.msk [tilespmem:v20+s14+$0x0], $0xffff  }
0xec: {  	v30 =	vld.idx.msk [tilespmem:v22+s14+$0x0], $0xffff  }
0xed: {  	s1 =	sand.u32 $0x70, s11;
	s19 =	sand.u32 $0x1C00, s0;
	v31 =	vld.idx.msk [tilespmem:v24+s14+$0x0], $0xffff  }
0xee: {  	s30 =	sor.u32 s1, s19;
	v32 =	vld.idx.msk [tilespmem:v26+s14+$0x0], $0xffff  }
0xef: {  	v33 =	vld.idx.msk [tilespmem:v28+s14+$0x0], $0xffff;
	[tilespmem:s30+$0x12800] =	vst v7  }
0xf0: {  	[tilespmem:s30+$0x12880] =	vst v9  }
0xf1: {  	[tilespmem:s30+$0x12900] =	vst v11  }
0xf2: {  	[tilespmem:s30+$0x12980] =	vst v13  }
0xf3: {  	[tilespmem:s30+$0x12A00] =	vst v15  }
0xf4: {  	s21 =	sor.u32 s11, s0;
	[tilespmem:s30+$0x12A80] =	vst v17  }
0xf5: {  	s31 =	sor.u32 $0x380, s21;
	[tilespmem:s30+$0x12B00] =	vst v19  }
0xf6: {  	[tilespmem:s31+$0x12800] =	vst v21  }
0xf7: {  	[tilespmem:s30+$0x14800] =	vst v23  }
0xf8: {  	[tilespmem:s30+$0x14880] =	vst v25  }
0xf9: {  	[tilespmem:s30+$0x14900] =	vst v27  }
0xfa: {  	v43 =	vadd.s32 $0x4000, v2;
	[tilespmem:s30+$0x14980] =	vst v29  }
0xfb: {  	v44 =	vadd.s32 $0x4080, v2;
	[tilespmem:s30+$0x14A00] =	vst v30  }
0xfc: {  	v45 =	vadd.s32 $0x4100, v2;
	[tilespmem:s30+$0x14A80] =	vst v31  }
0xfd: {  	s20 =	sor.u32 $0x2380, s21;
	v46 =	vadd.s32 $0x4180, v2;
	[tilespmem:s30+$0x14B00] =	vst v32  }
0xfe: {  	v47 =	vadd.s32 $0x4200, v2;
	[tilespmem:s20+$0x12800] =	vst v33  }
0xff: {  	v48 =	vadd.s32 $0x4280, v2;
	v7 =	vld.idx.msk [tilespmem:v43+s14+$0x0], $0xffff  }
0x100: {  	v49 =	vadd.s32 $0x4300, v2;
	v9 =	vld.idx.msk [tilespmem:v44+s14+$0x0], $0xffff  }
0x101: {  	v50 =	vadd.s32 $0x4380, v2;
	v11 =	vld.idx.msk [tilespmem:v45+s14+$0x0], $0xffff  }
0x102: {  	v51 =	vadd.s32 $0x6000, v2;
	v13 =	vld.idx.msk [tilespmem:v46+s14+$0x0], $0xffff  }
0x103: {  	v52 =	vadd.s32 $0x6080, v2;
	v15 =	vld.idx.msk [tilespmem:v47+s14+$0x0], $0xffff  }
0x104: {  	v53 =	vadd.s32 $0x6100, v2;
	v17 =	vld.idx.msk [tilespmem:v48+s14+$0x0], $0xffff  }
0x105: {  	v54 =	vadd.s32 $0x6180, v2;
	v19 =	vld.idx.msk [tilespmem:v49+s14+$0x0], $0xffff  }
0x106: {  	v55 =	vadd.s32 $0x6200, v2;
	v21 =	vld.idx.msk [tilespmem:v50+s14+$0x0], $0xffff  }
0x107: {  	v56 =	vadd.s32 $0x6280, v2;
	v23 =	vld.idx.msk [tilespmem:v51+s14+$0x0], $0xffff  }
0x108: {  	v57 =	vadd.s32 $0x6300, v2;
	v25 =	vld.idx.msk [tilespmem:v52+s14+$0x0], $0xffff  }
0x109: {  	v58 =	vadd.s32 $0x6380, v2;
	v27 =	vld.idx.msk [tilespmem:v53+s14+$0x0], $0xffff  }
0x10a: {  	v29 =	vld.idx.msk [tilespmem:v54+s14+$0x0], $0xffff  }
0x10b: {  	v30 =	vld.idx.msk [tilespmem:v55+s14+$0x0], $0xffff  }
0x10c: {  	v31 =	vld.idx.msk [tilespmem:v56+s14+$0x0], $0xffff  }
0x10d: {  	v32 =	vld.idx.msk [tilespmem:v57+s14+$0x0], $0xffff  }
0x10e: {  	v33 =	vld.idx.msk [tilespmem:v58+s14+$0x0], $0xffff;
	[tilespmem:s30+$0x16800] =	vst v7  }
0x10f: {  	[tilespmem:s30+$0x16880] =	vst v9  }
0x110: {  	[tilespmem:s30+$0x16900] =	vst v11  }
0x111: {  	[tilespmem:s30+$0x16980] =	vst v13  }
0x112: {  	[tilespmem:s30+$0x16A00] =	vst v15  }
0x113: {  	[tilespmem:s30+$0x16A80] =	vst v17  }
0x114: {  	[tilespmem:s30+$0x16B00] =	vst v19  }
0x115: {  	[tilespmem:s30+$0x16B80] =	vst v21  }
0x116: {  	[tilespmem:s30+$0x18800] =	vst v23  }
0x117: {  	[tilespmem:s30+$0x18880] =	vst v25  }
0x118: {  	[tilespmem:s30+$0x18900] =	vst v27  }
0x119: {  	[tilespmem:s30+$0x18980] =	vst v29  }
0x11a: {  	[tilespmem:s30+$0x18A00] =	vst v30  }
0x11b: {  	[tilespmem:s30+$0x18A80] =	vst v31  }
0x11c: {  	[tilespmem:s30+$0x18B00] =	vst v32  }
0x11d: {  	[tilespmem:s30+$0x18B80] =	vst v33  }
0x11e: {  	v2 =	vld.idx.msk [tilespmem:v2+s15+$0x0], $0xffff  }
0x11f: {  	v3 =	vld.idx.msk [tilespmem:v3+s15+$0x0], $0xffff  }
0x120: {  	v4 =	vld.idx.msk [tilespmem:v4+s15+$0x0], $0xffff  }
0x121: {  	v5 =	vld.idx.msk [tilespmem:v5+s15+$0x0], $0xffff  }
0x122: {  	v6 =	vld.idx.msk [tilespmem:v6+s15+$0x0], $0xffff  }
0x123: {  	v7 =	vld.idx.msk [tilespmem:v8+s15+$0x0], $0xffff  }
0x124: {  	v59 =	vld.idx.msk [tilespmem:v10+s15+$0x0], $0xffff  }
0x125: {  	v9 =	vld.idx.msk [tilespmem:v12+s15+$0x0], $0xffff  }
0x126: {  	v60 =	vld.idx.msk [tilespmem:v14+s15+$0x0], $0xffff  }
0x127: {  	v11 =	vld.idx.msk [tilespmem:v16+s15+$0x0], $0xffff  }
0x128: {  	v61 =	vld.idx.msk [tilespmem:v18+s15+$0x0], $0xffff  }
0x129: {  	v13 =	vld.idx.msk [tilespmem:v20+s15+$0x0], $0xffff  }
0x12a: {  	v62 =	vld.idx.msk [tilespmem:v22+s15+$0x0], $0xffff  }
0x12b: {  	v15 =	vld.idx.msk [tilespmem:v24+s15+$0x0], $0xffff  }
0x12c: {  	v63 =	vld.idx.msk [tilespmem:v26+s15+$0x0], $0xffff  }
0x12d: {  	v17 =	vld.idx.msk [tilespmem:v28+s15+$0x0], $0xffff;
	[tilespmem:s30+$0x1A800] =	vst v2  }
0x12e: {  	[tilespmem:s30+$0x1A880] =	vst v3  }
0x12f: {  	[tilespmem:s30+$0x1A900] =	vst v4  }
0x130: {  	[tilespmem:s30+$0x1A980] =	vst v5  }
0x131: {  	[tilespmem:s30+$0x1AA00] =	vst v6  }
0x132: {  	[tilespmem:s30+$0x1AA80] =	vst v7  }
0x133: {  	[tilespmem:s30+$0x1AB00] =	vst v59  }
0x134: {  	[tilespmem:s31+$0x1A800] =	vst v9  }
0x135: {  	[tilespmem:s30+$0x1C800] =	vst v60  }
0x136: {  	[tilespmem:s30+$0x1C880] =	vst v11  }
0x137: {  	p0 =	sne.s32 s11, $0x3F0;
	[tilespmem:s30+$0x1C900] =	vst v61  }
.Ltmp3:
0x138: {  	[tilespmem:s30+$0x1C980] =	vst v13;
	(pc) =	sbr.rel @p0 .LBB2_10-.Ltmp3, $4  }
0x139: {  	[tilespmem:s30+$0x1CA00] =	vst v62  }
0x13a: {  	[tilespmem:s30+$0x1CA80] =	vst v15  }
0x13b: {  	[tilespmem:s30+$0x1CB00] =	vst v63  }
0x13c: {  	s0 =	sadd.s32 $0x80, s0;
	s7 =	sadd.s32 $0x10, s7;
	s11 =	sadd.s32 $0x10, s11;
	[tilespmem:s20+$0x1A800] =	vst v17  }
0x13d: {  	s26 =	sadd.s32 $0x1, s26  }
0x13e: {  	p0 =	sne.s32 s26, $0x8  }
.Ltmp4:
0x13f: {  	_ = 	snop;
	(pc) =	sbr.rel @p0 .LBB2_5-.Ltmp4, $4  }
0x140: {  	s0 =	sadd.s32 s4, s28  }
0x141: {  	[hbm4b:s0+s6] =	stream.linear.scatter [tilespmem:s17], [sflag:$0x2], $0x8000, $0x38;
	[tilespmem:$0x1E800] =	vst v63  }
0x142: {  	s31 =	sadd.s32 s5, s29  }
0x143: {  	[hbm4b:s31+s6] =	stream.linear.scatter [tilespmem:s18], [sflag:$0x2], $0x4000, $0x38;
	[tilespmem:$0x1E800] =	vst v63  }
0x144: {  	s23 =	sadd.s32 $0x1, s23  }
0x145: {  	p0 =	sne.s32 s23, $0x4  }
.Ltmp5:
0x146: {  	s0 =	sadd.s32 s9, s24;
	s1 =	simm.s32 $0x4000;
	(pc) =	sbr.rel @p0 .LBB2_4-.Ltmp5, $4  }
0x147: {  	[hbm4b:s0+s6] =	stream.linear.scatter [tilespmem:s1], [sflag:$0x3], $0x2000, $0x38;
	[tilespmem:$0x1E800] =	vst v63  }
0x148: {  	_ =	swait.ge [sflag:s12], $0x2000  }
0x149: {  	[sflag:s12] =	ssyncset.done $0x0  }
0x14a: {  	[sflag:s12] =	ssyncadd.s32 $0xFFFFE000  }
0x14b: {  	s1 =	simm.s32 $0x2  }
0x14c: {  	_ =	swait.ge [sflag:s1], $0x8000  }
0x14d: {  	[sflag:s1] =	ssyncset.done $0x0  }
0x14e: {  	[sflag:s1] =	ssyncadd.s32 $0xFFFF8000  }
0x14f: {  	_ =	swait.ge [sflag:s1], $0x4000  }
0x150: {  	s7 =	rddreg [dreg:$0x8]  }
0x151: {  	s0 =	rddreg [dreg:$0x7];
	s7 =	sadd.s32 $0x1, s7  }
0x152: {  	p0 =	sne.s32 s7, s0  }
.Ltmp6:
0x153: {  	_ = 	snop;
	(pc) =	sbr.rel @p0 .LBB2_1-.Ltmp6, $3  }
0x154: {  	_ =	sdelay $0x1  }
0x155: {  	[sflag:s1] =	ssyncset.done $0x0  }
0x156: {  	[sflag:s1] =	ssyncadd.s32 $0xFFFFC000  }
0x157: {  	_ =	sfence.sel $0x180000  }
0x158: {  	[bflag:$0x0] =	sbarrier.arrive $0xFFFF  }
0x159: {  	_ =	strace $0x90000047  }
0x15a: {  	s0 =	stileid.u32;
	[bflag:$0x2] =	sbarrier.arrive $0xFFFF  }
0x15b: {  	p0 =	sne.s32 s0, $0x0;
	s0 =	rddreg [dreg:$0x6]  }
0x15c: {  	s0 =	sadd.s32 @!p0 $0x100000, s0  }
0x15d: {  	[sflag:s0] =	ssyncadd.tile.s32 @!p0 $0x1;
	_ =	shalt  }
.Lfunc_end2:
_tile_overlayer_lowered:
.L_overlay_start_2:
0x15e: {  	(tag) =	ssettag $0x2  }
0x15f: {  	s0 =	rddreg [dreg:$0x0];
	s2 =	stileid.u32  }
0x160: {  	s1 =	rddreg [dreg:$0x1];
	p0 =	sne.s32 s2, $0x0  }
0x161: {  	s3 =	rddreg [dreg:$0x2];
	[bflag:$0x3] =	sbarrier.arrive $0xFFFF;
	s2 =	simm.s32 @!p0 $0x1C03  }
0x162: {  	[timem:s3], [sflag:s2] =	dma.local @!p0 [hbm:s0], s1  }
0x163: {  	s0 =	simm.s32 @!p0 $0x3  }
0x164: {  	_ =	swait.ge @!p0 [sflag:s0], s1  }
0x165: {  	s1 =	ssub.s32 @!p0 $0x0, s1;
	[sflag:s0] =	ssyncset.done @!p0 $0x0  }
0x166: {  	[sflag:s0] =	ssyncadd.s32 @!p0 s1  }
0x167: {  	[bflag:$0x3] =	sbarrier.arrive $0xFFFF  }
0x168: {  	_ =	shalt  }

</sc_bundles>
